<compile_context>
chip_gen: v7x
topology: tpu7x:2x2x1
jax: 0.10.2.dev20260603
libtpu: 0.0.44.dev20260713+nightly
codegen_flags: <defaults>
</compile_context>

<pallas_src>
import functools

import jax
import jax.numpy as jnp
from jax import lax
from jax.experimental import pallas as pl
from jax.experimental.pallas import tpu as pltpu
from jax.experimental.pallas import tpu_sc as plsc

N_SEG = 512
TILE = 8192
NSC = 16
LANES = 16
ACC = N_SEG + LANES


def _tc_body(x_ref, el_ref, w1t_ref, b1_ref, w2t_ref, b2_ref, e_ref):
    x = x_ref[...]
    h = jnp.dot(w1t_ref[...], x, preferred_element_type=jnp.float32)
    t = jnp.tanh(h + b1_ref[...])
    ev = jnp.dot(w2t_ref[...], t, preferred_element_type=jnp.float32)
    el = el_ref[...]
    dress = (
        jnp.where(el == 1, jnp.float32(-0.5), jnp.float32(0.0))
        + jnp.where(el == 8, jnp.float32(-75.0), jnp.float32(0.0))
    )
    e_ref[...] = jnp.reshape(ev + b2_ref[...], (TILE,)) + dress


def _per_atom_energy(coord, elems1, W1t, b1c, W2t, b2c, n_pad):
    hidden = W1t.shape[0]
    grid = n_pad // TILE
    out = pl.pallas_call(
        _tc_body,
        grid=(grid,),
        in_specs=[
            pl.BlockSpec((3, TILE), lambda i: (0, i)),
            pl.BlockSpec((TILE,), lambda i: (i,)),
            pl.BlockSpec((hidden, 3), lambda i: (0, 0)),
            pl.BlockSpec((hidden, 1), lambda i: (0, 0)),
            pl.BlockSpec((1, hidden), lambda i: (0, 0)),
            pl.BlockSpec((1, 1), lambda i: (0, 0)),
        ],
        out_specs=pl.BlockSpec((TILE,), lambda i: (i,)),
        out_shape=jax.ShapeDtypeStruct((n_pad,), jnp.float32),
    )(coord, elems1, W1t, b1c, W2t, b2c)
    return out


def _sc_body(e_hbm, ids_hbm, out_hbm, e_v, ids_v, acc_v, shared, big_v, tot_v):
    chunk = e_v.shape[0]
    wid = lax.axis_index("s")
    base = wid * chunk
    pltpu.sync_copy(e_hbm.at[pl.ds(base, chunk)], e_v)
    pltpu.sync_copy(ids_hbm.at[pl.ds(base, chunk)], ids_v.at[pl.ds(0, chunk)])

    zero = jnp.zeros((LANES,), jnp.float32)
    for j in range(ACC // LANES):
        acc_v[pl.ds(j * LANES, LANES)] = zero

    iota = lax.iota(jnp.int32, LANES)
    last = LANES - 1

    UNROLL = 8

    def scatter_step(j, carry):
        for u in range(UNROLL):
            off = (j * UNROLL + u) * LANES
            idc = ids_v[pl.ds(off, LANES)]
            idn = ids_v[pl.ds(off + 1, LANES)]
            val = e_v[pl.ds(off, LANES)]
            p = plsc.cumsum(val)
            bnd = (idc != idn) & (iota < last)
            end_mask = bnd | (iota == last)
            plsc.addupdate_scatter(acc_v, [idc], p, mask=end_mask)
            plsc.addupdate_scatter(acc_v, [idn], -p, mask=bnd)
        return carry

    lax.fori_loop(0, chunk // (LANES * UNROLL), scatter_step, 0)

    pltpu.sync_copy(acc_v, shared.at[pl.ds(wid * ACC, ACC)])
    plsc.subcore_barrier()

    @pl.when(wid == 0)
    def _():
        pltpu.sync_copy(shared, big_v)
        for ch in range(N_SEG // LANES):
            s16 = big_v[pl.ds(ch * LANES, LANES)]
            for r in range(1, NSC):
                s16 = s16 + big_v[pl.ds(r * ACC + ch * LANES, LANES)]
            tot_v[pl.ds(ch * LANES, LANES)] = s16
        pltpu.sync_copy(tot_v, out_hbm)


def _segment_sum_sc(e_p, ids_p):
    n_pad = e_p.shape[0]
    chunk = n_pad // NSC
    mesh = plsc.VectorSubcoreMesh(
        core_axis_name="c", subcore_axis_name="s", num_cores=1
    )
    run = functools.partial(
        pl.kernel,
        out_type=jax.ShapeDtypeStruct((N_SEG,), jnp.float32),
        mesh=mesh,
        compiler_params=pltpu.CompilerParams(needs_layout_passes=False),
        scratch_types=[
            pltpu.VMEM((chunk,), jnp.float32),
            pltpu.VMEM((chunk + LANES,), jnp.int32),
            pltpu.VMEM((ACC,), jnp.float32),
            pltpu.VMEM_SHARED((NSC * ACC,), jnp.float32),
            pltpu.VMEM((NSC * ACC,), jnp.float32),
            pltpu.VMEM((N_SEG,), jnp.float32),
        ],
    )(_sc_body)
    return run(e_p, ids_p)


def kernel(ind_1, elems, coord, W1, b1, W2, b2):
    n = coord.shape[0]
    ids2 = ind_1[:, :1] if ind_1.ndim == 2 else ind_1.reshape(-1, 1)
    n_pad = -(-n // TILE) * TILE
    pad = n_pad - n
    coordT = coord.T
    elems1 = elems.astype(jnp.int32)
    ids_p = jnp.pad(
        ids2.astype(jnp.int32), ((0, pad), (0, 0)), constant_values=N_SEG
    ).reshape(-1)
    e_p = _per_atom_energy(
        coordT, elems1, W1.T, b1.reshape(-1, 1), W2.T, b2.reshape(1, 1), n_pad
    )
    return _segment_sum_sc(e_p, ids_p)

# --- scband reference (transcript-rebuilt; emitter-appended) ---
"""Pipeline reference for scband-pi-net-potential-torch-59511066853641 (READ-ONLY COPY).

The authoritative reference and input builder live on the scoring server;
editing this copy changes nothing except your own understanding.
"""

import jax, jax.numpy as jnp
import numpy as np

N_ATOMS = 100000
N_STRUCT = 512
HIDDEN = 256
E_DRESS = {1: -0.5, 8: -75.0}
E_SCALE = 1.0
E_UNIT = 1.0


def setup_inputs(seed: int = 0) -> dict:
    key = jax.random.key(seed)
    k1, k2, k3, k4, k5, k6, k7 = jax.random.split(key, 7)
    ind_1 = jnp.sort(jax.random.randint(k1, (N_ATOMS, 1), 0, N_STRUCT, dtype=jnp.int64 if jax.config.jax_enable_x64 else jnp.int32), axis=0)
    elems = jax.random.randint(k2, (N_ATOMS,), 0, 10, dtype=jnp.int64 if jax.config.jax_enable_x64 else jnp.int32)
    coord = jax.random.normal(k3, (N_ATOMS, 3), dtype=jnp.float32)
    # Stand-in for the opaque PiNetTorch network: 2-layer MLP producing per-atom energies
    W1 = jax.random.normal(k4, (3, HIDDEN), dtype=jnp.float32) * 0.1
    b1 = jnp.zeros((HIDDEN,), dtype=jnp.float32)
    W2 = jax.random.normal(k5, (HIDDEN, 1), dtype=jnp.float32) * 0.1
    b2 = jnp.zeros((1,), dtype=jnp.float32)
    return {"ind_1": ind_1, "elems": elems, "coord": coord, "W1": W1, "b1": b1, "W2": W2, "b2": b2}


def reference(ind_1, elems, coord, W1, b1, W2, b2):
    # network(tensors) -> per-atom energy contributions
    h = jnp.tanh(coord @ W1 + b1)
    per_atom = (h @ W2 + b2)[:, 0]
    # batch = ind_1[:, 0] (ind_1 is (n_atoms, k>=1))
    batch = ind_1[:, 0] if ind_1.ndim == 2 else ind_1
    # E.index_add_(0, batch, per_atom)  -> segment_sum
    E = jax.ops.segment_sum(per_atom, batch, num_segments=N_STRUCT)
    # per-atom energy dressing
    dress_pa = jnp.zeros_like(per_atom)
    for Z, val in E_DRESS.items():
        dress_pa = dress_pa + (elems == Z).astype(per_atom.dtype) * val
    dress_E = jax.ops.segment_sum(dress_pa, batch, num_segments=N_STRUCT)
    E = E + dress_E
    return E * E_SCALE * E_UNIT

if __name__ == "__main__":
    import jax
    _d = setup_inputs()
    print(jax.jit(kernel)(*tuple(_d.values())))

</pallas_src>

<mosaic_0001>
#map = affine_map<(d0, d1) -> (0)>
module attributes {stable_mosaic.version = 14 : i64} {
  func.func @_sc_body(%arg0: i32, %arg1: i32, %arg2: memref<106496xf32, #tpu.memory_space<hbm>>, %arg3: memref<106496xi32, #tpu.memory_space<hbm>>, %arg4: memref<512xf32, #tpu.memory_space<hbm>>, %arg5: memref<6656xf32, #tpu.memory_space<vmem>>, %arg6: memref<6672xi32, #tpu.memory_space<vmem>>, %arg7: memref<528xf32, #tpu.memory_space<vmem>>, %arg8: memref<8448xf32, #tpu.memory_space<vmem_shared>>, %arg9: memref<8448xf32, #tpu.memory_space<vmem>>, %arg10: memref<512xf32, #tpu.memory_space<vmem>>) attributes {dimension_semantics = [#tpu.dimension_semantics<core_parallel>, #tpu.dimension_semantics<subcore_parallel>], iteration_bounds = array<i64: 1, 16>, scalar_prefetch = 0 : i64, scratch_operands = 6 : i64, tpu.core_type = #tpu.core_type<sc_vector_subcore>, window_params = [{transform_indices = #map}, {transform_indices = #map}, {transform_indices = #map}]} {
    %mul3A = arith.constant 6656 : i32
    %mul3A_0 = arith.muli %arg1, %mul3A : i32
    "tpu.region"() ({
      %run_scoped3A = tpu.sem_alloc : memref<!tpu.dma_semaphore, #tpu.memory_space<semaphore_mem>>
      %dma_start3A = tpu.memref_slice %arg2[%mul3A_0] : memref<106496xf32, #tpu.memory_space<hbm>> -> memref<6656xf32, #tpu.memory_space<hbm>>
      %dma_start3A_76 = tpu.memref_slice %arg2[%mul3A_0] : memref<106496xf32, #tpu.memory_space<hbm>> -> memref<6656xf32, #tpu.memory_space<hbm>>
      tpu.enqueue_dma source(%dma_start3A_76 : memref<6656xf32, #tpu.memory_space<hbm>>) target(%arg5 : memref<6656xf32, #tpu.memory_space<vmem>>) target_semaphore(%run_scoped3A : memref<!tpu.dma_semaphore, #tpu.memory_space<semaphore_mem>>)
      %dma_wait3A = tpu.memref_slice %arg2[%mul3A_0] : memref<106496xf32, #tpu.memory_space<hbm>> -> memref<6656xf32, #tpu.memory_space<hbm>>
      %dma_wait3A_77 = tpu.memref_slice %arg2[%mul3A_0] : memref<106496xf32, #tpu.memory_space<hbm>> -> memref<6656xf32, #tpu.memory_space<hbm>>
      tpu.wait_dma2 semaphore(%run_scoped3A : memref<!tpu.dma_semaphore, #tpu.memory_space<semaphore_mem>>) src(%dma_wait3A_77 : memref<6656xf32, #tpu.memory_space<hbm>>) dst(%arg5 : memref<6656xf32, #tpu.memory_space<vmem>>)
      tpu.yield
    }) : () -> ()
    "tpu.region"() ({
      %run_scoped3A = tpu.sem_alloc : memref<!tpu.dma_semaphore, #tpu.memory_space<semaphore_mem>>
      %dma_start3A = arith.constant 0 : i32
      %dma_start3A_76 = tpu.memref_slice %arg6[%dma_start3A] : memref<6672xi32, #tpu.memory_space<vmem>> -> memref<6656xi32, #tpu.memory_space<vmem>>
      %dma_start3A_77 = tpu.memref_slice %arg3[%mul3A_0] : memref<106496xi32, #tpu.memory_space<hbm>> -> memref<6656xi32, #tpu.memory_space<hbm>>
      %dma_start3A_78 = arith.constant 0 : i32
      %dma_start3A_79 = tpu.memref_slice %arg6[%dma_start3A_78] : memref<6672xi32, #tpu.memory_space<vmem>> -> memref<6656xi32, #tpu.memory_space<vmem>>
      %dma_start3A_80 = tpu.memref_slice %arg3[%mul3A_0] : memref<106496xi32, #tpu.memory_space<hbm>> -> memref<6656xi32, #tpu.memory_space<hbm>>
      tpu.enqueue_dma source(%dma_start3A_80 : memref<6656xi32, #tpu.memory_space<hbm>>) target(%dma_start3A_79 : memref<6656xi32, #tpu.memory_space<vmem>>) target_semaphore(%run_scoped3A : memref<!tpu.dma_semaphore, #tpu.memory_space<semaphore_mem>>)
      %dma_wait3A = arith.constant 0 : i32
      %dma_wait3A_81 = tpu.memref_slice %arg6[%dma_wait3A] : memref<6672xi32, #tpu.memory_space<vmem>> -> memref<6656xi32, #tpu.memory_space<vmem>>
      %dma_wait3A_82 = tpu.memref_slice %arg3[%mul3A_0] : memref<106496xi32, #tpu.memory_space<hbm>> -> memref<6656xi32, #tpu.memory_space<hbm>>
      %dma_wait3A_83 = arith.constant 0 : i32
      %dma_wait3A_84 = tpu.memref_slice %arg6[%dma_wait3A_83] : memref<6672xi32, #tpu.memory_space<vmem>> -> memref<6656xi32, #tpu.memory_space<vmem>>
      %dma_wait3A_85 = tpu.memref_slice %arg3[%mul3A_0] : memref<106496xi32, #tpu.memory_space<hbm>> -> memref<6656xi32, #tpu.memory_space<hbm>>
      tpu.wait_dma2 semaphore(%run_scoped3A : memref<!tpu.dma_semaphore, #tpu.memory_space<semaphore_mem>>) src(%dma_wait3A_85 : memref<6656xi32, #tpu.memory_space<hbm>>) dst(%dma_wait3A_84 : memref<6656xi32, #tpu.memory_space<vmem>>)
      tpu.yield
    }) : () -> ()
    %broadcast_in_dim3A = arith.constant 0.000000e+00 : f32
    %broadcast_in_dim3A_1 = vector.broadcast %broadcast_in_dim3A : f32 to vector<16xf32>
    %swap3A = arith.constant 0 : index
    %swap3A_2 = tpu.vector_load %arg7[%swap3A] {strides = array<i32>} : memref<528xf32, #tpu.memory_space<vmem>>, vector<16xf32>,
    tpu.vector_store %arg7[%swap3A], %broadcast_in_dim3A_1 {strides = array<i32>} : memref<528xf32, #tpu.memory_space<vmem>>, vector<16xf32>,
    %swap3A_3 = arith.constant 16 : index
    %swap3A_4 = tpu.vector_load %arg7[%swap3A_3] {strides = array<i32>} : memref<528xf32, #tpu.memory_space<vmem>>, vector<16xf32>,
    tpu.vector_store %arg7[%swap3A_3], %broadcast_in_dim3A_1 {strides = array<i32>} : memref<528xf32, #tpu.memory_space<vmem>>, vector<16xf32>,
    %swap3A_5 = arith.constant 32 : index
    %swap3A_6 = tpu.vector_load %arg7[%swap3A_5] {strides = array<i32>} : memref<528xf32, #tpu.memory_space<vmem>>, vector<16xf32>,
    tpu.vector_store %arg7[%swap3A_5], %broadcast_in_dim3A_1 {strides = array<i32>} : memref<528xf32, #tpu.memory_space<vmem>>, vector<16xf32>,
    %swap3A_7 = arith.constant 48 : index
    %swap3A_8 = tpu.vector_load %arg7[%swap3A_7] {strides = array<i32>} : memref<528xf32, #tpu.memory_space<vmem>>, vector<16xf32>,
    tpu.vector_store %arg7[%swap3A_7], %broadcast_in_dim3A_1 {strides = array<i32>} : memref<528xf32, #tpu.memory_space<vmem>>, vector<16xf32>,
    %swap3A_9 = arith.constant 64 : index
    %swap3A_10 = tpu.vector_load %arg7[%swap3A_9] {strides = array<i32>} : memref<528xf32, #tpu.memory_space<vmem>>, vector<16xf32>,
    tpu.vector_store %arg7[%swap3A_9], %broadcast_in_dim3A_1 {strides = array<i32>} : memref<528xf32, #tpu.memory_space<vmem>>, vector<16xf32>,
    %swap3A_11 = arith.constant 80 : index
    %swap3A_12 = tpu.vector_load %arg7[%swap3A_11] {strides = array<i32>} : memref<528xf32, #tpu.memory_space<vmem>>, vector<16xf32>,
    tpu.vector_store %arg7[%swap3A_11], %broadcast_in_dim3A_1 {strides = array<i32>} : memref<528xf32, #tpu.memory_space<vmem>>, vector<16xf32>,
    %swap3A_13 = arith.constant 96 : index
    %swap3A_14 = tpu.vector_load %arg7[%swap3A_13] {strides = array<i32>} : memref<528xf32, #tpu.memory_space<vmem>>, vector<16xf32>,
    tpu.vector_store %arg7[%swap3A_13], %broadcast_in_dim3A_1 {strides = array<i32>} : memref<528xf32, #tpu.memory_space<vmem>>, vector<16xf32>,
    %swap3A_15 = arith.constant 112 : index
    %swap3A_16 = tpu.vector_load %arg7[%swap3A_15] {strides = array<i32>} : memref<528xf32, #tpu.memory_space<vmem>>, vector<16xf32>,
    tpu.vector_store %arg7[%swap3A_15], %broadcast_in_dim3A_1 {strides = array<i32>} : memref<528xf32, #tpu.memory_space<vmem>>, vector<16xf32>,
    %swap3A_17 = arith.constant 128 : index
    %swap3A_18 = tpu.vector_load %arg7[%swap3A_17] {strides = array<i32>} : memref<528xf32, #tpu.memory_space<vmem>>, vector<16xf32>,
    tpu.vector_store %arg7[%swap3A_17], %broadcast_in_dim3A_1 {strides = array<i32>} : memref<528xf32, #tpu.memory_space<vmem>>, vector<16xf32>,
    %swap3A_19 = arith.constant 144 : index
    %swap3A_20 = tpu.vector_load %arg7[%swap3A_19] {strides = array<i32>} : memref<528xf32, #tpu.memory_space<vmem>>, vector<16xf32>,
    tpu.vector_store %arg7[%swap3A_19], %broadcast_in_dim3A_1 {strides = array<i32>} : memref<528xf32, #tpu.memory_space<vmem>>, vector<16xf32>,
    %swap3A_21 = arith.constant 160 : index
    %swap3A_22 = tpu.vector_load %arg7[%swap3A_21] {strides = array<i32>} : memref<528xf32, #tpu.memory_space<vmem>>, vector<16xf32>,
    tpu.vector_store %arg7[%swap3A_21], %broadcast_in_dim3A_1 {strides = array<i32>} : memref<528xf32, #tpu.memory_space<vmem>>, vector<16xf32>,
    %swap3A_23 = arith.constant 176 : index
    %swap3A_24 = tpu.vector_load %arg7[%swap3A_23] {strides = array<i32>} : memref<528xf32, #tpu.memory_space<vmem>>, vector<16xf32>,
    tpu.vector_store %arg7[%swap3A_23], %broadcast_in_dim3A_1 {strides = array<i32>} : memref<528xf32, #tpu.memory_space<vmem>>, vector<16xf32>,
    %swap3A_25 = arith.constant 192 : index
    %swap3A_26 = tpu.vector_load %arg7[%swap3A_25] {strides = array<i32>} : memref<528xf32, #tpu.memory_space<vmem>>, vector<16xf32>,
    tpu.vector_store %arg7[%swap3A_25], %broadcast_in_dim3A_1 {strides = array<i32>} : memref<528xf32, #tpu.memory_space<vmem>>, vector<16xf32>,
    %swap3A_27 = arith.constant 208 : index
    %swap3A_28 = tpu.vector_load %arg7[%swap3A_27] {strides = array<i32>} : memref<528xf32, #tpu.memory_space<vmem>>, vector<16xf32>,
    tpu.vector_store %arg7[%swap3A_27], %broadcast_in_dim3A_1 {strides = array<i32>} : memref<528xf32, #tpu.memory_space<vmem>>, vector<16xf32>,
    %swap3A_29 = arith.constant 224 : index
    %swap3A_30 = tpu.vector_load %arg7[%swap3A_29] {strides = array<i32>} : memref<528xf32, #tpu.memory_space<vmem>>, vector<16xf32>,
    tpu.vector_store %arg7[%swap3A_29], %broadcast_in_dim3A_1 {strides = array<i32>} : memref<528xf32, #tpu.memory_space<vmem>>, vector<16xf32>,
    %swap3A_31 = arith.constant 240 : index
    %swap3A_32 = tpu.vector_load %arg7[%swap3A_31] {strides = array<i32>} : memref<528xf32, #tpu.memory_space<vmem>>, vector<16xf32>,
    tpu.vector_store %arg7[%swap3A_31], %broadcast_in_dim3A_1 {strides = array<i32>} : memref<528xf32, #tpu.memory_space<vmem>>, vector<16xf32>,
    %swap3A_33 = arith.constant 256 : index
    %swap3A_34 = tpu.vector_load %arg7[%swap3A_33] {strides = array<i32>} : memref<528xf32, #tpu.memory_space<vmem>>, vector<16xf32>,
    tpu.vector_store %arg7[%swap3A_33], %broadcast_in_dim3A_1 {strides = array<i32>} : memref<528xf32, #tpu.memory_space<vmem>>, vector<16xf32>,
    %swap3A_35 = arith.constant 272 : index
    %swap3A_36 = tpu.vector_load %arg7[%swap3A_35] {strides = array<i32>} : memref<528xf32, #tpu.memory_space<vmem>>, vector<16xf32>,
    tpu.vector_store %arg7[%swap3A_35], %broadcast_in_dim3A_1 {strides = array<i32>} : memref<528xf32, #tpu.memory_space<vmem>>, vector<16xf32>,
    %swap3A_37 = arith.constant 288 : index
    %swap3A_38 = tpu.vector_load %arg7[%swap3A_37] {strides = array<i32>} : memref<528xf32, #tpu.memory_space<vmem>>, vector<16xf32>,
    tpu.vector_store %arg7[%swap3A_37], %broadcast_in_dim3A_1 {strides = array<i32>} : memref<528xf32, #tpu.memory_space<vmem>>, vector<16xf32>,
    %swap3A_39 = arith.constant 304 : index
    %swap3A_40 = tpu.vector_load %arg7[%swap3A_39] {strides = array<i32>} : memref<528xf32, #tpu.memory_space<vmem>>, vector<16xf32>,
    tpu.vector_store %arg7[%swap3A_39], %broadcast_in_dim3A_1 {strides = array<i32>} : memref<528xf32, #tpu.memory_space<vmem>>, vector<16xf32>,
    %swap3A_41 = arith.constant 320 : index
    %swap3A_42 = tpu.vector_load %arg7[%swap3A_41] {strides = array<i32>} : memref<528xf32, #tpu.memory_space<vmem>>, vector<16xf32>,
    tpu.vector_store %arg7[%swap3A_41], %broadcast_in_dim3A_1 {strides = array<i32>} : memref<528xf32, #tpu.memory_space<vmem>>, vector<16xf32>,
    %swap3A_43 = arith.constant 336 : index
    %swap3A_44 = tpu.vector_load %arg7[%swap3A_43] {strides = array<i32>} : memref<528xf32, #tpu.memory_space<vmem>>, vector<16xf32>,
    tpu.vector_store %arg7[%swap3A_43], %broadcast_in_dim3A_1 {strides = array<i32>} : memref<528xf32, #tpu.memory_space<vmem>>, vector<16xf32>,
    %swap3A_45 = arith.constant 352 : index
    %swap3A_46 = tpu.vector_load %arg7[%swap3A_45] {strides = array<i32>} : memref<528xf32, #tpu.memory_space<vmem>>, vector<16xf32>,
    tpu.vector_store %arg7[%swap3A_45], %broadcast_in_dim3A_1 {strides = array<i32>} : memref<528xf32, #tpu.memory_space<vmem>>, vector<16xf32>,
    %swap3A_47 = arith.constant 368 : index
    %swap3A_48 = tpu.vector_load %arg7[%swap3A_47] {strides = array<i32>} : memref<528xf32, #tpu.memory_space<vmem>>, vector<16xf32>,
    tpu.vector_store %arg7[%swap3A_47], %broadcast_in_dim3A_1 {strides = array<i32>} : memref<528xf32, #tpu.memory_space<vmem>>, vector<16xf32>,
    %swap3A_49 = arith.constant 384 : index
    %swap3A_50 = tpu.vector_load %arg7[%swap3A_49] {strides = array<i32>} : memref<528xf32, #tpu.memory_space<vmem>>, vector<16xf32>,
    tpu.vector_store %arg7[%swap3A_49], %broadcast_in_dim3A_1 {strides = array<i32>} : memref<528xf32, #tpu.memory_space<vmem>>, vector<16xf32>,
    %swap3A_51 = arith.constant 400 : index
    %swap3A_52 = tpu.vector_load %arg7[%swap3A_51] {strides = array<i32>} : memref<528xf32, #tpu.memory_space<vmem>>, vector<16xf32>,
    tpu.vector_store %arg7[%swap3A_51], %broadcast_in_dim3A_1 {strides = array<i32>} : memref<528xf32, #tpu.memory_space<vmem>>, vector<16xf32>,
    %swap3A_53 = arith.constant 416 : index
    %swap3A_54 = tpu.vector_load %arg7[%swap3A_53] {strides = array<i32>} : memref<528xf32, #tpu.memory_space<vmem>>, vector<16xf32>,
    tpu.vector_store %arg7[%swap3A_53], %broadcast_in_dim3A_1 {strides = array<i32>} : memref<528xf32, #tpu.memory_space<vmem>>, vector<16xf32>,
    %swap3A_55 = arith.constant 432 : index
    %swap3A_56 = tpu.vector_load %arg7[%swap3A_55] {strides = array<i32>} : memref<528xf32, #tpu.memory_space<vmem>>, vector<16xf32>,
    tpu.vector_store %arg7[%swap3A_55], %broadcast_in_dim3A_1 {strides = array<i32>} : memref<528xf32, #tpu.memory_space<vmem>>, vector<16xf32>,
    %swap3A_57 = arith.constant 448 : index
    %swap3A_58 = tpu.vector_load %arg7[%swap3A_57] {strides = array<i32>} : memref<528xf32, #tpu.memory_space<vmem>>, vector<16xf32>,
    tpu.vector_store %arg7[%swap3A_57], %broadcast_in_dim3A_1 {strides = array<i32>} : memref<528xf32, #tpu.memory_space<vmem>>, vector<16xf32>,
    %swap3A_59 = arith.constant 464 : index
    %swap3A_60 = tpu.vector_load %arg7[%swap3A_59] {strides = array<i32>} : memref<528xf32, #tpu.memory_space<vmem>>, vector<16xf32>,
    tpu.vector_store %arg7[%swap3A_59], %broadcast_in_dim3A_1 {strides = array<i32>} : memref<528xf32, #tpu.memory_space<vmem>>, vector<16xf32>,
    %swap3A_61 = arith.constant 480 : index
    %swap3A_62 = tpu.vector_load %arg7[%swap3A_61] {strides = array<i32>} : memref<528xf32, #tpu.memory_space<vmem>>, vector<16xf32>,
    tpu.vector_store %arg7[%swap3A_61], %broadcast_in_dim3A_1 {strides = array<i32>} : memref<528xf32, #tpu.memory_space<vmem>>, vector<16xf32>,
    %swap3A_63 = arith.constant 496 : index
    %swap3A_64 = tpu.vector_load %arg7[%swap3A_63] {strides = array<i32>} : memref<528xf32, #tpu.memory_space<vmem>>, vector<16xf32>,
    tpu.vector_store %arg7[%swap3A_63], %broadcast_in_dim3A_1 {strides = array<i32>} : memref<528xf32, #tpu.memory_space<vmem>>, vector<16xf32>,
    %swap3A_65 = arith.constant 512 : index
    %swap3A_66 = tpu.vector_load %arg7[%swap3A_65] {strides = array<i32>} : memref<528xf32, #tpu.memory_space<vmem>>, vector<16xf32>,
    tpu.vector_store %arg7[%swap3A_65], %broadcast_in_dim3A_1 {strides = array<i32>} : memref<528xf32, #tpu.memory_space<vmem>>, vector<16xf32>,
    %iota3A = tpu.iota {dimensions = array<i32: 0>} : vector<16xi32>
    %scan3A = arith.constant 0 : i32
    %scan3A_67 = arith.constant 0 : i32
    %scan3A_68 = arith.constant 52 : i32
    %scan3A_69 = arith.addi %scan3A_67, %scan3A_68 : i32
    %scan3A_70 = arith.constant 1 : i32
    scf.for %scan3A_76 = %scan3A_67 to %scan3A_69 step %scan3A_70  : i32 {
      %mul3A_77 = arith.constant 8 : i32
      %mul3A_78 = arith.muli %scan3A_76, %mul3A_77 : i32
      %add3A = arith.constant 0 : i32
      %add3A_79 = arith.addi %mul3A_78, %add3A : i32
      %mul3A_80 = arith.constant 16 : i32
      %mul3A_81 = arith.muli %add3A_79, %mul3A_80 : i32
      %get3A = arith.index_cast %mul3A_81 : i32 to index
      %get3A_82 = tpu.vector_load %arg6[%get3A] {strides = array<i32>} : memref<6672xi32, #tpu.memory_space<vmem>>, vector<16xi32>,
      %add3A_83 = arith.constant 1 : i32
      %add3A_84 = arith.addi %mul3A_81, %add3A_83 : i32
      %get3A_85 = arith.index_cast %add3A_84 : i32 to index
      %get3A_86 = tpu.vector_load %arg6[%get3A_85] {strides = array<i32>} : memref<6672xi32, #tpu.memory_space<vmem>>, vector<16xi32>,
      %get3A_87 = arith.index_cast %mul3A_81 : i32 to index
      %get3A_88 = tpu.vector_load %arg5[%get3A_87] {strides = array<i32>} : memref<6656xf32, #tpu.memory_space<vmem>>, vector<16xf32>,
      %broadcast_in_dim3A_89 = arith.constant true
      %broadcast_in_dim3A_90 = vector.broadcast %broadcast_in_dim3A_89 : i1 to vector<16xi1>
      %masked_cumsum3A = tpu.scan <sum>, %get3A_88 masked %broadcast_in_dim3A_90 : vector<16xf32>, vector<16xi1> -> vector<16xf32>
      %ne3A = arith.cmpi ne, %get3A_82, %get3A_86 : vector<16xi32>
      %lt3A = arith.constant 15 : i32
      %lt3A_91 = vector.broadcast %lt3A : i32 to vector<16xi32>
      %lt3A_92 = arith.cmpi slt, %iota3A, %lt3A_91 : vector<16xi32>
      %and3A = arith.andi %ne3A, %lt3A_92 : vector<16xi1>
      %eq3A_93 = arith.constant 15 : i32
      %eq3A_94 = vector.broadcast %eq3A_93 : i32 to vector<16xi32>
      %eq3A_95 = arith.cmpi eq, %iota3A, %eq3A_94 : vector<16xi32>
      %or3A = arith.ori %and3A, %eq3A_95 : vector<16xi1>
      tpu.vector_store_idx %arg7[%get3A_82], %masked_cumsum3A masked %or3A {add = true} : memref<528xf32, #tpu.memory_space<vmem>>[vector<16xi32>], vector<16xf32>, vector<16xi1>
      %neg3A = arith.constant 0.000000e+00 : f32
      %neg3A_96 = vector.broadcast %neg3A : f32 to vector<16xf32>
      %neg3A_97 = arith.subf %neg3A_96, %masked_cumsum3A : vector<16xf32>
      tpu.vector_store_idx %arg7[%get3A_86], %neg3A_97 masked %and3A {add = true} : memref<528xf32, #tpu.memory_space<vmem>>[vector<16xi32>], vector<16xf32>, vector<16xi1>
      %mul3A_98 = arith.constant 8 : i32
      %mul3A_99 = arith.muli %scan3A_76, %mul3A_98 : i32
      %add3A_100 = arith.constant 1 : i32
      %add3A_101 = arith.addi %mul3A_99, %add3A_100 : i32
      %mul3A_102 = arith.constant 16 : i32
      %mul3A_103 = arith.muli %add3A_101, %mul3A_102 : i32
      %get3A_104 = arith.index_cast %mul3A_103 : i32 to index
      %get3A_105 = tpu.vector_load %arg6[%get3A_104] {strides = array<i32>} : memref<6672xi32, #tpu.memory_space<vmem>>, vector<16xi32>,
      %add3A_106 = arith.constant 1 : i32
      %add3A_107 = arith.addi %mul3A_103, %add3A_106 : i32
      %get3A_108 = arith.index_cast %add3A_107 : i32 to index
      %get3A_109 = tpu.vector_load %arg6[%get3A_108] {strides = array<i32>} : memref<6672xi32, #tpu.memory_space<vmem>>, vector<16xi32>,
      %get3A_110 = arith.index_cast %mul3A_103 : i32 to index
      %get3A_111 = tpu.vector_load %arg5[%get3A_110] {strides = array<i32>} : memref<6656xf32, #tpu.memory_space<vmem>>, vector<16xf32>,
      %broadcast_in_dim3A_112 = arith.constant true
      %broadcast_in_dim3A_113 = vector.broadcast %broadcast_in_dim3A_112 : i1 to vector<16xi1>
      %masked_cumsum3A_114 = tpu.scan <sum>, %get3A_111 masked %broadcast_in_dim3A_113 : vector<16xf32>, vector<16xi1> -> vector<16xf32>
      %ne3A_115 = arith.cmpi ne, %get3A_105, %get3A_109 : vector<16xi32>
      %lt3A_116 = arith.constant 15 : i32
      %lt3A_117 = vector.broadcast %lt3A_116 : i32 to vector<16xi32>
      %lt3A_118 = arith.cmpi slt, %iota3A, %lt3A_117 : vector<16xi32>
      %and3A_119 = arith.andi %ne3A_115, %lt3A_118 : vector<16xi1>
      %eq3A_120 = arith.constant 15 : i32
      %eq3A_121 = vector.broadcast %eq3A_120 : i32 to vector<16xi32>
      %eq3A_122 = arith.cmpi eq, %iota3A, %eq3A_121 : vector<16xi32>
      %or3A_123 = arith.ori %and3A_119, %eq3A_122 : vector<16xi1>
      tpu.vector_store_idx %arg7[%get3A_105], %masked_cumsum3A_114 masked %or3A_123 {add = true} : memref<528xf32, #tpu.memory_space<vmem>>[vector<16xi32>], vector<16xf32>, vector<16xi1>
      %neg3A_124 = arith.constant 0.000000e+00 : f32
      %neg3A_125 = vector.broadcast %neg3A_124 : f32 to vector<16xf32>
      %neg3A_126 = arith.subf %neg3A_125, %masked_cumsum3A_114 : vector<16xf32>
      tpu.vector_store_idx %arg7[%get3A_109], %neg3A_126 masked %and3A_119 {add = true} : memref<528xf32, #tpu.memory_space<vmem>>[vector<16xi32>], vector<16xf32>, vector<16xi1>
      %mul3A_127 = arith.constant 8 : i32
      %mul3A_128 = arith.muli %scan3A_76, %mul3A_127 : i32
      %add3A_129 = arith.constant 2 : i32
      %add3A_130 = arith.addi %mul3A_128, %add3A_129 : i32
      %mul3A_131 = arith.constant 16 : i32
      %mul3A_132 = arith.muli %add3A_130, %mul3A_131 : i32
      %get3A_133 = arith.index_cast %mul3A_132 : i32 to index
      %get3A_134 = tpu.vector_load %arg6[%get3A_133] {strides = array<i32>} : memref<6672xi32, #tpu.memory_space<vmem>>, vector<16xi32>,
      %add3A_135 = arith.constant 1 : i32
      %add3A_136 = arith.addi %mul3A_132, %add3A_135 : i32
      %get3A_137 = arith.index_cast %add3A_136 : i32 to index
      %get3A_138 = tpu.vector_load %arg6[%get3A_137] {strides = array<i32>} : memref<6672xi32, #tpu.memory_space<vmem>>, vector<16xi32>,
      %get3A_139 = arith.index_cast %mul3A_132 : i32 to index
      %get3A_140 = tpu.vector_load %arg5[%get3A_139] {strides = array<i32>} : memref<6656xf32, #tpu.memory_space<vmem>>, vector<16xf32>,
      %broadcast_in_dim3A_141 = arith.constant true
      %broadcast_in_dim3A_142 = vector.broadcast %broadcast_in_dim3A_141 : i1 to vector<16xi1>
      %masked_cumsum3A_143 = tpu.scan <sum>, %get3A_140 masked %broadcast_in_dim3A_142 : vector<16xf32>, vector<16xi1> -> vector<16xf32>
      %ne3A_144 = arith.cmpi ne, %get3A_134, %get3A_138 : vector<16xi32>
      %lt3A_145 = arith.constant 15 : i32
      %lt3A_146 = vector.broadcast %lt3A_145 : i32 to vector<16xi32>
      %lt3A_147 = arith.cmpi slt, %iota3A, %lt3A_146 : vector<16xi32>
      %and3A_148 = arith.andi %ne3A_144, %lt3A_147 : vector<16xi1>
      %eq3A_149 = arith.constant 15 : i32
      %eq3A_150 = vector.broadcast %eq3A_149 : i32 to vector<16xi32>
      %eq3A_151 = arith.cmpi eq, %iota3A, %eq3A_150 : vector<16xi32>
      %or3A_152 = arith.ori %and3A_148, %eq3A_151 : vector<16xi1>
      tpu.vector_store_idx %arg7[%get3A_134], %masked_cumsum3A_143 masked %or3A_152 {add = true} : memref<528xf32, #tpu.memory_space<vmem>>[vector<16xi32>], vector<16xf32>, vector<16xi1>
      %neg3A_153 = arith.constant 0.000000e+00 : f32
      %neg3A_154 = vector.broadcast %neg3A_153 : f32 to vector<16xf32>
      %neg3A_155 = arith.subf %neg3A_154, %masked_cumsum3A_143 : vector<16xf32>
      tpu.vector_store_idx %arg7[%get3A_138], %neg3A_155 masked %and3A_148 {add = true} : memref<528xf32, #tpu.memory_space<vmem>>[vector<16xi32>], vector<16xf32>, vector<16xi1>
      %mul3A_156 = arith.constant 8 : i32
      %mul3A_157 = arith.muli %scan3A_76, %mul3A_156 : i32
      %add3A_158 = arith.constant 3 : i32
      %add3A_159 = arith.addi %mul3A_157, %add3A_158 : i32
      %mul3A_160 = arith.constant 16 : i32
      %mul3A_161 = arith.muli %add3A_159, %mul3A_160 : i32
      %get3A_162 = arith.index_cast %mul3A_161 : i32 to index
      %get3A_163 = tpu.vector_load %arg6[%get3A_162] {strides = array<i32>} : memref<6672xi32, #tpu.memory_space<vmem>>, vector<16xi32>,
      %add3A_164 = arith.constant 1 : i32
      %add3A_165 = arith.addi %mul3A_161, %add3A_164 : i32
      %get3A_166 = arith.index_cast %add3A_165 : i32 to index
      %get3A_167 = tpu.vector_load %arg6[%get3A_166] {strides = array<i32>} : memref<6672xi32, #tpu.memory_space<vmem>>, vector<16xi32>,
      %get3A_168 = arith.index_cast %mul3A_161 : i32 to index
      %get3A_169 = tpu.vector_load %arg5[%get3A_168] {strides = array<i32>} : memref<6656xf32, #tpu.memory_space<vmem>>, vector<16xf32>,
      %broadcast_in_dim3A_170 = arith.constant true
      %broadcast_in_dim3A_171 = vector.broadcast %broadcast_in_dim3A_170 : i1 to vector<16xi1>
      %masked_cumsum3A_172 = tpu.scan <sum>, %get3A_169 masked %broadcast_in_dim3A_171 : vector<16xf32>, vector<16xi1> -> vector<16xf32>
      %ne3A_173 = arith.cmpi ne, %get3A_163, %get3A_167 : vector<16xi32>
      %lt3A_174 = arith.constant 15 : i32
      %lt3A_175 = vector.broadcast %lt3A_174 : i32 to vector<16xi32>
      %lt3A_176 = arith.cmpi slt, %iota3A, %lt3A_175 : vector<16xi32>
      %and3A_177 = arith.andi %ne3A_173, %lt3A_176 : vector<16xi1>
      %eq3A_178 = arith.constant 15 : i32
      %eq3A_179 = vector.broadcast %eq3A_178 : i32 to vector<16xi32>
      %eq3A_180 = arith.cmpi eq, %iota3A, %eq3A_179 : vector<16xi32>
      %or3A_181 = arith.ori %and3A_177, %eq3A_180 : vector<16xi1>
      tpu.vector_store_idx %arg7[%get3A_163], %masked_cumsum3A_172 masked %or3A_181 {add = true} : memref<528xf32, #tpu.memory_space<vmem>>[vector<16xi32>], vector<16xf32>, vector<16xi1>
      %neg3A_182 = arith.constant 0.000000e+00 : f32
      %neg3A_183 = vector.broadcast %neg3A_182 : f32 to vector<16xf32>
      %neg3A_184 = arith.subf %neg3A_183, %masked_cumsum3A_172 : vector<16xf32>
      tpu.vector_store_idx %arg7[%get3A_167], %neg3A_184 masked %and3A_177 {add = true} : memref<528xf32, #tpu.memory_space<vmem>>[vector<16xi32>], vector<16xf32>, vector<16xi1>
      %mul3A_185 = arith.constant 8 : i32
      %mul3A_186 = arith.muli %scan3A_76, %mul3A_185 : i32
      %add3A_187 = arith.constant 4 : i32
      %add3A_188 = arith.addi %mul3A_186, %add3A_187 : i32
      %mul3A_189 = arith.constant 16 : i32
      %mul3A_190 = arith.muli %add3A_188, %mul3A_189 : i32
      %get3A_191 = arith.index_cast %mul3A_190 : i32 to index
      %get3A_192 = tpu.vector_load %arg6[%get3A_191] {strides = array<i32>} : memref<6672xi32, #tpu.memory_space<vmem>>, vector<16xi32>,
      %add3A_193 = arith.constant 1 : i32
      %add3A_194 = arith.addi %mul3A_190, %add3A_193 : i32
      %get3A_195 = arith.index_cast %add3A_194 : i32 to index
      %get3A_196 = tpu.vector_load %arg6[%get3A_195] {strides = array<i32>} : memref<6672xi32, #tpu.memory_space<vmem>>, vector<16xi32>,
      %get3A_197 = arith.index_cast %mul3A_190 : i32 to index
      %get3A_198 = tpu.vector_load %arg5[%get3A_197] {strides = array<i32>} : memref<6656xf32, #tpu.memory_space<vmem>>, vector<16xf32>,
      %broadcast_in_dim3A_199 = arith.constant true
      %broadcast_in_dim3A_200 = vector.broadcast %broadcast_in_dim3A_199 : i1 to vector<16xi1>
      %masked_cumsum3A_201 = tpu.scan <sum>, %get3A_198 masked %broadcast_in_dim3A_200 : vector<16xf32>, vector<16xi1> -> vector<16xf32>
      %ne3A_202 = arith.cmpi ne, %get3A_192, %get3A_196 : vector<16xi32>
      %lt3A_203 = arith.constant 15 : i32
      %lt3A_204 = vector.broadcast %lt3A_203 : i32 to vector<16xi32>
      %lt3A_205 = arith.cmpi slt, %iota3A, %lt3A_204 : vector<16xi32>
      %and3A_206 = arith.andi %ne3A_202, %lt3A_205 : vector<16xi1>
      %eq3A_207 = arith.constant 15 : i32
      %eq3A_208 = vector.broadcast %eq3A_207 : i32 to vector<16xi32>
      %eq3A_209 = arith.cmpi eq, %iota3A, %eq3A_208 : vector<16xi32>
      %or3A_210 = arith.ori %and3A_206, %eq3A_209 : vector<16xi1>
      tpu.vector_store_idx %arg7[%get3A_192], %masked_cumsum3A_201 masked %or3A_210 {add = true} : memref<528xf32, #tpu.memory_space<vmem>>[vector<16xi32>], vector<16xf32>, vector<16xi1>
      %neg3A_211 = arith.constant 0.000000e+00 : f32
      %neg3A_212 = vector.broadcast %neg3A_211 : f32 to vector<16xf32>
      %neg3A_213 = arith.subf %neg3A_212, %masked_cumsum3A_201 : vector<16xf32>
      tpu.vector_store_idx %arg7[%get3A_196], %neg3A_213 masked %and3A_206 {add = true} : memref<528xf32, #tpu.memory_space<vmem>>[vector<16xi32>], vector<16xf32>, vector<16xi1>
      %mul3A_214 = arith.constant 8 : i32
      %mul3A_215 = arith.muli %scan3A_76, %mul3A_214 : i32
      %add3A_216 = arith.constant 5 : i32
      %add3A_217 = arith.addi %mul3A_215, %add3A_216 : i32
      %mul3A_218 = arith.constant 16 : i32
      %mul3A_219 = arith.muli %add3A_217, %mul3A_218 : i32
      %get3A_220 = arith.index_cast %mul3A_219 : i32 to index
      %get3A_221 = tpu.vector_load %arg6[%get3A_220] {strides = array<i32>} : memref<6672xi32, #tpu.memory_space<vmem>>, vector<16xi32>,
      %add3A_222 = arith.constant 1 : i32
      %add3A_223 = arith.addi %mul3A_219, %add3A_222 : i32
      %get3A_224 = arith.index_cast %add3A_223 : i32 to index
      %get3A_225 = tpu.vector_load %arg6[%get3A_224] {strides = array<i32>} : memref<6672xi32, #tpu.memory_space<vmem>>, vector<16xi32>,
      %get3A_226 = arith.index_cast %mul3A_219 : i32 to index
      %get3A_227 = tpu.vector_load %arg5[%get3A_226] {strides = array<i32>} : memref<6656xf32, #tpu.memory_space<vmem>>, vector<16xf32>,
      %broadcast_in_dim3A_228 = arith.constant true
      %broadcast_in_dim3A_229 = vector.broadcast %broadcast_in_dim3A_228 : i1 to vector<16xi1>
      %masked_cumsum3A_230 = tpu.scan <sum>, %get3A_227 masked %broadcast_in_dim3A_229 : vector<16xf32>, vector<16xi1> -> vector<16xf32>
      %ne3A_231 = arith.cmpi ne, %get3A_221, %get3A_225 : vector<16xi32>
      %lt3A_232 = arith.constant 15 : i32
      %lt3A_233 = vector.broadcast %lt3A_232 : i32 to vector<16xi32>
      %lt3A_234 = arith.cmpi slt, %iota3A, %lt3A_233 : vector<16xi32>
      %and3A_235 = arith.andi %ne3A_231, %lt3A_234 : vector<16xi1>
      %eq3A_236 = arith.constant 15 : i32
      %eq3A_237 = vector.broadcast %eq3A_236 : i32 to vector<16xi32>
      %eq3A_238 = arith.cmpi eq, %iota3A, %eq3A_237 : vector<16xi32>
      %or3A_239 = arith.ori %and3A_235, %eq3A_238 : vector<16xi1>
      tpu.vector_store_idx %arg7[%get3A_221], %masked_cumsum3A_230 masked %or3A_239 {add = true} : memref<528xf32, #tpu.memory_space<vmem>>[vector<16xi32>], vector<16xf32>, vector<16xi1>
      %neg3A_240 = arith.constant 0.000000e+00 : f32
      %neg3A_241 = vector.broadcast %neg3A_240 : f32 to vector<16xf32>
      %neg3A_242 = arith.subf %neg3A_241, %masked_cumsum3A_230 : vector<16xf32>
      tpu.vector_store_idx %arg7[%get3A_225], %neg3A_242 masked %and3A_235 {add = true} : memref<528xf32, #tpu.memory_space<vmem>>[vector<16xi32>], vector<16xf32>, vector<16xi1>
      %mul3A_243 = arith.constant 8 : i32
      %mul3A_244 = arith.muli %scan3A_76, %mul3A_243 : i32
      %add3A_245 = arith.constant 6 : i32
      %add3A_246 = arith.addi %mul3A_244, %add3A_245 : i32
      %mul3A_247 = arith.constant 16 : i32
      %mul3A_248 = arith.muli %add3A_246, %mul3A_247 : i32
      %get3A_249 = arith.index_cast %mul3A_248 : i32 to index
      %get3A_250 = tpu.vector_load %arg6[%get3A_249] {strides = array<i32>} : memref<6672xi32, #tpu.memory_space<vmem>>, vector<16xi32>,
      %add3A_251 = arith.constant 1 : i32
      %add3A_252 = arith.addi %mul3A_248, %add3A_251 : i32
      %get3A_253 = arith.index_cast %add3A_252 : i32 to index
      %get3A_254 = tpu.vector_load %arg6[%get3A_253] {strides = array<i32>} : memref<6672xi32, #tpu.memory_space<vmem>>, vector<16xi32>,
      %get3A_255 = arith.index_cast %mul3A_248 : i32 to index
      %get3A_256 = tpu.vector_load %arg5[%get3A_255] {strides = array<i32>} : memref<6656xf32, #tpu.memory_space<vmem>>, vector<16xf32>,
      %broadcast_in_dim3A_257 = arith.constant true
      %broadcast_in_dim3A_258 = vector.broadcast %broadcast_in_dim3A_257 : i1 to vector<16xi1>
      %masked_cumsum3A_259 = tpu.scan <sum>, %get3A_256 masked %broadcast_in_dim3A_258 : vector<16xf32>, vector<16xi1> -> vector<16xf32>
      %ne3A_260 = arith.cmpi ne, %get3A_250, %get3A_254 : vector<16xi32>
      %lt3A_261 = arith.constant 15 : i32
      %lt3A_262 = vector.broadcast %lt3A_261 : i32 to vector<16xi32>
      %lt3A_263 = arith.cmpi slt, %iota3A, %lt3A_262 : vector<16xi32>
      %and3A_264 = arith.andi %ne3A_260, %lt3A_263 : vector<16xi1>
      %eq3A_265 = arith.constant 15 : i32
      %eq3A_266 = vector.broadcast %eq3A_265 : i32 to vector<16xi32>
      %eq3A_267 = arith.cmpi eq, %iota3A, %eq3A_266 : vector<16xi32>
      %or3A_268 = arith.ori %and3A_264, %eq3A_267 : vector<16xi1>
      tpu.vector_store_idx %arg7[%get3A_250], %masked_cumsum3A_259 masked %or3A_268 {add = true} : memref<528xf32, #tpu.memory_space<vmem>>[vector<16xi32>], vector<16xf32>, vector<16xi1>
      %neg3A_269 = arith.constant 0.000000e+00 : f32
      %neg3A_270 = vector.broadcast %neg3A_269 : f32 to vector<16xf32>
      %neg3A_271 = arith.subf %neg3A_270, %masked_cumsum3A_259 : vector<16xf32>
      tpu.vector_store_idx %arg7[%get3A_254], %neg3A_271 masked %and3A_264 {add = true} : memref<528xf32, #tpu.memory_space<vmem>>[vector<16xi32>], vector<16xf32>, vector<16xi1>
      %mul3A_272 = arith.constant 8 : i32
      %mul3A_273 = arith.muli %scan3A_76, %mul3A_272 : i32
      %add3A_274 = arith.constant 7 : i32
      %add3A_275 = arith.addi %mul3A_273, %add3A_274 : i32
      %mul3A_276 = arith.constant 16 : i32
      %mul3A_277 = arith.muli %add3A_275, %mul3A_276 : i32
      %get3A_278 = arith.index_cast %mul3A_277 : i32 to index
      %get3A_279 = tpu.vector_load %arg6[%get3A_278] {strides = array<i32>} : memref<6672xi32, #tpu.memory_space<vmem>>, vector<16xi32>,
      %add3A_280 = arith.constant 1 : i32
      %add3A_281 = arith.addi %mul3A_277, %add3A_280 : i32
      %get3A_282 = arith.index_cast %add3A_281 : i32 to index
      %get3A_283 = tpu.vector_load %arg6[%get3A_282] {strides = array<i32>} : memref<6672xi32, #tpu.memory_space<vmem>>, vector<16xi32>,
      %get3A_284 = arith.index_cast %mul3A_277 : i32 to index
      %get3A_285 = tpu.vector_load %arg5[%get3A_284] {strides = array<i32>} : memref<6656xf32, #tpu.memory_space<vmem>>, vector<16xf32>,
      %broadcast_in_dim3A_286 = arith.constant true
      %broadcast_in_dim3A_287 = vector.broadcast %broadcast_in_dim3A_286 : i1 to vector<16xi1>
      %masked_cumsum3A_288 = tpu.scan <sum>, %get3A_285 masked %broadcast_in_dim3A_287 : vector<16xf32>, vector<16xi1> -> vector<16xf32>
      %ne3A_289 = arith.cmpi ne, %get3A_279, %get3A_283 : vector<16xi32>
      %lt3A_290 = arith.constant 15 : i32
      %lt3A_291 = vector.broadcast %lt3A_290 : i32 to vector<16xi32>
      %lt3A_292 = arith.cmpi slt, %iota3A, %lt3A_291 : vector<16xi32>
      %and3A_293 = arith.andi %ne3A_289, %lt3A_292 : vector<16xi1>
      %eq3A_294 = arith.constant 15 : i32
      %eq3A_295 = vector.broadcast %eq3A_294 : i32 to vector<16xi32>
      %eq3A_296 = arith.cmpi eq, %iota3A, %eq3A_295 : vector<16xi32>
      %or3A_297 = arith.ori %and3A_293, %eq3A_296 : vector<16xi1>
      tpu.vector_store_idx %arg7[%get3A_279], %masked_cumsum3A_288 masked %or3A_297 {add = true} : memref<528xf32, #tpu.memory_space<vmem>>[vector<16xi32>], vector<16xf32>, vector<16xi1>
      %neg3A_298 = arith.constant 0.000000e+00 : f32
      %neg3A_299 = vector.broadcast %neg3A_298 : f32 to vector<16xf32>
      %neg3A_300 = arith.subf %neg3A_299, %masked_cumsum3A_288 : vector<16xf32>
      tpu.vector_store_idx %arg7[%get3A_283], %neg3A_300 masked %and3A_293 {add = true} : memref<528xf32, #tpu.memory_space<vmem>>[vector<16xi32>], vector<16xf32>, vector<16xi1>
    }
    %scan3A_71 = arith.constant 52 : i32
    %mul3A_72 = arith.constant 528 : i32
    %mul3A_73 = arith.muli %arg1, %mul3A_72 : i32
    "tpu.region"() ({
      %run_scoped3A = tpu.sem_alloc : memref<!tpu.dma_semaphore, #tpu.memory_space<semaphore_mem>>
      %dma_start3A = tpu.memref_slice %arg8[%mul3A_73] : memref<8448xf32, #tpu.memory_space<vmem_shared>> -> memref<528xf32, #tpu.memory_space<vmem_shared>>
      %dma_start3A_76 = tpu.memref_slice %arg8[%mul3A_73] : memref<8448xf32, #tpu.memory_space<vmem_shared>> -> memref<528xf32, #tpu.memory_space<vmem_shared>>
      tpu.enqueue_dma source(%arg7 : memref<528xf32, #tpu.memory_space<vmem>>) target(%dma_start3A_76 : memref<528xf32, #tpu.memory_space<vmem_shared>>) target_semaphore(%run_scoped3A : memref<!tpu.dma_semaphore, #tpu.memory_space<semaphore_mem>>)
      %dma_wait3A = tpu.memref_slice %arg8[%mul3A_73] : memref<8448xf32, #tpu.memory_space<vmem_shared>> -> memref<528xf32, #tpu.memory_space<vmem_shared>>
      %dma_wait3A_77 = tpu.memref_slice %arg8[%mul3A_73] : memref<8448xf32, #tpu.memory_space<vmem_shared>> -> memref<528xf32, #tpu.memory_space<vmem_shared>>
      tpu.wait_dma2 semaphore(%run_scoped3A : memref<!tpu.dma_semaphore, #tpu.memory_space<semaphore_mem>>) src(%arg7 : memref<528xf32, #tpu.memory_space<vmem>>) dst(%dma_wait3A_77 : memref<528xf32, #tpu.memory_space<vmem_shared>>)
      tpu.yield
    }) : () -> ()
    %barrier3A = arith.constant 0 : index
    tpu.barrier barrier_id(%barrier3A)
    %eq3A = arith.constant 0 : i32
    %eq3A_74 = arith.cmpi eq, %arg1, %eq3A : i32
    %convert_element_type3A = arith.extui %eq3A_74 : i1 to i32
    %cond3A = arith.constant 0 : i32
    %cond3A_75 = arith.cmpi ne, %convert_element_type3A, %cond3A : i32
    scf.if %cond3A_75 {
      "tpu.region"() ({
        %run_scoped3A = tpu.sem_alloc : memref<!tpu.dma_semaphore, #tpu.memory_space<semaphore_mem>>
        tpu.enqueue_dma source(%arg8 : memref<8448xf32, #tpu.memory_space<vmem_shared>>) target(%arg9 : memref<8448xf32, #tpu.memory_space<vmem>>) target_semaphore(%run_scoped3A : memref<!tpu.dma_semaphore, #tpu.memory_space<semaphore_mem>>)
        tpu.wait_dma2 semaphore(%run_scoped3A : memref<!tpu.dma_semaphore, #tpu.memory_space<semaphore_mem>>) src(%arg8 : memref<8448xf32, #tpu.memory_space<vmem_shared>>) dst(%arg9 : memref<8448xf32, #tpu.memory_space<vmem>>)
        tpu.yield
      }) : () -> ()
      %get3A = arith.constant 0 : index
      %get3A_76 = tpu.vector_load %arg9[%get3A] {strides = array<i32>} : memref<8448xf32, #tpu.memory_space<vmem>>, vector<16xf32>,
      %get3A_77 = arith.constant 528 : index
      %get3A_78 = tpu.vector_load %arg9[%get3A_77] {strides = array<i32>} : memref<8448xf32, #tpu.memory_space<vmem>>, vector<16xf32>,
      %add3A = arith.addf %get3A_76, %get3A_78 : vector<16xf32>
      %get3A_79 = arith.constant 1056 : index
      %get3A_80 = tpu.vector_load %arg9[%get3A_79] {strides = array<i32>} : memref<8448xf32, #tpu.memory_space<vmem>>, vector<16xf32>,
      %add3A_81 = arith.addf %add3A, %get3A_80 : vector<16xf32>
      %get3A_82 = arith.constant 1584 : index
      %get3A_83 = tpu.vector_load %arg9[%get3A_82] {strides = array<i32>} : memref<8448xf32, #tpu.memory_space<vmem>>, vector<16xf32>,
      %add3A_84 = arith.addf %add3A_81, %get3A_83 : vector<16xf32>
      %get3A_85 = arith.constant 2112 : index
      %get3A_86 = tpu.vector_load %arg9[%get3A_85] {strides = array<i32>} : memref<8448xf32, #tpu.memory_space<vmem>>, vector<16xf32>,
      %add3A_87 = arith.addf %add3A_84, %get3A_86 : vector<16xf32>
      %get3A_88 = arith.constant 2640 : index
      %get3A_89 = tpu.vector_load %arg9[%get3A_88] {strides = array<i32>} : memref<8448xf32, #tpu.memory_space<vmem>>, vector<16xf32>,
      %add3A_90 = arith.addf %add3A_87, %get3A_89 : vector<16xf32>
      %get3A_91 = arith.constant 3168 : index
      %get3A_92 = tpu.vector_load %arg9[%get3A_91] {strides = array<i32>} : memref<8448xf32, #tpu.memory_space<vmem>>, vector<16xf32>,
      %add3A_93 = arith.addf %add3A_90, %get3A_92 : vector<16xf32>
      %get3A_94 = arith.constant 3696 : index
      %get3A_95 = tpu.vector_load %arg9[%get3A_94] {strides = array<i32>} : memref<8448xf32, #tpu.memory_space<vmem>>, vector<16xf32>,
      %add3A_96 = arith.addf %add3A_93, %get3A_95 : vector<16xf32>
      %get3A_97 = arith.constant 4224 : index
      %get3A_98 = tpu.vector_load %arg9[%get3A_97] {strides = array<i32>} : memref<8448xf32, #tpu.memory_space<vmem>>, vector<16xf32>,
      %add3A_99 = arith.addf %add3A_96, %get3A_98 : vector<16xf32>
      %get3A_100 = arith.constant 4752 : index
      %get3A_101 = tpu.vector_load %arg9[%get3A_100] {strides = array<i32>} : memref<8448xf32, #tpu.memory_space<vmem>>, vector<16xf32>,
      %add3A_102 = arith.addf %add3A_99, %get3A_101 : vector<16xf32>
      %get3A_103 = arith.constant 5280 : index
      %get3A_104 = tpu.vector_load %arg9[%get3A_103] {strides = array<i32>} : memref<8448xf32, #tpu.memory_space<vmem>>, vector<16xf32>,
      %add3A_105 = arith.addf %add3A_102, %get3A_104 : vector<16xf32>
      %get3A_106 = arith.constant 5808 : index
      %get3A_107 = tpu.vector_load %arg9[%get3A_106] {strides = array<i32>} : memref<8448xf32, #tpu.memory_space<vmem>>, vector<16xf32>,
      %add3A_108 = arith.addf %add3A_105, %get3A_107 : vector<16xf32>
      %get3A_109 = arith.constant 6336 : index
      %get3A_110 = tpu.vector_load %arg9[%get3A_109] {strides = array<i32>} : memref<8448xf32, #tpu.memory_space<vmem>>, vector<16xf32>,
      %add3A_111 = arith.addf %add3A_108, %get3A_110 : vector<16xf32>
      %get3A_112 = arith.constant 6864 : index
      %get3A_113 = tpu.vector_load %arg9[%get3A_112] {strides = array<i32>} : memref<8448xf32, #tpu.memory_space<vmem>>, vector<16xf32>,
      %add3A_114 = arith.addf %add3A_111, %get3A_113 : vector<16xf32>
      %get3A_115 = arith.constant 7392 : index
      %get3A_116 = tpu.vector_load %arg9[%get3A_115] {strides = array<i32>} : memref<8448xf32, #tpu.memory_space<vmem>>, vector<16xf32>,
      %add3A_117 = arith.addf %add3A_114, %get3A_116 : vector<16xf32>
      %get3A_118 = arith.constant 7920 : index
      %get3A_119 = tpu.vector_load %arg9[%get3A_118] {strides = array<i32>} : memref<8448xf32, #tpu.memory_space<vmem>>, vector<16xf32>,
      %add3A_120 = arith.addf %add3A_117, %get3A_119 : vector<16xf32>
      %swap3A_121 = arith.constant 0 : index
      %swap3A_122 = tpu.vector_load %arg10[%swap3A_121] {strides = array<i32>} : memref<512xf32, #tpu.memory_space<vmem>>, vector<16xf32>,
      tpu.vector_store %arg10[%swap3A_121], %add3A_120 {strides = array<i32>} : memref<512xf32, #tpu.memory_space<vmem>>, vector<16xf32>,
      %get3A_123 = arith.constant 16 : index
      %get3A_124 = tpu.vector_load %arg9[%get3A_123] {strides = array<i32>} : memref<8448xf32, #tpu.memory_space<vmem>>, vector<16xf32>,
      %get3A_125 = arith.constant 544 : index
      %get3A_126 = tpu.vector_load %arg9[%get3A_125] {strides = array<i32>} : memref<8448xf32, #tpu.memory_space<vmem>>, vector<16xf32>,
      %add3A_127 = arith.addf %get3A_124, %get3A_126 : vector<16xf32>
      %get3A_128 = arith.constant 1072 : index
      %get3A_129 = tpu.vector_load %arg9[%get3A_128] {strides = array<i32>} : memref<8448xf32, #tpu.memory_space<vmem>>, vector<16xf32>,
      %add3A_130 = arith.addf %add3A_127, %get3A_129 : vector<16xf32>
      %get3A_131 = arith.constant 1600 : index
      %get3A_132 = tpu.vector_load %arg9[%get3A_131] {strides = array<i32>} : memref<8448xf32, #tpu.memory_space<vmem>>, vector<16xf32>,
      %add3A_133 = arith.addf %add3A_130, %get3A_132 : vector<16xf32>
      %get3A_134 = arith.constant 2128 : index
      %get3A_135 = tpu.vector_load %arg9[%get3A_134] {strides = array<i32>} : memref<8448xf32, #tpu.memory_space<vmem>>, vector<16xf32>,
      %add3A_136 = arith.addf %add3A_133, %get3A_135 : vector<16xf32>
      %get3A_137 = arith.constant 2656 : index
      %get3A_138 = tpu.vector_load %arg9[%get3A_137] {strides = array<i32>} : memref<8448xf32, #tpu.memory_space<vmem>>, vector<16xf32>,
      %add3A_139 = arith.addf %add3A_136, %get3A_138 : vector<16xf32>
      %get3A_140 = arith.constant 3184 : index
      %get3A_141 = tpu.vector_load %arg9[%get3A_140] {strides = array<i32>} : memref<8448xf32, #tpu.memory_space<vmem>>, vector<16xf32>,
      %add3A_142 = arith.addf %add3A_139, %get3A_141 : vector<16xf32>
      %get3A_143 = arith.constant 3712 : index
      %get3A_144 = tpu.vector_load %arg9[%get3A_143] {strides = array<i32>} : memref<8448xf32, #tpu.memory_space<vmem>>, vector<16xf32>,
      %add3A_145 = arith.addf %add3A_142, %get3A_144 : vector<16xf32>
      %get3A_146 = arith.constant 4240 : index
      %get3A_147 = tpu.vector_load %arg9[%get3A_146] {strides = array<i32>} : memref<8448xf32, #tpu.memory_space<vmem>>, vector<16xf32>,
      %add3A_148 = arith.addf %add3A_145, %get3A_147 : vector<16xf32>
      %get3A_149 = arith.constant 4768 : index
      %get3A_150 = tpu.vector_load %arg9[%get3A_149] {strides = array<i32>} : memref<8448xf32, #tpu.memory_space<vmem>>, vector<16xf32>,
      %add3A_151 = arith.addf %add3A_148, %get3A_150 : vector<16xf32>
      %get3A_152 = arith.constant 5296 : index
      %get3A_153 = tpu.vector_load %arg9[%get3A_152] {strides = array<i32>} : memref<8448xf32, #tpu.memory_space<vmem>>, vector<16xf32>,
      %add3A_154 = arith.addf %add3A_151, %get3A_153 : vector<16xf32>
      %get3A_155 = arith.constant 5824 : index
      %get3A_156 = tpu.vector_load %arg9[%get3A_155] {strides = array<i32>} : memref<8448xf32, #tpu.memory_space<vmem>>, vector<16xf32>,
      %add3A_157 = arith.addf %add3A_154, %get3A_156 : vector<16xf32>
      %get3A_158 = arith.constant 6352 : index
      %get3A_159 = tpu.vector_load %arg9[%get3A_158] {strides = array<i32>} : memref<8448xf32, #tpu.memory_space<vmem>>, vector<16xf32>,
      %add3A_160 = arith.addf %add3A_157, %get3A_159 : vector<16xf32>
      %get3A_161 = arith.constant 6880 : index
      %get3A_162 = tpu.vector_load %arg9[%get3A_161] {strides = array<i32>} : memref<8448xf32, #tpu.memory_space<vmem>>, vector<16xf32>,
      %add3A_163 = arith.addf %add3A_160, %get3A_162 : vector<16xf32>
      %get3A_164 = arith.constant 7408 : index
      %get3A_165 = tpu.vector_load %arg9[%get3A_164] {strides = array<i32>} : memref<8448xf32, #tpu.memory_space<vmem>>, vector<16xf32>,
      %add3A_166 = arith.addf %add3A_163, %get3A_165 : vector<16xf32>
      %get3A_167 = arith.constant 7936 : index
      %get3A_168 = tpu.vector_load %arg9[%get3A_167] {strides = array<i32>} : memref<8448xf32, #tpu.memory_space<vmem>>, vector<16xf32>,
      %add3A_169 = arith.addf %add3A_166, %get3A_168 : vector<16xf32>
      %swap3A_170 = arith.constant 16 : index
      %swap3A_171 = tpu.vector_load %arg10[%swap3A_170] {strides = array<i32>} : memref<512xf32, #tpu.memory_space<vmem>>, vector<16xf32>,
      tpu.vector_store %arg10[%swap3A_170], %add3A_169 {strides = array<i32>} : memref<512xf32, #tpu.memory_space<vmem>>, vector<16xf32>,
      %get3A_172 = arith.constant 32 : index
      %get3A_173 = tpu.vector_load %arg9[%get3A_172] {strides = array<i32>} : memref<8448xf32, #tpu.memory_space<vmem>>, vector<16xf32>,
      %get3A_174 = arith.constant 560 : index
      %get3A_175 = tpu.vector_load %arg9[%get3A_174] {strides = array<i32>} : memref<8448xf32, #tpu.memory_space<vmem>>, vector<16xf32>,
      %add3A_176 = arith.addf %get3A_173, %get3A_175 : vector<16xf32>
      %get3A_177 = arith.constant 1088 : index
      %get3A_178 = tpu.vector_load %arg9[%get3A_177] {strides = array<i32>} : memref<8448xf32, #tpu.memory_space<vmem>>, vector<16xf32>,
      %add3A_179 = arith.addf %add3A_176, %get3A_178 : vector<16xf32>
      %get3A_180 = arith.constant 1616 : index
      %get3A_181 = tpu.vector_load %arg9[%get3A_180] {strides = array<i32>} : memref<8448xf32, #tpu.memory_space<vmem>>, vector<16xf32>,
      %add3A_182 = arith.addf %add3A_179, %get3A_181 : vector<16xf32>
      %get3A_183 = arith.constant 2144 : index
      %get3A_184 = tpu.vector_load %arg9[%get3A_183] {strides = array<i32>} : memref<8448xf32, #tpu.memory_space<vmem>>, vector<16xf32>,
      %add3A_185 = arith.addf %add3A_182, %get3A_184 : vector<16xf32>
      %get3A_186 = arith.constant 2672 : index
      %get3A_187 = tpu.vector_load %arg9[%get3A_186] {strides = array<i32>} : memref<8448xf32, #tpu.memory_space<vmem>>, vector<16xf32>,
      %add3A_188 = arith.addf %add3A_185, %get3A_187 : vector<16xf32>
      %get3A_189 = arith.constant 3200 : index
      %get3A_190 = tpu.vector_load %arg9[%get3A_189] {strides = array<i32>} : memref<8448xf32, #tpu.memory_space<vmem>>, vector<16xf32>,
      %add3A_191 = arith.addf %add3A_188, %get3A_190 : vector<16xf32>
      %get3A_192 = arith.constant 3728 : index
      %get3A_193 = tpu.vector_load %arg9[%get3A_192] {strides = array<i32>} : memref<8448xf32, #tpu.memory_space<vmem>>, vector<16xf32>,
      %add3A_194 = arith.addf %add3A_191, %get3A_193 : vector<16xf32>
      %get3A_195 = arith.constant 4256 : index
      %get3A_196 = tpu.vector_load %arg9[%get3A_195] {strides = array<i32>} : memref<8448xf32, #tpu.memory_space<vmem>>, vector<16xf32>,
      %add3A_197 = arith.addf %add3A_194, %get3A_196 : vector<16xf32>
      %get3A_198 = arith.constant 4784 : index
      %get3A_199 = tpu.vector_load %arg9[%get3A_198] {strides = array<i32>} : memref<8448xf32, #tpu.memory_space<vmem>>, vector<16xf32>,
      %add3A_200 = arith.addf %add3A_197, %get3A_199 : vector<16xf32>
      %get3A_201 = arith.constant 5312 : index
      %get3A_202 = tpu.vector_load %arg9[%get3A_201] {strides = array<i32>} : memref<8448xf32, #tpu.memory_space<vmem>>, vector<16xf32>,
      %add3A_203 = arith.addf %add3A_200, %get3A_202 : vector<16xf32>
      %get3A_204 = arith.constant 5840 : index
      %get3A_205 = tpu.vector_load %arg9[%get3A_204] {strides = array<i32>} : memref<8448xf32, #tpu.memory_space<vmem>>, vector<16xf32>,
      %add3A_206 = arith.addf %add3A_203, %get3A_205 : vector<16xf32>
      %get3A_207 = arith.constant 6368 : index
      %get3A_208 = tpu.vector_load %arg9[%get3A_207] {strides = array<i32>} : memref<8448xf32, #tpu.memory_space<vmem>>, vector<16xf32>,
      %add3A_209 = arith.addf %add3A_206, %get3A_208 : vector<16xf32>
      %get3A_210 = arith.constant 6896 : index
      %get3A_211 = tpu.vector_load %arg9[%get3A_210] {strides = array<i32>} : memref<8448xf32, #tpu.memory_space<vmem>>, vector<16xf32>,
      %add3A_212 = arith.addf %add3A_209, %get3A_211 : vector<16xf32>
      %get3A_213 = arith.constant 7424 : index
      %get3A_214 = tpu.vector_load %arg9[%get3A_213] {strides = array<i32>} : memref<8448xf32, #tpu.memory_space<vmem>>, vector<16xf32>,
      %add3A_215 = arith.addf %add3A_212, %get3A_214 : vector<16xf32>
      %get3A_216 = arith.constant 7952 : index
      %get3A_217 = tpu.vector_load %arg9[%get3A_216] {strides = array<i32>} : memref<8448xf32, #tpu.memory_space<vmem>>, vector<16xf32>,
      %add3A_218 = arith.addf %add3A_215, %get3A_217 : vector<16xf32>
      %swap3A_219 = arith.constant 32 : index
      %swap3A_220 = tpu.vector_load %arg10[%swap3A_219] {strides = array<i32>} : memref<512xf32, #tpu.memory_space<vmem>>, vector<16xf32>,
      tpu.vector_store %arg10[%swap3A_219], %add3A_218 {strides = array<i32>} : memref<512xf32, #tpu.memory_space<vmem>>, vector<16xf32>,
      %get3A_221 = arith.constant 48 : index
      %get3A_222 = tpu.vector_load %arg9[%get3A_221] {strides = array<i32>} : memref<8448xf32, #tpu.memory_space<vmem>>, vector<16xf32>,
      %get3A_223 = arith.constant 576 : index
      %get3A_224 = tpu.vector_load %arg9[%get3A_223] {strides = array<i32>} : memref<8448xf32, #tpu.memory_space<vmem>>, vector<16xf32>,
      %add3A_225 = arith.addf %get3A_222, %get3A_224 : vector<16xf32>
      %get3A_226 = arith.constant 1104 : index
      %get3A_227 = tpu.vector_load %arg9[%get3A_226] {strides = array<i32>} : memref<8448xf32, #tpu.memory_space<vmem>>, vector<16xf32>,
      %add3A_228 = arith.addf %add3A_225, %get3A_227 : vector<16xf32>
      %get3A_229 = arith.constant 1632 : index
      %get3A_230 = tpu.vector_load %arg9[%get3A_229] {strides = array<i32>} : memref<8448xf32, #tpu.memory_space<vmem>>, vector<16xf32>,
      %add3A_231 = arith.addf %add3A_228, %get3A_230 : vector<16xf32>
      %get3A_232 = arith.constant 2160 : index
      %get3A_233 = tpu.vector_load %arg9[%get3A_232] {strides = array<i32>} : memref<8448xf32, #tpu.memory_space<vmem>>, vector<16xf32>,
      %add3A_234 = arith.addf %add3A_231, %get3A_233 : vector<16xf32>
      %get3A_235 = arith.constant 2688 : index
      %get3A_236 = tpu.vector_load %arg9[%get3A_235] {strides = array<i32>} : memref<8448xf32, #tpu.memory_space<vmem>>, vector<16xf32>,
      %add3A_237 = arith.addf %add3A_234, %get3A_236 : vector<16xf32>
      %get3A_238 = arith.constant 3216 : index
      %get3A_239 = tpu.vector_load %arg9[%get3A_238] {strides = array<i32>} : memref<8448xf32, #tpu.memory_space<vmem>>, vector<16xf32>,
      %add3A_240 = arith.addf %add3A_237, %get3A_239 : vector<16xf32>
      %get3A_241 = arith.constant 3744 : index
      %get3A_242 = tpu.vector_load %arg9[%get3A_241] {strides = array<i32>} : memref<8448xf32, #tpu.memory_space<vmem>>, vector<16xf32>,
      %add3A_243 = arith.addf %add3A_240, %get3A_242 : vector<16xf32>
      %get3A_244 = arith.constant 4272 : index
      %get3A_245 = tpu.vector_load %arg9[%get3A_244] {strides = array<i32>} : memref<8448xf32, #tpu.memory_space<vmem>>, vector<16xf32>,
      %add3A_246 = arith.addf %add3A_243, %get3A_245 : vector<16xf32>
      %get3A_247 = arith.constant 4800 : index
      %get3A_248 = tpu.vector_load %arg9[%get3A_247] {strides = array<i32>} : memref<8448xf32, #tpu.memory_space<vmem>>, vector<16xf32>,
      %add3A_249 = arith.addf %add3A_246, %get3A_248 : vector<16xf32>
      %get3A_250 = arith.constant 5328 : index
      %get3A_251 = tpu.vector_load %arg9[%get3A_250] {strides = array<i32>} : memref<8448xf32, #tpu.memory_space<vmem>>, vector<16xf32>,
      %add3A_252 = arith.addf %add3A_249, %get3A_251 : vector<16xf32>
      %get3A_253 = arith.constant 5856 : index
      %get3A_254 = tpu.vector_load %arg9[%get3A_253] {strides = array<i32>} : memref<8448xf32, #tpu.memory_space<vmem>>, vector<16xf32>,
      %add3A_255 = arith.addf %add3A_252, %get3A_254 : vector<16xf32>
      %get3A_256 = arith.constant 6384 : index
      %get3A_257 = tpu.vector_load %arg9[%get3A_256] {strides = array<i32>} : memref<8448xf32, #tpu.memory_space<vmem>>, vector<16xf32>,
      %add3A_258 = arith.addf %add3A_255, %get3A_257 : vector<16xf32>
      %get3A_259 = arith.constant 6912 : index
      %get3A_260 = tpu.vector_load %arg9[%get3A_259] {strides = array<i32>} : memref<8448xf32, #tpu.memory_space<vmem>>, vector<16xf32>,
      %add3A_261 = arith.addf %add3A_258, %get3A_260 : vector<16xf32>
      %get3A_262 = arith.constant 7440 : index
      %get3A_263 = tpu.vector_load %arg9[%get3A_262] {strides = array<i32>} : memref<8448xf32, #tpu.memory_space<vmem>>, vector<16xf32>,
      %add3A_264 = arith.addf %add3A_261, %get3A_263 : vector<16xf32>
      %get3A_265 = arith.constant 7968 : index
      %get3A_266 = tpu.vector_load %arg9[%get3A_265] {strides = array<i32>} : memref<8448xf32, #tpu.memory_space<vmem>>, vector<16xf32>,
      %add3A_267 = arith.addf %add3A_264, %get3A_266 : vector<16xf32>
      %swap3A_268 = arith.constant 48 : index
      %swap3A_269 = tpu.vector_load %arg10[%swap3A_268] {strides = array<i32>} : memref<512xf32, #tpu.memory_space<vmem>>, vector<16xf32>,
      tpu.vector_store %arg10[%swap3A_268], %add3A_267 {strides = array<i32>} : memref<512xf32, #tpu.memory_space<vmem>>, vector<16xf32>,
      %get3A_270 = arith.constant 64 : index
      %get3A_271 = tpu.vector_load %arg9[%get3A_270] {strides = array<i32>} : memref<8448xf32, #tpu.memory_space<vmem>>, vector<16xf32>,
      %get3A_272 = arith.constant 592 : index
      %get3A_273 = tpu.vector_load %arg9[%get3A_272] {strides = array<i32>} : memref<8448xf32, #tpu.memory_space<vmem>>, vector<16xf32>,
      %add3A_274 = arith.addf %get3A_271, %get3A_273 : vector<16xf32>
      %get3A_275 = arith.constant 1120 : index
      %get3A_276 = tpu.vector_load %arg9[%get3A_275] {strides = array<i32>} : memref<8448xf32, #tpu.memory_space<vmem>>, vector<16xf32>,
      %add3A_277 = arith.addf %add3A_274, %get3A_276 : vector<16xf32>
      %get3A_278 = arith.constant 1648 : index
      %get3A_279 = tpu.vector_load %arg9[%get3A_278] {strides = array<i32>} : memref<8448xf32, #tpu.memory_space<vmem>>, vector<16xf32>,
      %add3A_280 = arith.addf %add3A_277, %get3A_279 : vector<16xf32>
      %get3A_281 = arith.constant 2176 : index
      %get3A_282 = tpu.vector_load %arg9[%get3A_281] {strides = array<i32>} : memref<8448xf32, #tpu.memory_space<vmem>>, vector<16xf32>,
      %add3A_283 = arith.addf %add3A_280, %get3A_282 : vector<16xf32>
      %get3A_284 = arith.constant 2704 : index
      %get3A_285 = tpu.vector_load %arg9[%get3A_284] {strides = array<i32>} : memref<8448xf32, #tpu.memory_space<vmem>>, vector<16xf32>,
      %add3A_286 = arith.addf %add3A_283, %get3A_285 : vector<16xf32>
      %get3A_287 = arith.constant 3232 : index
      %get3A_288 = tpu.vector_load %arg9[%get3A_287] {strides = array<i32>} : memref<8448xf32, #tpu.memory_space<vmem>>, vector<16xf32>,
      %add3A_289 = arith.addf %add3A_286, %get3A_288 : vector<16xf32>
      %get3A_290 = arith.constant 3760 : index
      %get3A_291 = tpu.vector_load %arg9[%get3A_290] {strides = array<i32>} : memref<8448xf32, #tpu.memory_space<vmem>>, vector<16xf32>,
      %add3A_292 = arith.addf %add3A_289, %get3A_291 : vector<16xf32>
      %get3A_293 = arith.constant 4288 : index
      %get3A_294 = tpu.vector_load %arg9[%get3A_293] {strides = array<i32>} : memref<8448xf32, #tpu.memory_space<vmem>>, vector<16xf32>,
      %add3A_295 = arith.addf %add3A_292, %get3A_294 : vector<16xf32>
      %get3A_296 = arith.constant 4816 : index
      %get3A_297 = tpu.vector_load %arg9[%get3A_296] {strides = array<i32>} : memref<8448xf32, #tpu.memory_space<vmem>>, vector<16xf32>,
      %add3A_298 = arith.addf %add3A_295, %get3A_297 : vector<16xf32>
      %get3A_299 = arith.constant 5344 : index
      %get3A_300 = tpu.vector_load %arg9[%get3A_299] {strides = array<i32>} : memref<8448xf32, #tpu.memory_space<vmem>>, vector<16xf32>,
      %add3A_301 = arith.addf %add3A_298, %get3A_300 : vector<16xf32>
      %get3A_302 = arith.constant 5872 : index
      %get3A_303 = tpu.vector_load %arg9[%get3A_302] {strides = array<i32>} : memref<8448xf32, #tpu.memory_space<vmem>>, vector<16xf32>,
      %add3A_304 = arith.addf %add3A_301, %get3A_303 : vector<16xf32>
      %get3A_305 = arith.constant 6400 : index
      %get3A_306 = tpu.vector_load %arg9[%get3A_305] {strides = array<i32>} : memref<8448xf32, #tpu.memory_space<vmem>>, vector<16xf32>,
      %add3A_307 = arith.addf %add3A_304, %get3A_306 : vector<16xf32>
      %get3A_308 = arith.constant 6928 : index
      %get3A_309 = tpu.vector_load %arg9[%get3A_308] {strides = array<i32>} : memref<8448xf32, #tpu.memory_space<vmem>>, vector<16xf32>,
      %add3A_310 = arith.addf %add3A_307, %get3A_309 : vector<16xf32>
      %get3A_311 = arith.constant 7456 : index
      %get3A_312 = tpu.vector_load %arg9[%get3A_311] {strides = array<i32>} : memref<8448xf32, #tpu.memory_space<vmem>>, vector<16xf32>,
      %add3A_313 = arith.addf %add3A_310, %get3A_312 : vector<16xf32>
      %get3A_314 = arith.constant 7984 : index
      %get3A_315 = tpu.vector_load %arg9[%get3A_314] {strides = array<i32>} : memref<8448xf32, #tpu.memory_space<vmem>>, vector<16xf32>,
      %add3A_316 = arith.addf %add3A_313, %get3A_315 : vector<16xf32>
      %swap3A_317 = arith.constant 64 : index
      %swap3A_318 = tpu.vector_load %arg10[%swap3A_317] {strides = array<i32>} : memref<512xf32, #tpu.memory_space<vmem>>, vector<16xf32>,
      tpu.vector_store %arg10[%swap3A_317], %add3A_316 {strides = array<i32>} : memref<512xf32, #tpu.memory_space<vmem>>, vector<16xf32>,
      %get3A_319 = arith.constant 80 : index
      %get3A_320 = tpu.vector_load %arg9[%get3A_319] {strides = array<i32>} : memref<8448xf32, #tpu.memory_space<vmem>>, vector<16xf32>,
      %get3A_321 = arith.constant 608 : index
      %get3A_322 = tpu.vector_load %arg9[%get3A_321] {strides = array<i32>} : memref<8448xf32, #tpu.memory_space<vmem>>, vector<16xf32>,
      %add3A_323 = arith.addf %get3A_320, %get3A_322 : vector<16xf32>
      %get3A_324 = arith.constant 1136 : index
      %get3A_325 = tpu.vector_load %arg9[%get3A_324] {strides = array<i32>} : memref<8448xf32, #tpu.memory_space<vmem>>, vector<16xf32>,
      %add3A_326 = arith.addf %add3A_323, %get3A_325 : vector<16xf32>
      %get3A_327 = arith.constant 1664 : index
      %get3A_328 = tpu.vector_load %arg9[%get3A_327] {strides = array<i32>} : memref<8448xf32, #tpu.memory_space<vmem>>, vector<16xf32>,
      %add3A_329 = arith.addf %add3A_326, %get3A_328 : vector<16xf32>
      %get3A_330 = arith.constant 2192 : index
      %get3A_331 = tpu.vector_load %arg9[%get3A_330] {strides = array<i32>} : memref<8448xf32, #tpu.memory_space<vmem>>, vector<16xf32>,
      %add3A_332 = arith.addf %add3A_329, %get3A_331 : vector<16xf32>
      %get3A_333 = arith.constant 2720 : index
      %get3A_334 = tpu.vector_load %arg9[%get3A_333] {strides = array<i32>} : memref<8448xf32, #tpu.memory_space<vmem>>, vector<16xf32>,
      %add3A_335 = arith.addf %add3A_332, %get3A_334 : vector<16xf32>
      %get3A_336 = arith.constant 3248 : index
      %get3A_337 = tpu.vector_load %arg9[%get3A_336] {strides = array<i32>} : memref<8448xf32, #tpu.memory_space<vmem>>, vector<16xf32>,
      %add3A_338 = arith.addf %add3A_335, %get3A_337 : vector<16xf32>
      %get3A_339 = arith.constant 3776 : index
      %get3A_340 = tpu.vector_load %arg9[%get3A_339] {strides = array<i32>} : memref<8448xf32, #tpu.memory_space<vmem>>, vector<16xf32>,
      %add3A_341 = arith.addf %add3A_338, %get3A_340 : vector<16xf32>
      %get3A_342 = arith.constant 4304 : index
      %get3A_343 = tpu.vector_load %arg9[%get3A_342] {strides = array<i32>} : memref<8448xf32, #tpu.memory_space<vmem>>, vector<16xf32>,
      %add3A_344 = arith.addf %add3A_341, %get3A_343 : vector<16xf32>
      %get3A_345 = arith.constant 4832 : index
      %get3A_346 = tpu.vector_load %arg9[%get3A_345] {strides = array<i32>} : memref<8448xf32, #tpu.memory_space<vmem>>, vector<16xf32>,
      %add3A_347 = arith.addf %add3A_344, %get3A_346 : vector<16xf32>
      %get3A_348 = arith.constant 5360 : index
      %get3A_349 = tpu.vector_load %arg9[%get3A_348] {strides = array<i32>} : memref<8448xf32, #tpu.memory_space<vmem>>, vector<16xf32>,
      %add3A_350 = arith.addf %add3A_347, %get3A_349 : vector<16xf32>
      %get3A_351 = arith.constant 5888 : index
      %get3A_352 = tpu.vector_load %arg9[%get3A_351] {strides = array<i32>} : memref<8448xf32, #tpu.memory_space<vmem>>, vector<16xf32>,
      %add3A_353 = arith.addf %add3A_350, %get3A_352 : vector<16xf32>
      %get3A_354 = arith.constant 6416 : index
      %get3A_355 = tpu.vector_load %arg9[%get3A_354] {strides = array<i32>} : memref<8448xf32, #tpu.memory_space<vmem>>, vector<16xf32>,
      %add3A_356 = arith.addf %add3A_353, %get3A_355 : vector<16xf32>
      %get3A_357 = arith.constant 6944 : index
      %get3A_358 = tpu.vector_load %arg9[%get3A_357] {strides = array<i32>} : memref<8448xf32, #tpu.memory_space<vmem>>, vector<16xf32>,
      %add3A_359 = arith.addf %add3A_356, %get3A_358 : vector<16xf32>
      %get3A_360 = arith.constant 7472 : index
      %get3A_361 = tpu.vector_load %arg9[%get3A_360] {strides = array<i32>} : memref<8448xf32, #tpu.memory_space<vmem>>, vector<16xf32>,
      %add3A_362 = arith.addf %add3A_359, %get3A_361 : vector<16xf32>
      %get3A_363 = arith.constant 8000 : index
      %get3A_364 = tpu.vector_load %arg9[%get3A_363] {strides = array<i32>} : memref<8448xf32, #tpu.memory_space<vmem>>, vector<16xf32>,
      %add3A_365 = arith.addf %add3A_362, %get3A_364 : vector<16xf32>
      %swap3A_366 = arith.constant 80 : index
      %swap3A_367 = tpu.vector_load %arg10[%swap3A_366] {strides = array<i32>} : memref<512xf32, #tpu.memory_space<vmem>>, vector<16xf32>,
      tpu.vector_store %arg10[%swap3A_366], %add3A_365 {strides = array<i32>} : memref<512xf32, #tpu.memory_space<vmem>>, vector<16xf32>,
      %get3A_368 = arith.constant 96 : index
      %get3A_369 = tpu.vector_load %arg9[%get3A_368] {strides = array<i32>} : memref<8448xf32, #tpu.memory_space<vmem>>, vector<16xf32>,
      %get3A_370 = arith.constant 624 : index
      %get3A_371 = tpu.vector_load %arg9[%get3A_370] {strides = array<i32>} : memref<8448xf32, #tpu.memory_space<vmem>>, vector<16xf32>,
      %add3A_372 = arith.addf %get3A_369, %get3A_371 : vector<16xf32>
      %get3A_373 = arith.constant 1152 : index
      %get3A_374 = tpu.vector_load %arg9[%get3A_373] {strides = array<i32>} : memref<8448xf32, #tpu.memory_space<vmem>>, vector<16xf32>,
      %add3A_375 = arith.addf %add3A_372, %get3A_374 : vector<16xf32>
      %get3A_376 = arith.constant 1680 : index
      %get3A_377 = tpu.vector_load %arg9[%get3A_376] {strides = array<i32>} : memref<8448xf32, #tpu.memory_space<vmem>>, vector<16xf32>,
      %add3A_378 = arith.addf %add3A_375, %get3A_377 : vector<16xf32>
      %get3A_379 = arith.constant 2208 : index
      %get3A_380 = tpu.vector_load %arg9[%get3A_379] {strides = array<i32>} : memref<8448xf32, #tpu.memory_space<vmem>>, vector<16xf32>,
      %add3A_381 = arith.addf %add3A_378, %get3A_380 : vector<16xf32>
      %get3A_382 = arith.constant 2736 : index
      %get3A_383 = tpu.vector_load %arg9[%get3A_382] {strides = array<i32>} : memref<8448xf32, #tpu.memory_space<vmem>>, vector<16xf32>,
      %add3A_384 = arith.addf %add3A_381, %get3A_383 : vector<16xf32>
      %get3A_385 = arith.constant 3264 : index
      %get3A_386 = tpu.vector_load %arg9[%get3A_385] {strides = array<i32>} : memref<8448xf32, #tpu.memory_space<vmem>>, vector<16xf32>,
      %add3A_387 = arith.addf %add3A_384, %get3A_386 : vector<16xf32>
      %get3A_388 = arith.constant 3792 : index
      %get3A_389 = tpu.vector_load %arg9[%get3A_388] {strides = array<i32>} : memref<8448xf32, #tpu.memory_space<vmem>>, vector<16xf32>,
      %add3A_390 = arith.addf %add3A_387, %get3A_389 : vector<16xf32>
      %get3A_391 = arith.constant 4320 : index
      %get3A_392 = tpu.vector_load %arg9[%get3A_391] {strides = array<i32>} : memref<8448xf32, #tpu.memory_space<vmem>>, vector<16xf32>,
      %add3A_393 = arith.addf %add3A_390, %get3A_392 : vector<16xf32>
      %get3A_394 = arith.constant 4848 : index
      %get3A_395 = tpu.vector_load %arg9[%get3A_394] {strides = array<i32>} : memref<8448xf32, #tpu.memory_space<vmem>>, vector<16xf32>,
      %add3A_396 = arith.addf %add3A_393, %get3A_395 : vector<16xf32>
      %get3A_397 = arith.constant 5376 : index
      %get3A_398 = tpu.vector_load %arg9[%get3A_397] {strides = array<i32>} : memref<8448xf32, #tpu.memory_space<vmem>>, vector<16xf32>,
      %add3A_399 = arith.addf %add3A_396, %get3A_398 : vector<16xf32>
      %get3A_400 = arith.constant 5904 : index
      %get3A_401 = tpu.vector_load %arg9[%get3A_400] {strides = array<i32>} : memref<8448xf32, #tpu.memory_space<vmem>>, vector<16xf32>,
      %add3A_402 = arith.addf %add3A_399, %get3A_401 : vector<16xf32>
      %get3A_403 = arith.constant 6432 : index
      %get3A_404 = tpu.vector_load %arg9[%get3A_403] {strides = array<i32>} : memref<8448xf32, #tpu.memory_space<vmem>>, vector<16xf32>,
      %add3A_405 = arith.addf %add3A_402, %get3A_404 : vector<16xf32>
      %get3A_406 = arith.constant 6960 : index
      %get3A_407 = tpu.vector_load %arg9[%get3A_406] {strides = array<i32>} : memref<8448xf32, #tpu.memory_space<vmem>>, vector<16xf32>,
      %add3A_408 = arith.addf %add3A_405, %get3A_407 : vector<16xf32>
      %get3A_409 = arith.constant 7488 : index
      %get3A_410 = tpu.vector_load %arg9[%get3A_409] {strides = array<i32>} : memref<8448xf32, #tpu.memory_space<vmem>>, vector<16xf32>,
      %add3A_411 = arith.addf %add3A_408, %get3A_410 : vector<16xf32>
      %get3A_412 = arith.constant 8016 : index
      %get3A_413 = tpu.vector_load %arg9[%get3A_412] {strides = array<i32>} : memref<8448xf32, #tpu.memory_space<vmem>>, vector<16xf32>,
      %add3A_414 = arith.addf %add3A_411, %get3A_413 : vector<16xf32>
      %swap3A_415 = arith.constant 96 : index
      %swap3A_416 = tpu.vector_load %arg10[%swap3A_415] {strides = array<i32>} : memref<512xf32, #tpu.memory_space<vmem>>, vector<16xf32>,
      tpu.vector_store %arg10[%swap3A_415], %add3A_414 {strides = array<i32>} : memref<512xf32, #tpu.memory_space<vmem>>, vector<16xf32>,
      %get3A_417 = arith.constant 112 : index
      %get3A_418 = tpu.vector_load %arg9[%get3A_417] {strides = array<i32>} : memref<8448xf32, #tpu.memory_space<vmem>>, vector<16xf32>,
      %get3A_419 = arith.constant 640 : index
      %get3A_420 = tpu.vector_load %arg9[%get3A_419] {strides = array<i32>} : memref<8448xf32, #tpu.memory_space<vmem>>, vector<16xf32>,
      %add3A_421 = arith.addf %get3A_418, %get3A_420 : vector<16xf32>
      %get3A_422 = arith.constant 1168 : index
      %get3A_423 = tpu.vector_load %arg9[%get3A_422] {strides = array<i32>} : memref<8448xf32, #tpu.memory_space<vmem>>, vector<16xf32>,
      %add3A_424 = arith.addf %add3A_421, %get3A_423 : vector<16xf32>
      %get3A_425 = arith.constant 1696 : index
      %get3A_426 = tpu.vector_load %arg9[%get3A_425] {strides = array<i32>} : memref<8448xf32, #tpu.memory_space<vmem>>, vector<16xf32>,
      %add3A_427 = arith.addf %add3A_424, %get3A_426 : vector<16xf32>
      %get3A_428 = arith.constant 2224 : index
      %get3A_429 = tpu.vector_load %arg9[%get3A_428] {strides = array<i32>} : memref<8448xf32, #tpu.memory_space<vmem>>, vector<16xf32>,
      %add3A_430 = arith.addf %add3A_427, %get3A_429 : vector<16xf32>
      %get3A_431 = arith.constant 2752 : index
      %get3A_432 = tpu.vector_load %arg9[%get3A_431] {strides = array<i32>} : memref<8448xf32, #tpu.memory_space<vmem>>, vector<16xf32>,
      %add3A_433 = arith.addf %add3A_430, %get3A_432 : vector<16xf32>
      %get3A_434 = arith.constant 3280 : index
      %get3A_435 = tpu.vector_load %arg9[%get3A_434] {strides = array<i32>} : memref<8448xf32, #tpu.memory_space<vmem>>, vector<16xf32>,
      %add3A_436 = arith.addf %add3A_433, %get3A_435 : vector<16xf32>
      %get3A_437 = arith.constant 3808 : index
      %get3A_438 = tpu.vector_load %arg9[%get3A_437] {strides = array<i32>} : memref<8448xf32, #tpu.memory_space<vmem>>, vector<16xf32>,
      %add3A_439 = arith.addf %add3A_436, %get3A_438 : vector<16xf32>
      %get3A_440 = arith.constant 4336 : index
      %get3A_441 = tpu.vector_load %arg9[%get3A_440] {strides = array<i32>} : memref<8448xf32, #tpu.memory_space<vmem>>, vector<16xf32>,
      %add3A_442 = arith.addf %add3A_439, %get3A_441 : vector<16xf32>
      %get3A_443 = arith.constant 4864 : index
      %get3A_444 = tpu.vector_load %arg9[%get3A_443] {strides = array<i32>} : memref<8448xf32, #tpu.memory_space<vmem>>, vector<16xf32>,
      %add3A_445 = arith.addf %add3A_442, %get3A_444 : vector<16xf32>
      %get3A_446 = arith.constant 5392 : index
      %get3A_447 = tpu.vector_load %arg9[%get3A_446] {strides = array<i32>} : memref<8448xf32, #tpu.memory_space<vmem>>, vector<16xf32>,
      %add3A_448 = arith.addf %add3A_445, %get3A_447 : vector<16xf32>
      %get3A_449 = arith.constant 5920 : index
      %get3A_450 = tpu.vector_load %arg9[%get3A_449] {strides = array<i32>} : memref<8448xf32, #tpu.memory_space<vmem>>, vector<16xf32>,
      %add3A_451 = arith.addf %add3A_448, %get3A_450 : vector<16xf32>
      %get3A_452 = arith.constant 6448 : index
      %get3A_453 = tpu.vector_load %arg9[%get3A_452] {strides = array<i32>} : memref<8448xf32, #tpu.memory_space<vmem>>, vector<16xf32>,
      %add3A_454 = arith.addf %add3A_451, %get3A_453 : vector<16xf32>
      %get3A_455 = arith.constant 6976 : index
      %get3A_456 = tpu.vector_load %arg9[%get3A_455] {strides = array<i32>} : memref<8448xf32, #tpu.memory_space<vmem>>, vector<16xf32>,
      %add3A_457 = arith.addf %add3A_454, %get3A_456 : vector<16xf32>
      %get3A_458 = arith.constant 7504 : index
      %get3A_459 = tpu.vector_load %arg9[%get3A_458] {strides = array<i32>} : memref<8448xf32, #tpu.memory_space<vmem>>, vector<16xf32>,
      %add3A_460 = arith.addf %add3A_457, %get3A_459 : vector<16xf32>
      %get3A_461 = arith.constant 8032 : index
      %get3A_462 = tpu.vector_load %arg9[%get3A_461] {strides = array<i32>} : memref<8448xf32, #tpu.memory_space<vmem>>, vector<16xf32>,
      %add3A_463 = arith.addf %add3A_460, %get3A_462 : vector<16xf32>
      %swap3A_464 = arith.constant 112 : index
      %swap3A_465 = tpu.vector_load %arg10[%swap3A_464] {strides = array<i32>} : memref<512xf32, #tpu.memory_space<vmem>>, vector<16xf32>,
      tpu.vector_store %arg10[%swap3A_464], %add3A_463 {strides = array<i32>} : memref<512xf32, #tpu.memory_space<vmem>>, vector<16xf32>,
      %get3A_466 = arith.constant 128 : index
      %get3A_467 = tpu.vector_load %arg9[%get3A_466] {strides = array<i32>} : memref<8448xf32, #tpu.memory_space<vmem>>, vector<16xf32>,
      %get3A_468 = arith.constant 656 : index
      %get3A_469 = tpu.vector_load %arg9[%get3A_468] {strides = array<i32>} : memref<8448xf32, #tpu.memory_space<vmem>>, vector<16xf32>,
      %add3A_470 = arith.addf %get3A_467, %get3A_469 : vector<16xf32>
      %get3A_471 = arith.constant 1184 : index
      %get3A_472 = tpu.vector_load %arg9[%get3A_471] {strides = array<i32>} : memref<8448xf32, #tpu.memory_space<vmem>>, vector<16xf32>,
      %add3A_473 = arith.addf %add3A_470, %get3A_472 : vector<16xf32>
      %get3A_474 = arith.constant 1712 : index
      %get3A_475 = tpu.vector_load %arg9[%get3A_474] {strides = array<i32>} : memref<8448xf32, #tpu.memory_space<vmem>>, vector<16xf32>,
      %add3A_476 = arith.addf %add3A_473, %get3A_475 : vector<16xf32>
      %get3A_477 = arith.constant 2240 : index
      %get3A_478 = tpu.vector_load %arg9[%get3A_477] {strides = array<i32>} : memref<8448xf32, #tpu.memory_space<vmem>>, vector<16xf32>,
      %add3A_479 = arith.addf %add3A_476, %get3A_478 : vector<16xf32>
      %get3A_480 = arith.constant 2768 : index
      %get3A_481 = tpu.vector_load %arg9[%get3A_480] {strides = array<i32>} : memref<8448xf32, #tpu.memory_space<vmem>>, vector<16xf32>,
      %add3A_482 = arith.addf %add3A_479, %get3A_481 : vector<16xf32>
      %get3A_483 = arith.constant 3296 : index
      %get3A_484 = tpu.vector_load %arg9[%get3A_483] {strides = array<i32>} : memref<8448xf32, #tpu.memory_space<vmem>>, vector<16xf32>,
      %add3A_485 = arith.addf %add3A_482, %get3A_484 : vector<16xf32>
      %get3A_486 = arith.constant 3824 : index
      %get3A_487 = tpu.vector_load %arg9[%get3A_486] {strides = array<i32>} : memref<8448xf32, #tpu.memory_space<vmem>>, vector<16xf32>,
      %add3A_488 = arith.addf %add3A_485, %get3A_487 : vector<16xf32>
      %get3A_489 = arith.constant 4352 : index
      %get3A_490 = tpu.vector_load %arg9[%get3A_489] {strides = array<i32>} : memref<8448xf32, #tpu.memory_space<vmem>>, vector<16xf32>,
      %add3A_491 = arith.addf %add3A_488, %get3A_490 : vector<16xf32>
      %get3A_492 = arith.constant 4880 : index
      %get3A_493 = tpu.vector_load %arg9[%get3A_492] {strides = array<i32>} : memref<8448xf32, #tpu.memory_space<vmem>>, vector<16xf32>,
      %add3A_494 = arith.addf %add3A_491, %get3A_493 : vector<16xf32>
      %get3A_495 = arith.constant 5408 : index
      %get3A_496 = tpu.vector_load %arg9[%get3A_495] {strides = array<i32>} : memref<8448xf32, #tpu.memory_space<vmem>>, vector<16xf32>,
      %add3A_497 = arith.addf %add3A_494, %get3A_496 : vector<16xf32>
      %get3A_498 = arith.constant 5936 : index
      %get3A_499 = tpu.vector_load %arg9[%get3A_498] {strides = array<i32>} : memref<8448xf32, #tpu.memory_space<vmem>>, vector<16xf32>,
      %add3A_500 = arith.addf %add3A_497, %get3A_499 : vector<16xf32>
      %get3A_501 = arith.constant 6464 : index
      %get3A_502 = tpu.vector_load %arg9[%get3A_501] {strides = array<i32>} : memref<8448xf32, #tpu.memory_space<vmem>>, vector<16xf32>,
      %add3A_503 = arith.addf %add3A_500, %get3A_502 : vector<16xf32>
      %get3A_504 = arith.constant 6992 : index
      %get3A_505 = tpu.vector_load %arg9[%get3A_504] {strides = array<i32>} : memref<8448xf32, #tpu.memory_space<vmem>>, vector<16xf32>,
      %add3A_506 = arith.addf %add3A_503, %get3A_505 : vector<16xf32>
      %get3A_507 = arith.constant 7520 : index
      %get3A_508 = tpu.vector_load %arg9[%get3A_507] {strides = array<i32>} : memref<8448xf32, #tpu.memory_space<vmem>>, vector<16xf32>,
      %add3A_509 = arith.addf %add3A_506, %get3A_508 : vector<16xf32>
      %get3A_510 = arith.constant 8048 : index
      %get3A_511 = tpu.vector_load %arg9[%get3A_510] {strides = array<i32>} : memref<8448xf32, #tpu.memory_space<vmem>>, vector<16xf32>,
      %add3A_512 = arith.addf %add3A_509, %get3A_511 : vector<16xf32>
      %swap3A_513 = arith.constant 128 : index
      %swap3A_514 = tpu.vector_load %arg10[%swap3A_513] {strides = array<i32>} : memref<512xf32, #tpu.memory_space<vmem>>, vector<16xf32>,
      tpu.vector_store %arg10[%swap3A_513], %add3A_512 {strides = array<i32>} : memref<512xf32, #tpu.memory_space<vmem>>, vector<16xf32>,
      %get3A_515 = arith.constant 144 : index
      %get3A_516 = tpu.vector_load %arg9[%get3A_515] {strides = array<i32>} : memref<8448xf32, #tpu.memory_space<vmem>>, vector<16xf32>,
      %get3A_517 = arith.constant 672 : index
      %get3A_518 = tpu.vector_load %arg9[%get3A_517] {strides = array<i32>} : memref<8448xf32, #tpu.memory_space<vmem>>, vector<16xf32>,
      %add3A_519 = arith.addf %get3A_516, %get3A_518 : vector<16xf32>
      %get3A_520 = arith.constant 1200 : index
      %get3A_521 = tpu.vector_load %arg9[%get3A_520] {strides = array<i32>} : memref<8448xf32, #tpu.memory_space<vmem>>, vector<16xf32>,
      %add3A_522 = arith.addf %add3A_519, %get3A_521 : vector<16xf32>
      %get3A_523 = arith.constant 1728 : index
      %get3A_524 = tpu.vector_load %arg9[%get3A_523] {strides = array<i32>} : memref<8448xf32, #tpu.memory_space<vmem>>, vector<16xf32>,
      %add3A_525 = arith.addf %add3A_522, %get3A_524 : vector<16xf32>
      %get3A_526 = arith.constant 2256 : index
      %get3A_527 = tpu.vector_load %arg9[%get3A_526] {strides = array<i32>} : memref<8448xf32, #tpu.memory_space<vmem>>, vector<16xf32>,
      %add3A_528 = arith.addf %add3A_525, %get3A_527 : vector<16xf32>
      %get3A_529 = arith.constant 2784 : index
      %get3A_530 = tpu.vector_load %arg9[%get3A_529] {strides = array<i32>} : memref<8448xf32, #tpu.memory_space<vmem>>, vector<16xf32>,
      %add3A_531 = arith.addf %add3A_528, %get3A_530 : vector<16xf32>
      %get3A_532 = arith.constant 3312 : index
      %get3A_533 = tpu.vector_load %arg9[%get3A_532] {strides = array<i32>} : memref<8448xf32, #tpu.memory_space<vmem>>, vector<16xf32>,
      %add3A_534 = arith.addf %add3A_531, %get3A_533 : vector<16xf32>
      %get3A_535 = arith.constant 3840 : index
      %get3A_536 = tpu.vector_load %arg9[%get3A_535] {strides = array<i32>} : memref<8448xf32, #tpu.memory_space<vmem>>, vector<16xf32>,
      %add3A_537 = arith.addf %add3A_534, %get3A_536 : vector<16xf32>
      %get3A_538 = arith.constant 4368 : index
      %get3A_539 = tpu.vector_load %arg9[%get3A_538] {strides = array<i32>} : memref<8448xf32, #tpu.memory_space<vmem>>, vector<16xf32>,
      %add3A_540 = arith.addf %add3A_537, %get3A_539 : vector<16xf32>
      %get3A_541 = arith.constant 4896 : index
      %get3A_542 = tpu.vector_load %arg9[%get3A_541] {strides = array<i32>} : memref<8448xf32, #tpu.memory_space<vmem>>, vector<16xf32>,
      %add3A_543 = arith.addf %add3A_540, %get3A_542 : vector<16xf32>
      %get3A_544 = arith.constant 5424 : index
      %get3A_545 = tpu.vector_load %arg9[%get3A_544] {strides = array<i32>} : memref<8448xf32, #tpu.memory_space<vmem>>, vector<16xf32>,
      %add3A_546 = arith.addf %add3A_543, %get3A_545 : vector<16xf32>
      %get3A_547 = arith.constant 5952 : index
      %get3A_548 = tpu.vector_load %arg9[%get3A_547] {strides = array<i32>} : memref<8448xf32, #tpu.memory_space<vmem>>, vector<16xf32>,
      %add3A_549 = arith.addf %add3A_546, %get3A_548 : vector<16xf32>
      %get3A_550 = arith.constant 6480 : index
      %get3A_551 = tpu.vector_load %arg9[%get3A_550] {strides = array<i32>} : memref<8448xf32, #tpu.memory_space<vmem>>, vector<16xf32>,
      %add3A_552 = arith.addf %add3A_549, %get3A_551 : vector<16xf32>
      %get3A_553 = arith.constant 7008 : index
      %get3A_554 = tpu.vector_load %arg9[%get3A_553] {strides = array<i32>} : memref<8448xf32, #tpu.memory_space<vmem>>, vector<16xf32>,
      %add3A_555 = arith.addf %add3A_552, %get3A_554 : vector<16xf32>
      %get3A_556 = arith.constant 7536 : index
      %get3A_557 = tpu.vector_load %arg9[%get3A_556] {strides = array<i32>} : memref<8448xf32, #tpu.memory_space<vmem>>, vector<16xf32>,
      %add3A_558 = arith.addf %add3A_555, %get3A_557 : vector<16xf32>
      %get3A_559 = arith.constant 8064 : index
      %get3A_560 = tpu.vector_load %arg9[%get3A_559] {strides = array<i32>} : memref<8448xf32, #tpu.memory_space<vmem>>, vector<16xf32>,
      %add3A_561 = arith.addf %add3A_558, %get3A_560 : vector<16xf32>
      %swap3A_562 = arith.constant 144 : index
      %swap3A_563 = tpu.vector_load %arg10[%swap3A_562] {strides = array<i32>} : memref<512xf32, #tpu.memory_space<vmem>>, vector<16xf32>,
      tpu.vector_store %arg10[%swap3A_562], %add3A_561 {strides = array<i32>} : memref<512xf32, #tpu.memory_space<vmem>>, vector<16xf32>,
      %get3A_564 = arith.constant 160 : index
      %get3A_565 = tpu.vector_load %arg9[%get3A_564] {strides = array<i32>} : memref<8448xf32, #tpu.memory_space<vmem>>, vector<16xf32>,
      %get3A_566 = arith.constant 688 : index
      %get3A_567 = tpu.vector_load %arg9[%get3A_566] {strides = array<i32>} : memref<8448xf32, #tpu.memory_space<vmem>>, vector<16xf32>,
      %add3A_568 = arith.addf %get3A_565, %get3A_567 : vector<16xf32>
      %get3A_569 = arith.constant 1216 : index
      %get3A_570 = tpu.vector_load %arg9[%get3A_569] {strides = array<i32>} : memref<8448xf32, #tpu.memory_space<vmem>>, vector<16xf32>,
      %add3A_571 = arith.addf %add3A_568, %get3A_570 : vector<16xf32>
      %get3A_572 = arith.constant 1744 : index
      %get3A_573 = tpu.vector_load %arg9[%get3A_572] {strides = array<i32>} : memref<8448xf32, #tpu.memory_space<vmem>>, vector<16xf32>,
      %add3A_574 = arith.addf %add3A_571, %get3A_573 : vector<16xf32>
      %get3A_575 = arith.constant 2272 : index
      %get3A_576 = tpu.vector_load %arg9[%get3A_575] {strides = array<i32>} : memref<8448xf32, #tpu.memory_space<vmem>>, vector<16xf32>,
      %add3A_577 = arith.addf %add3A_574, %get3A_576 : vector<16xf32>
      %get3A_578 = arith.constant 2800 : index
      %get3A_579 = tpu.vector_load %arg9[%get3A_578] {strides = array<i32>} : memref<8448xf32, #tpu.memory_space<vmem>>, vector<16xf32>,
      %add3A_580 = arith.addf %add3A_577, %get3A_579 : vector<16xf32>
      %get3A_581 = arith.constant 3328 : index
      %get3A_582 = tpu.vector_load %arg9[%get3A_581] {strides = array<i32>} : memref<8448xf32, #tpu.memory_space<vmem>>, vector<16xf32>,
      %add3A_583 = arith.addf %add3A_580, %get3A_582 : vector<16xf32>
      %get3A_584 = arith.constant 3856 : index
      %get3A_585 = tpu.vector_load %arg9[%get3A_584] {strides = array<i32>} : memref<8448xf32, #tpu.memory_space<vmem>>, vector<16xf32>,
      %add3A_586 = arith.addf %add3A_583, %get3A_585 : vector<16xf32>
      %get3A_587 = arith.constant 4384 : index
      %get3A_588 = tpu.vector_load %arg9[%get3A_587] {strides = array<i32>} : memref<8448xf32, #tpu.memory_space<vmem>>, vector<16xf32>,
      %add3A_589 = arith.addf %add3A_586, %get3A_588 : vector<16xf32>
      %get3A_590 = arith.constant 4912 : index
      %get3A_591 = tpu.vector_load %arg9[%get3A_590] {strides = array<i32>} : memref<8448xf32, #tpu.memory_space<vmem>>, vector<16xf32>,
      %add3A_592 = arith.addf %add3A_589, %get3A_591 : vector<16xf32>
      %get3A_593 = arith.constant 5440 : index
      %get3A_594 = tpu.vector_load %arg9[%get3A_593] {strides = array<i32>} : memref<8448xf32, #tpu.memory_space<vmem>>, vector<16xf32>,
      %add3A_595 = arith.addf %add3A_592, %get3A_594 : vector<16xf32>
      %get3A_596 = arith.constant 5968 : index
      %get3A_597 = tpu.vector_load %arg9[%get3A_596] {strides = array<i32>} : memref<8448xf32, #tpu.memory_space<vmem>>, vector<16xf32>,
      %add3A_598 = arith.addf %add3A_595, %get3A_597 : vector<16xf32>
      %get3A_599 = arith.constant 6496 : index
      %get3A_600 = tpu.vector_load %arg9[%get3A_599] {strides = array<i32>} : memref<8448xf32, #tpu.memory_space<vmem>>, vector<16xf32>,
      %add3A_601 = arith.addf %add3A_598, %get3A_600 : vector<16xf32>
      %get3A_602 = arith.constant 7024 : index
      %get3A_603 = tpu.vector_load %arg9[%get3A_602] {strides = array<i32>} : memref<8448xf32, #tpu.memory_space<vmem>>, vector<16xf32>,
      %add3A_604 = arith.addf %add3A_601, %get3A_603 : vector<16xf32>
      %get3A_605 = arith.constant 7552 : index
      %get3A_606 = tpu.vector_load %arg9[%get3A_605] {strides = array<i32>} : memref<8448xf32, #tpu.memory_space<vmem>>, vector<16xf32>,
      %add3A_607 = arith.addf %add3A_604, %get3A_606 : vector<16xf32>
      %get3A_608 = arith.constant 8080 : index
      %get3A_609 = tpu.vector_load %arg9[%get3A_608] {strides = array<i32>} : memref<8448xf32, #tpu.memory_space<vmem>>, vector<16xf32>,
      %add3A_610 = arith.addf %add3A_607, %get3A_609 : vector<16xf32>
      %swap3A_611 = arith.constant 160 : index
      %swap3A_612 = tpu.vector_load %arg10[%swap3A_611] {strides = array<i32>} : memref<512xf32, #tpu.memory_space<vmem>>, vector<16xf32>,
      tpu.vector_store %arg10[%swap3A_611], %add3A_610 {strides = array<i32>} : memref<512xf32, #tpu.memory_space<vmem>>, vector<16xf32>,
      %get3A_613 = arith.constant 176 : index
      %get3A_614 = tpu.vector_load %arg9[%get3A_613] {strides = array<i32>} : memref<8448xf32, #tpu.memory_space<vmem>>, vector<16xf32>,
      %get3A_615 = arith.constant 704 : index
      %get3A_616 = tpu.vector_load %arg9[%get3A_615] {strides = array<i32>} : memref<8448xf32, #tpu.memory_space<vmem>>, vector<16xf32>,
      %add3A_617 = arith.addf %get3A_614, %get3A_616 : vector<16xf32>
      %get3A_618 = arith.constant 1232 : index
      %get3A_619 = tpu.vector_load %arg9[%get3A_618] {strides = array<i32>} : memref<8448xf32, #tpu.memory_space<vmem>>, vector<16xf32>,
      %add3A_620 = arith.addf %add3A_617, %get3A_619 : vector<16xf32>
      %get3A_621 = arith.constant 1760 : index
      %get3A_622 = tpu.vector_load %arg9[%get3A_621] {strides = array<i32>} : memref<8448xf32, #tpu.memory_space<vmem>>, vector<16xf32>,
      %add3A_623 = arith.addf %add3A_620, %get3A_622 : vector<16xf32>
      %get3A_624 = arith.constant 2288 : index
      %get3A_625 = tpu.vector_load %arg9[%get3A_624] {strides = array<i32>} : memref<8448xf32, #tpu.memory_space<vmem>>, vector<16xf32>,
      %add3A_626 = arith.addf %add3A_623, %get3A_625 : vector<16xf32>
      %get3A_627 = arith.constant 2816 : index
      %get3A_628 = tpu.vector_load %arg9[%get3A_627] {strides = array<i32>} : memref<8448xf32, #tpu.memory_space<vmem>>, vector<16xf32>,
      %add3A_629 = arith.addf %add3A_626, %get3A_628 : vector<16xf32>
      %get3A_630 = arith.constant 3344 : index
      %get3A_631 = tpu.vector_load %arg9[%get3A_630] {strides = array<i32>} : memref<8448xf32, #tpu.memory_space<vmem>>, vector<16xf32>,
      %add3A_632 = arith.addf %add3A_629, %get3A_631 : vector<16xf32>
      %get3A_633 = arith.constant 3872 : index
      %get3A_634 = tpu.vector_load %arg9[%get3A_633] {strides = array<i32>} : memref<8448xf32, #tpu.memory_space<vmem>>, vector<16xf32>,
      %add3A_635 = arith.addf %add3A_632, %get3A_634 : vector<16xf32>
      %get3A_636 = arith.constant 4400 : index
      %get3A_637 = tpu.vector_load %arg9[%get3A_636] {strides = array<i32>} : memref<8448xf32, #tpu.memory_space<vmem>>, vector<16xf32>,
      %add3A_638 = arith.addf %add3A_635, %get3A_637 : vector<16xf32>
      %get3A_639 = arith.constant 4928 : index
      %get3A_640 = tpu.vector_load %arg9[%get3A_639] {strides = array<i32>} : memref<8448xf32, #tpu.memory_space<vmem>>, vector<16xf32>,
      %add3A_641 = arith.addf %add3A_638, %get3A_640 : vector<16xf32>
      %get3A_642 = arith.constant 5456 : index
      %get3A_643 = tpu.vector_load %arg9[%get3A_642] {strides = array<i32>} : memref<8448xf32, #tpu.memory_space<vmem>>, vector<16xf32>,
      %add3A_644 = arith.addf %add3A_641, %get3A_643 : vector<16xf32>
      %get3A_645 = arith.constant 5984 : index
      %get3A_646 = tpu.vector_load %arg9[%get3A_645] {strides = array<i32>} : memref<8448xf32, #tpu.memory_space<vmem>>, vector<16xf32>,
      %add3A_647 = arith.addf %add3A_644, %get3A_646 : vector<16xf32>
      %get3A_648 = arith.constant 6512 : index
      %get3A_649 = tpu.vector_load %arg9[%get3A_648] {strides = array<i32>} : memref<8448xf32, #tpu.memory_space<vmem>>, vector<16xf32>,
      %add3A_650 = arith.addf %add3A_647, %get3A_649 : vector<16xf32>
      %get3A_651 = arith.constant 7040 : index
      %get3A_652 = tpu.vector_load %arg9[%get3A_651] {strides = array<i32>} : memref<8448xf32, #tpu.memory_space<vmem>>, vector<16xf32>,
      %add3A_653 = arith.addf %add3A_650, %get3A_652 : vector<16xf32>
      %get3A_654 = arith.constant 7568 : index
      %get3A_655 = tpu.vector_load %arg9[%get3A_654] {strides = array<i32>} : memref<8448xf32, #tpu.memory_space<vmem>>, vector<16xf32>,
      %add3A_656 = arith.addf %add3A_653, %get3A_655 : vector<16xf32>
      %get3A_657 = arith.constant 8096 : index
      %get3A_658 = tpu.vector_load %arg9[%get3A_657] {strides = array<i32>} : memref<8448xf32, #tpu.memory_space<vmem>>, vector<16xf32>,
      %add3A_659 = arith.addf %add3A_656, %get3A_658 : vector<16xf32>
      %swap3A_660 = arith.constant 176 : index
      %swap3A_661 = tpu.vector_load %arg10[%swap3A_660] {strides = array<i32>} : memref<512xf32, #tpu.memory_space<vmem>>, vector<16xf32>,
      tpu.vector_store %arg10[%swap3A_660], %add3A_659 {strides = array<i32>} : memref<512xf32, #tpu.memory_space<vmem>>, vector<16xf32>,
      %get3A_662 = arith.constant 192 : index
      %get3A_663 = tpu.vector_load %arg9[%get3A_662] {strides = array<i32>} : memref<8448xf32, #tpu.memory_space<vmem>>, vector<16xf32>,
      %get3A_664 = arith.constant 720 : index
      %get3A_665 = tpu.vector_load %arg9[%get3A_664] {strides = array<i32>} : memref<8448xf32, #tpu.memory_space<vmem>>, vector<16xf32>,
      %add3A_666 = arith.addf %get3A_663, %get3A_665 : vector<16xf32>
      %get3A_667 = arith.constant 1248 : index
      %get3A_668 = tpu.vector_load %arg9[%get3A_667] {strides = array<i32>} : memref<8448xf32, #tpu.memory_space<vmem>>, vector<16xf32>,
      %add3A_669 = arith.addf %add3A_666, %get3A_668 : vector<16xf32>
      %get3A_670 = arith.constant 1776 : index
      %get3A_671 = tpu.vector_load %arg9[%get3A_670] {strides = array<i32>} : memref<8448xf32, #tpu.memory_space<vmem>>, vector<16xf32>,
      %add3A_672 = arith.addf %add3A_669, %get3A_671 : vector<16xf32>
      %get3A_673 = arith.constant 2304 : index
      %get3A_674 = tpu.vector_load %arg9[%get3A_673] {strides = array<i32>} : memref<8448xf32, #tpu.memory_space<vmem>>, vector<16xf32>,
      %add3A_675 = arith.addf %add3A_672, %get3A_674 : vector<16xf32>
      %get3A_676 = arith.constant 2832 : index
      %get3A_677 = tpu.vector_load %arg9[%get3A_676] {strides = array<i32>} : memref<8448xf32, #tpu.memory_space<vmem>>, vector<16xf32>,
      %add3A_678 = arith.addf %add3A_675, %get3A_677 : vector<16xf32>
      %get3A_679 = arith.constant 3360 : index
      %get3A_680 = tpu.vector_load %arg9[%get3A_679] {strides = array<i32>} : memref<8448xf32, #tpu.memory_space<vmem>>, vector<16xf32>,
      %add3A_681 = arith.addf %add3A_678, %get3A_680 : vector<16xf32>
      %get3A_682 = arith.constant 3888 : index
      %get3A_683 = tpu.vector_load %arg9[%get3A_682] {strides = array<i32>} : memref<8448xf32, #tpu.memory_space<vmem>>, vector<16xf32>,
      %add3A_684 = arith.addf %add3A_681, %get3A_683 : vector<16xf32>
      %get3A_685 = arith.constant 4416 : index
      %get3A_686 = tpu.vector_load %arg9[%get3A_685] {strides = array<i32>} : memref<8448xf32, #tpu.memory_space<vmem>>, vector<16xf32>,
      %add3A_687 = arith.addf %add3A_684, %get3A_686 : vector<16xf32>
      %get3A_688 = arith.constant 4944 : index
      %get3A_689 = tpu.vector_load %arg9[%get3A_688] {strides = array<i32>} : memref<8448xf32, #tpu.memory_space<vmem>>, vector<16xf32>,
      %add3A_690 = arith.addf %add3A_687, %get3A_689 : vector<16xf32>
      %get3A_691 = arith.constant 5472 : index
      %get3A_692 = tpu.vector_load %arg9[%get3A_691] {strides = array<i32>} : memref<8448xf32, #tpu.memory_space<vmem>>, vector<16xf32>,
      %add3A_693 = arith.addf %add3A_690, %get3A_692 : vector<16xf32>
      %get3A_694 = arith.constant 6000 : index
      %get3A_695 = tpu.vector_load %arg9[%get3A_694] {strides = array<i32>} : memref<8448xf32, #tpu.memory_space<vmem>>, vector<16xf32>,
      %add3A_696 = arith.addf %add3A_693, %get3A_695 : vector<16xf32>
      %get3A_697 = arith.constant 6528 : index
      %get3A_698 = tpu.vector_load %arg9[%get3A_697] {strides = array<i32>} : memref<8448xf32, #tpu.memory_space<vmem>>, vector<16xf32>,
      %add3A_699 = arith.addf %add3A_696, %get3A_698 : vector<16xf32>
      %get3A_700 = arith.constant 7056 : index
      %get3A_701 = tpu.vector_load %arg9[%get3A_700] {strides = array<i32>} : memref<8448xf32, #tpu.memory_space<vmem>>, vector<16xf32>,
      %add3A_702 = arith.addf %add3A_699, %get3A_701 : vector<16xf32>
      %get3A_703 = arith.constant 7584 : index
      %get3A_704 = tpu.vector_load %arg9[%get3A_703] {strides = array<i32>} : memref<8448xf32, #tpu.memory_space<vmem>>, vector<16xf32>,
      %add3A_705 = arith.addf %add3A_702, %get3A_704 : vector<16xf32>
      %get3A_706 = arith.constant 8112 : index
      %get3A_707 = tpu.vector_load %arg9[%get3A_706] {strides = array<i32>} : memref<8448xf32, #tpu.memory_space<vmem>>, vector<16xf32>,
      %add3A_708 = arith.addf %add3A_705, %get3A_707 : vector<16xf32>
      %swap3A_709 = arith.constant 192 : index
      %swap3A_710 = tpu.vector_load %arg10[%swap3A_709] {strides = array<i32>} : memref<512xf32, #tpu.memory_space<vmem>>, vector<16xf32>,
      tpu.vector_store %arg10[%swap3A_709], %add3A_708 {strides = array<i32>} : memref<512xf32, #tpu.memory_space<vmem>>, vector<16xf32>,
      %get3A_711 = arith.constant 208 : index
      %get3A_712 = tpu.vector_load %arg9[%get3A_711] {strides = array<i32>} : memref<8448xf32, #tpu.memory_space<vmem>>, vector<16xf32>,
      %get3A_713 = arith.constant 736 : index
      %get3A_714 = tpu.vector_load %arg9[%get3A_713] {strides = array<i32>} : memref<8448xf32, #tpu.memory_space<vmem>>, vector<16xf32>,
      %add3A_715 = arith.addf %get3A_712, %get3A_714 : vector<16xf32>
      %get3A_716 = arith.constant 1264 : index
      %get3A_717 = tpu.vector_load %arg9[%get3A_716] {strides = array<i32>} : memref<8448xf32, #tpu.memory_space<vmem>>, vector<16xf32>,
      %add3A_718 = arith.addf %add3A_715, %get3A_717 : vector<16xf32>
      %get3A_719 = arith.constant 1792 : index
      %get3A_720 = tpu.vector_load %arg9[%get3A_719] {strides = array<i32>} : memref<8448xf32, #tpu.memory_space<vmem>>, vector<16xf32>,
      %add3A_721 = arith.addf %add3A_718, %get3A_720 : vector<16xf32>
      %get3A_722 = arith.constant 2320 : index
      %get3A_723 = tpu.vector_load %arg9[%get3A_722] {strides = array<i32>} : memref<8448xf32, #tpu.memory_space<vmem>>, vector<16xf32>,
      %add3A_724 = arith.addf %add3A_721, %get3A_723 : vector<16xf32>
      %get3A_725 = arith.constant 2848 : index
      %get3A_726 = tpu.vector_load %arg9[%get3A_725] {strides = array<i32>} : memref<8448xf32, #tpu.memory_space<vmem>>, vector<16xf32>,
      %add3A_727 = arith.addf %add3A_724, %get3A_726 : vector<16xf32>
      %get3A_728 = arith.constant 3376 : index
      %get3A_729 = tpu.vector_load %arg9[%get3A_728] {strides = array<i32>} : memref<8448xf32, #tpu.memory_space<vmem>>, vector<16xf32>,
      %add3A_730 = arith.addf %add3A_727, %get3A_729 : vector<16xf32>
      %get3A_731 = arith.constant 3904 : index
      %get3A_732 = tpu.vector_load %arg9[%get3A_731] {strides = array<i32>} : memref<8448xf32, #tpu.memory_space<vmem>>, vector<16xf32>,
      %add3A_733 = arith.addf %add3A_730, %get3A_732 : vector<16xf32>
      %get3A_734 = arith.constant 4432 : index
      %get3A_735 = tpu.vector_load %arg9[%get3A_734] {strides = array<i32>} : memref<8448xf32, #tpu.memory_space<vmem>>, vector<16xf32>,
      %add3A_736 = arith.addf %add3A_733, %get3A_735 : vector<16xf32>
      %get3A_737 = arith.constant 4960 : index
      %get3A_738 = tpu.vector_load %arg9[%get3A_737] {strides = array<i32>} : memref<8448xf32, #tpu.memory_space<vmem>>, vector<16xf32>,
      %add3A_739 = arith.addf %add3A_736, %get3A_738 : vector<16xf32>
      %get3A_740 = arith.constant 5488 : index
      %get3A_741 = tpu.vector_load %arg9[%get3A_740] {strides = array<i32>} : memref<8448xf32, #tpu.memory_space<vmem>>, vector<16xf32>,
      %add3A_742 = arith.addf %add3A_739, %get3A_741 : vector<16xf32>
      %get3A_743 = arith.constant 6016 : index
      %get3A_744 = tpu.vector_load %arg9[%get3A_743] {strides = array<i32>} : memref<8448xf32, #tpu.memory_space<vmem>>, vector<16xf32>,
      %add3A_745 = arith.addf %add3A_742, %get3A_744 : vector<16xf32>
      %get3A_746 = arith.constant 6544 : index
      %get3A_747 = tpu.vector_load %arg9[%get3A_746] {strides = array<i32>} : memref<8448xf32, #tpu.memory_space<vmem>>, vector<16xf32>,
      %add3A_748 = arith.addf %add3A_745, %get3A_747 : vector<16xf32>
      %get3A_749 = arith.constant 7072 : index
      %get3A_750 = tpu.vector_load %arg9[%get3A_749] {strides = array<i32>} : memref<8448xf32, #tpu.memory_space<vmem>>, vector<16xf32>,
      %add3A_751 = arith.addf %add3A_748, %get3A_750 : vector<16xf32>
      %get3A_752 = arith.constant 7600 : index
      %get3A_753 = tpu.vector_load %arg9[%get3A_752] {strides = array<i32>} : memref<8448xf32, #tpu.memory_space<vmem>>, vector<16xf32>,
      %add3A_754 = arith.addf %add3A_751, %get3A_753 : vector<16xf32>
      %get3A_755 = arith.constant 8128 : index
      %get3A_756 = tpu.vector_load %arg9[%get3A_755] {strides = array<i32>} : memref<8448xf32, #tpu.memory_space<vmem>>, vector<16xf32>,
      %add3A_757 = arith.addf %add3A_754, %get3A_756 : vector<16xf32>
      %swap3A_758 = arith.constant 208 : index
      %swap3A_759 = tpu.vector_load %arg10[%swap3A_758] {strides = array<i32>} : memref<512xf32, #tpu.memory_space<vmem>>, vector<16xf32>,
      tpu.vector_store %arg10[%swap3A_758], %add3A_757 {strides = array<i32>} : memref<512xf32, #tpu.memory_space<vmem>>, vector<16xf32>,
      %get3A_760 = arith.constant 224 : index
      %get3A_761 = tpu.vector_load %arg9[%get3A_760] {strides = array<i32>} : memref<8448xf32, #tpu.memory_space<vmem>>, vector<16xf32>,
      %get3A_762 = arith.constant 752 : index
      %get3A_763 = tpu.vector_load %arg9[%get3A_762] {strides = array<i32>} : memref<8448xf32, #tpu.memory_space<vmem>>, vector<16xf32>,
      %add3A_764 = arith.addf %get3A_761, %get3A_763 : vector<16xf32>
      %get3A_765 = arith.constant 1280 : index
      %get3A_766 = tpu.vector_load %arg9[%get3A_765] {strides = array<i32>} : memref<8448xf32, #tpu.memory_space<vmem>>, vector<16xf32>,
      %add3A_767 = arith.addf %add3A_764, %get3A_766 : vector<16xf32>
      %get3A_768 = arith.constant 1808 : index
      %get3A_769 = tpu.vector_load %arg9[%get3A_768] {strides = array<i32>} : memref<8448xf32, #tpu.memory_space<vmem>>, vector<16xf32>,
      %add3A_770 = arith.addf %add3A_767, %get3A_769 : vector<16xf32>
      %get3A_771 = arith.constant 2336 : index
      %get3A_772 = tpu.vector_load %arg9[%get3A_771] {strides = array<i32>} : memref<8448xf32, #tpu.memory_space<vmem>>, vector<16xf32>,
      %add3A_773 = arith.addf %add3A_770, %get3A_772 : vector<16xf32>
      %get3A_774 = arith.constant 2864 : index
      %get3A_775 = tpu.vector_load %arg9[%get3A_774] {strides = array<i32>} : memref<8448xf32, #tpu.memory_space<vmem>>, vector<16xf32>,
      %add3A_776 = arith.addf %add3A_773, %get3A_775 : vector<16xf32>
      %get3A_777 = arith.constant 3392 : index
      %get3A_778 = tpu.vector_load %arg9[%get3A_777] {strides = array<i32>} : memref<8448xf32, #tpu.memory_space<vmem>>, vector<16xf32>,
      %add3A_779 = arith.addf %add3A_776, %get3A_778 : vector<16xf32>
      %get3A_780 = arith.constant 3920 : index
      %get3A_781 = tpu.vector_load %arg9[%get3A_780] {strides = array<i32>} : memref<8448xf32, #tpu.memory_space<vmem>>, vector<16xf32>,
      %add3A_782 = arith.addf %add3A_779, %get3A_781 : vector<16xf32>
      %get3A_783 = arith.constant 4448 : index
      %get3A_784 = tpu.vector_load %arg9[%get3A_783] {strides = array<i32>} : memref<8448xf32, #tpu.memory_space<vmem>>, vector<16xf32>,
      %add3A_785 = arith.addf %add3A_782, %get3A_784 : vector<16xf32>
      %get3A_786 = arith.constant 4976 : index
      %get3A_787 = tpu.vector_load %arg9[%get3A_786] {strides = array<i32>} : memref<8448xf32, #tpu.memory_space<vmem>>, vector<16xf32>,
      %add3A_788 = arith.addf %add3A_785, %get3A_787 : vector<16xf32>
      %get3A_789 = arith.constant 5504 : index
      %get3A_790 = tpu.vector_load %arg9[%get3A_789] {strides = array<i32>} : memref<8448xf32, #tpu.memory_space<vmem>>, vector<16xf32>,
      %add3A_791 = arith.addf %add3A_788, %get3A_790 : vector<16xf32>
      %get3A_792 = arith.constant 6032 : index
      %get3A_793 = tpu.vector_load %arg9[%get3A_792] {strides = array<i32>} : memref<8448xf32, #tpu.memory_space<vmem>>, vector<16xf32>,
      %add3A_794 = arith.addf %add3A_791, %get3A_793 : vector<16xf32>
      %get3A_795 = arith.constant 6560 : index
      %get3A_796 = tpu.vector_load %arg9[%get3A_795] {strides = array<i32>} : memref<8448xf32, #tpu.memory_space<vmem>>, vector<16xf32>,
      %add3A_797 = arith.addf %add3A_794, %get3A_796 : vector<16xf32>
      %get3A_798 = arith.constant 7088 : index
      %get3A_799 = tpu.vector_load %arg9[%get3A_798] {strides = array<i32>} : memref<8448xf32, #tpu.memory_space<vmem>>, vector<16xf32>,
      %add3A_800 = arith.addf %add3A_797, %get3A_799 : vector<16xf32>
      %get3A_801 = arith.constant 7616 : index
      %get3A_802 = tpu.vector_load %arg9[%get3A_801] {strides = array<i32>} : memref<8448xf32, #tpu.memory_space<vmem>>, vector<16xf32>,
      %add3A_803 = arith.addf %add3A_800, %get3A_802 : vector<16xf32>
      %get3A_804 = arith.constant 8144 : index
      %get3A_805 = tpu.vector_load %arg9[%get3A_804] {strides = array<i32>} : memref<8448xf32, #tpu.memory_space<vmem>>, vector<16xf32>,
      %add3A_806 = arith.addf %add3A_803, %get3A_805 : vector<16xf32>
      %swap3A_807 = arith.constant 224 : index
      %swap3A_808 = tpu.vector_load %arg10[%swap3A_807] {strides = array<i32>} : memref<512xf32, #tpu.memory_space<vmem>>, vector<16xf32>,
      tpu.vector_store %arg10[%swap3A_807], %add3A_806 {strides = array<i32>} : memref<512xf32, #tpu.memory_space<vmem>>, vector<16xf32>,
      %get3A_809 = arith.constant 240 : index
      %get3A_810 = tpu.vector_load %arg9[%get3A_809] {strides = array<i32>} : memref<8448xf32, #tpu.memory_space<vmem>>, vector<16xf32>,
      %get3A_811 = arith.constant 768 : index
      %get3A_812 = tpu.vector_load %arg9[%get3A_811] {strides = array<i32>} : memref<8448xf32, #tpu.memory_space<vmem>>, vector<16xf32>,
      %add3A_813 = arith.addf %get3A_810, %get3A_812 : vector<16xf32>
      %get3A_814 = arith.constant 1296 : index
      %get3A_815 = tpu.vector_load %arg9[%get3A_814] {strides = array<i32>} : memref<8448xf32, #tpu.memory_space<vmem>>, vector<16xf32>,
      %add3A_816 = arith.addf %add3A_813, %get3A_815 : vector<16xf32>
      %get3A_817 = arith.constant 1824 : index
      %get3A_818 = tpu.vector_load %arg9[%get3A_817] {strides = array<i32>} : memref<8448xf32, #tpu.memory_space<vmem>>, vector<16xf32>,
      %add3A_819 = arith.addf %add3A_816, %get3A_818 : vector<16xf32>
      %get3A_820 = arith.constant 2352 : index
      %get3A_821 = tpu.vector_load %arg9[%get3A_820] {strides = array<i32>} : memref<8448xf32, #tpu.memory_space<vmem>>, vector<16xf32>,
      %add3A_822 = arith.addf %add3A_819, %get3A_821 : vector<16xf32>
      %get3A_823 = arith.constant 2880 : index
      %get3A_824 = tpu.vector_load %arg9[%get3A_823] {strides = array<i32>} : memref<8448xf32, #tpu.memory_space<vmem>>, vector<16xf32>,
      %add3A_825 = arith.addf %add3A_822, %get3A_824 : vector<16xf32>
      %get3A_826 = arith.constant 3408 : index
      %get3A_827 = tpu.vector_load %arg9[%get3A_826] {strides = array<i32>} : memref<8448xf32, #tpu.memory_space<vmem>>, vector<16xf32>,
      %add3A_828 = arith.addf %add3A_825, %get3A_827 : vector<16xf32>
      %get3A_829 = arith.constant 3936 : index
      %get3A_830 = tpu.vector_load %arg9[%get3A_829] {strides = array<i32>} : memref<8448xf32, #tpu.memory_space<vmem>>, vector<16xf32>,
      %add3A_831 = arith.addf %add3A_828, %get3A_830 : vector<16xf32>
      %get3A_832 = arith.constant 4464 : index
      %get3A_833 = tpu.vector_load %arg9[%get3A_832] {strides = array<i32>} : memref<8448xf32, #tpu.memory_space<vmem>>, vector<16xf32>,
      %add3A_834 = arith.addf %add3A_831, %get3A_833 : vector<16xf32>
      %get3A_835 = arith.constant 4992 : index
      %get3A_836 = tpu.vector_load %arg9[%get3A_835] {strides = array<i32>} : memref<8448xf32, #tpu.memory_space<vmem>>, vector<16xf32>,
      %add3A_837 = arith.addf %add3A_834, %get3A_836 : vector<16xf32>
      %get3A_838 = arith.constant 5520 : index
      %get3A_839 = tpu.vector_load %arg9[%get3A_838] {strides = array<i32>} : memref<8448xf32, #tpu.memory_space<vmem>>, vector<16xf32>,
      %add3A_840 = arith.addf %add3A_837, %get3A_839 : vector<16xf32>
      %get3A_841 = arith.constant 6048 : index
      %get3A_842 = tpu.vector_load %arg9[%get3A_841] {strides = array<i32>} : memref<8448xf32, #tpu.memory_space<vmem>>, vector<16xf32>,
      %add3A_843 = arith.addf %add3A_840, %get3A_842 : vector<16xf32>
      %get3A_844 = arith.constant 6576 : index
      %get3A_845 = tpu.vector_load %arg9[%get3A_844] {strides = array<i32>} : memref<8448xf32, #tpu.memory_space<vmem>>, vector<16xf32>,
      %add3A_846 = arith.addf %add3A_843, %get3A_845 : vector<16xf32>
      %get3A_847 = arith.constant 7104 : index
      %get3A_848 = tpu.vector_load %arg9[%get3A_847] {strides = array<i32>} : memref<8448xf32, #tpu.memory_space<vmem>>, vector<16xf32>,
      %add3A_849 = arith.addf %add3A_846, %get3A_848 : vector<16xf32>
      %get3A_850 = arith.constant 7632 : index
      %get3A_851 = tpu.vector_load %arg9[%get3A_850] {strides = array<i32>} : memref<8448xf32, #tpu.memory_space<vmem>>, vector<16xf32>,
      %add3A_852 = arith.addf %add3A_849, %get3A_851 : vector<16xf32>
      %get3A_853 = arith.constant 8160 : index
      %get3A_854 = tpu.vector_load %arg9[%get3A_853] {strides = array<i32>} : memref<8448xf32, #tpu.memory_space<vmem>>, vector<16xf32>,
      %add3A_855 = arith.addf %add3A_852, %get3A_854 : vector<16xf32>
      %swap3A_856 = arith.constant 240 : index
      %swap3A_857 = tpu.vector_load %arg10[%swap3A_856] {strides = array<i32>} : memref<512xf32, #tpu.memory_space<vmem>>, vector<16xf32>,
      tpu.vector_store %arg10[%swap3A_856], %add3A_855 {strides = array<i32>} : memref<512xf32, #tpu.memory_space<vmem>>, vector<16xf32>,
      %get3A_858 = arith.constant 256 : index
      %get3A_859 = tpu.vector_load %arg9[%get3A_858] {strides = array<i32>} : memref<8448xf32, #tpu.memory_space<vmem>>, vector<16xf32>,
      %get3A_860 = arith.constant 784 : index
      %get3A_861 = tpu.vector_load %arg9[%get3A_860] {strides = array<i32>} : memref<8448xf32, #tpu.memory_space<vmem>>, vector<16xf32>,
      %add3A_862 = arith.addf %get3A_859, %get3A_861 : vector<16xf32>
      %get3A_863 = arith.constant 1312 : index
      %get3A_864 = tpu.vector_load %arg9[%get3A_863] {strides = array<i32>} : memref<8448xf32, #tpu.memory_space<vmem>>, vector<16xf32>,
      %add3A_865 = arith.addf %add3A_862, %get3A_864 : vector<16xf32>
      %get3A_866 = arith.constant 1840 : index
      %get3A_867 = tpu.vector_load %arg9[%get3A_866] {strides = array<i32>} : memref<8448xf32, #tpu.memory_space<vmem>>, vector<16xf32>,
      %add3A_868 = arith.addf %add3A_865, %get3A_867 : vector<16xf32>
      %get3A_869 = arith.constant 2368 : index
      %get3A_870 = tpu.vector_load %arg9[%get3A_869] {strides = array<i32>} : memref<8448xf32, #tpu.memory_space<vmem>>, vector<16xf32>,
      %add3A_871 = arith.addf %add3A_868, %get3A_870 : vector<16xf32>
      %get3A_872 = arith.constant 2896 : index
      %get3A_873 = tpu.vector_load %arg9[%get3A_872] {strides = array<i32>} : memref<8448xf32, #tpu.memory_space<vmem>>, vector<16xf32>,
      %add3A_874 = arith.addf %add3A_871, %get3A_873 : vector<16xf32>
      %get3A_875 = arith.constant 3424 : index
      %get3A_876 = tpu.vector_load %arg9[%get3A_875] {strides = array<i32>} : memref<8448xf32, #tpu.memory_space<vmem>>, vector<16xf32>,
      %add3A_877 = arith.addf %add3A_874, %get3A_876 : vector<16xf32>
      %get3A_878 = arith.constant 3952 : index
      %get3A_879 = tpu.vector_load %arg9[%get3A_878] {strides = array<i32>} : memref<8448xf32, #tpu.memory_space<vmem>>, vector<16xf32>,
      %add3A_880 = arith.addf %add3A_877, %get3A_879 : vector<16xf32>
      %get3A_881 = arith.constant 4480 : index
      %get3A_882 = tpu.vector_load %arg9[%get3A_881] {strides = array<i32>} : memref<8448xf32, #tpu.memory_space<vmem>>, vector<16xf32>,
      %add3A_883 = arith.addf %add3A_880, %get3A_882 : vector<16xf32>
      %get3A_884 = arith.constant 5008 : index
      %get3A_885 = tpu.vector_load %arg9[%get3A_884] {strides = array<i32>} : memref<8448xf32, #tpu.memory_space<vmem>>, vector<16xf32>,
      %add3A_886 = arith.addf %add3A_883, %get3A_885 : vector<16xf32>
      %get3A_887 = arith.constant 5536 : index
      %get3A_888 = tpu.vector_load %arg9[%get3A_887] {strides = array<i32>} : memref<8448xf32, #tpu.memory_space<vmem>>, vector<16xf32>,
      %add3A_889 = arith.addf %add3A_886, %get3A_888 : vector<16xf32>
      %get3A_890 = arith.constant 6064 : index
      %get3A_891 = tpu.vector_load %arg9[%get3A_890] {strides = array<i32>} : memref<8448xf32, #tpu.memory_space<vmem>>, vector<16xf32>,
      %add3A_892 = arith.addf %add3A_889, %get3A_891 : vector<16xf32>
      %get3A_893 = arith.constant 6592 : index
      %get3A_894 = tpu.vector_load %arg9[%get3A_893] {strides = array<i32>} : memref<8448xf32, #tpu.memory_space<vmem>>, vector<16xf32>,
      %add3A_895 = arith.addf %add3A_892, %get3A_894 : vector<16xf32>
      %get3A_896 = arith.constant 7120 : index
      %get3A_897 = tpu.vector_load %arg9[%get3A_896] {strides = array<i32>} : memref<8448xf32, #tpu.memory_space<vmem>>, vector<16xf32>,
      %add3A_898 = arith.addf %add3A_895, %get3A_897 : vector<16xf32>
      %get3A_899 = arith.constant 7648 : index
      %get3A_900 = tpu.vector_load %arg9[%get3A_899] {strides = array<i32>} : memref<8448xf32, #tpu.memory_space<vmem>>, vector<16xf32>,
      %add3A_901 = arith.addf %add3A_898, %get3A_900 : vector<16xf32>
      %get3A_902 = arith.constant 8176 : index
      %get3A_903 = tpu.vector_load %arg9[%get3A_902] {strides = array<i32>} : memref<8448xf32, #tpu.memory_space<vmem>>, vector<16xf32>,
      %add3A_904 = arith.addf %add3A_901, %get3A_903 : vector<16xf32>
      %swap3A_905 = arith.constant 256 : index
      %swap3A_906 = tpu.vector_load %arg10[%swap3A_905] {strides = array<i32>} : memref<512xf32, #tpu.memory_space<vmem>>, vector<16xf32>,
      tpu.vector_store %arg10[%swap3A_905], %add3A_904 {strides = array<i32>} : memref<512xf32, #tpu.memory_space<vmem>>, vector<16xf32>,
      %get3A_907 = arith.constant 272 : index
      %get3A_908 = tpu.vector_load %arg9[%get3A_907] {strides = array<i32>} : memref<8448xf32, #tpu.memory_space<vmem>>, vector<16xf32>,
      %get3A_909 = arith.constant 800 : index
      %get3A_910 = tpu.vector_load %arg9[%get3A_909] {strides = array<i32>} : memref<8448xf32, #tpu.memory_space<vmem>>, vector<16xf32>,
      %add3A_911 = arith.addf %get3A_908, %get3A_910 : vector<16xf32>
      %get3A_912 = arith.constant 1328 : index
      %get3A_913 = tpu.vector_load %arg9[%get3A_912] {strides = array<i32>} : memref<8448xf32, #tpu.memory_space<vmem>>, vector<16xf32>,
      %add3A_914 = arith.addf %add3A_911, %get3A_913 : vector<16xf32>
      %get3A_915 = arith.constant 1856 : index
      %get3A_916 = tpu.vector_load %arg9[%get3A_915] {strides = array<i32>} : memref<8448xf32, #tpu.memory_space<vmem>>, vector<16xf32>,
      %add3A_917 = arith.addf %add3A_914, %get3A_916 : vector<16xf32>
      %get3A_918 = arith.constant 2384 : index
      %get3A_919 = tpu.vector_load %arg9[%get3A_918] {strides = array<i32>} : memref<8448xf32, #tpu.memory_space<vmem>>, vector<16xf32>,
      %add3A_920 = arith.addf %add3A_917, %get3A_919 : vector<16xf32>
      %get3A_921 = arith.constant 2912 : index
      %get3A_922 = tpu.vector_load %arg9[%get3A_921] {strides = array<i32>} : memref<8448xf32, #tpu.memory_space<vmem>>, vector<16xf32>,
      %add3A_923 = arith.addf %add3A_920, %get3A_922 : vector<16xf32>
      %get3A_924 = arith.constant 3440 : index
      %get3A_925 = tpu.vector_load %arg9[%get3A_924] {strides = array<i32>} : memref<8448xf32, #tpu.memory_space<vmem>>, vector<16xf32>,
      %add3A_926 = arith.addf %add3A_923, %get3A_925 : vector<16xf32>
      %get3A_927 = arith.constant 3968 : index
      %get3A_928 = tpu.vector_load %arg9[%get3A_927] {strides = array<i32>} : memref<8448xf32, #tpu.memory_space<vmem>>, vector<16xf32>,
      %add3A_929 = arith.addf %add3A_926, %get3A_928 : vector<16xf32>
      %get3A_930 = arith.constant 4496 : index
      %get3A_931 = tpu.vector_load %arg9[%get3A_930] {strides = array<i32>} : memref<8448xf32, #tpu.memory_space<vmem>>, vector<16xf32>,
      %add3A_932 = arith.addf %add3A_929, %get3A_931 : vector<16xf32>
      %get3A_933 = arith.constant 5024 : index
      %get3A_934 = tpu.vector_load %arg9[%get3A_933] {strides = array<i32>} : memref<8448xf32, #tpu.memory_space<vmem>>, vector<16xf32>,
      %add3A_935 = arith.addf %add3A_932, %get3A_934 : vector<16xf32>
      %get3A_936 = arith.constant 5552 : index
      %get3A_937 = tpu.vector_load %arg9[%get3A_936] {strides = array<i32>} : memref<8448xf32, #tpu.memory_space<vmem>>, vector<16xf32>,
      %add3A_938 = arith.addf %add3A_935, %get3A_937 : vector<16xf32>
      %get3A_939 = arith.constant 6080 : index
      %get3A_940 = tpu.vector_load %arg9[%get3A_939] {strides = array<i32>} : memref<8448xf32, #tpu.memory_space<vmem>>, vector<16xf32>,
      %add3A_941 = arith.addf %add3A_938, %get3A_940 : vector<16xf32>
      %get3A_942 = arith.constant 6608 : index
      %get3A_943 = tpu.vector_load %arg9[%get3A_942] {strides = array<i32>} : memref<8448xf32, #tpu.memory_space<vmem>>, vector<16xf32>,
      %add3A_944 = arith.addf %add3A_941, %get3A_943 : vector<16xf32>
      %get3A_945 = arith.constant 7136 : index
      %get3A_946 = tpu.vector_load %arg9[%get3A_945] {strides = array<i32>} : memref<8448xf32, #tpu.memory_space<vmem>>, vector<16xf32>,
      %add3A_947 = arith.addf %add3A_944, %get3A_946 : vector<16xf32>
      %get3A_948 = arith.constant 7664 : index
      %get3A_949 = tpu.vector_load %arg9[%get3A_948] {strides = array<i32>} : memref<8448xf32, #tpu.memory_space<vmem>>, vector<16xf32>,
      %add3A_950 = arith.addf %add3A_947, %get3A_949 : vector<16xf32>
      %get3A_951 = arith.constant 8192 : index
      %get3A_952 = tpu.vector_load %arg9[%get3A_951] {strides = array<i32>} : memref<8448xf32, #tpu.memory_space<vmem>>, vector<16xf32>,
      %add3A_953 = arith.addf %add3A_950, %get3A_952 : vector<16xf32>
      %swap3A_954 = arith.constant 272 : index
      %swap3A_955 = tpu.vector_load %arg10[%swap3A_954] {strides = array<i32>} : memref<512xf32, #tpu.memory_space<vmem>>, vector<16xf32>,
      tpu.vector_store %arg10[%swap3A_954], %add3A_953 {strides = array<i32>} : memref<512xf32, #tpu.memory_space<vmem>>, vector<16xf32>,
      %get3A_956 = arith.constant 288 : index
      %get3A_957 = tpu.vector_load %arg9[%get3A_956] {strides = array<i32>} : memref<8448xf32, #tpu.memory_space<vmem>>, vector<16xf32>,
      %get3A_958 = arith.constant 816 : index
      %get3A_959 = tpu.vector_load %arg9[%get3A_958] {strides = array<i32>} : memref<8448xf32, #tpu.memory_space<vmem>>, vector<16xf32>,
      %add3A_960 = arith.addf %get3A_957, %get3A_959 : vector<16xf32>
      %get3A_961 = arith.constant 1344 : index
      %get3A_962 = tpu.vector_load %arg9[%get3A_961] {strides = array<i32>} : memref<8448xf32, #tpu.memory_space<vmem>>, vector<16xf32>,
      %add3A_963 = arith.addf %add3A_960, %get3A_962 : vector<16xf32>
      %get3A_964 = arith.constant 1872 : index
      %get3A_965 = tpu.vector_load %arg9[%get3A_964] {strides = array<i32>} : memref<8448xf32, #tpu.memory_space<vmem>>, vector<16xf32>,
      %add3A_966 = arith.addf %add3A_963, %get3A_965 : vector<16xf32>
      %get3A_967 = arith.constant 2400 : index
      %get3A_968 = tpu.vector_load %arg9[%get3A_967] {strides = array<i32>} : memref<8448xf32, #tpu.memory_space<vmem>>, vector<16xf32>,
      %add3A_969 = arith.addf %add3A_966, %get3A_968 : vector<16xf32>
      %get3A_970 = arith.constant 2928 : index
      %get3A_971 = tpu.vector_load %arg9[%get3A_970] {strides = array<i32>} : memref<8448xf32, #tpu.memory_space<vmem>>, vector<16xf32>,
      %add3A_972 = arith.addf %add3A_969, %get3A_971 : vector<16xf32>
      %get3A_973 = arith.constant 3456 : index
      %get3A_974 = tpu.vector_load %arg9[%get3A_973] {strides = array<i32>} : memref<8448xf32, #tpu.memory_space<vmem>>, vector<16xf32>,
      %add3A_975 = arith.addf %add3A_972, %get3A_974 : vector<16xf32>
      %get3A_976 = arith.constant 3984 : index
      %get3A_977 = tpu.vector_load %arg9[%get3A_976] {strides = array<i32>} : memref<8448xf32, #tpu.memory_space<vmem>>, vector<16xf32>,
      %add3A_978 = arith.addf %add3A_975, %get3A_977 : vector<16xf32>
      %get3A_979 = arith.constant 4512 : index
      %get3A_980 = tpu.vector_load %arg9[%get3A_979] {strides = array<i32>} : memref<8448xf32, #tpu.memory_space<vmem>>, vector<16xf32>,
      %add3A_981 = arith.addf %add3A_978, %get3A_980 : vector<16xf32>
      %get3A_982 = arith.constant 5040 : index
      %get3A_983 = tpu.vector_load %arg9[%get3A_982] {strides = array<i32>} : memref<8448xf32, #tpu.memory_space<vmem>>, vector<16xf32>,
      %add3A_984 = arith.addf %add3A_981, %get3A_983 : vector<16xf32>
      %get3A_985 = arith.constant 5568 : index
      %get3A_986 = tpu.vector_load %arg9[%get3A_985] {strides = array<i32>} : memref<8448xf32, #tpu.memory_space<vmem>>, vector<16xf32>,
      %add3A_987 = arith.addf %add3A_984, %get3A_986 : vector<16xf32>
      %get3A_988 = arith.constant 6096 : index
      %get3A_989 = tpu.vector_load %arg9[%get3A_988] {strides = array<i32>} : memref<8448xf32, #tpu.memory_space<vmem>>, vector<16xf32>,
      %add3A_990 = arith.addf %add3A_987, %get3A_989 : vector<16xf32>
      %get3A_991 = arith.constant 6624 : index
      %get3A_992 = tpu.vector_load %arg9[%get3A_991] {strides = array<i32>} : memref<8448xf32, #tpu.memory_space<vmem>>, vector<16xf32>,
      %add3A_993 = arith.addf %add3A_990, %get3A_992 : vector<16xf32>
      %get3A_994 = arith.constant 7152 : index
      %get3A_995 = tpu.vector_load %arg9[%get3A_994] {strides = array<i32>} : memref<8448xf32, #tpu.memory_space<vmem>>, vector<16xf32>,
      %add3A_996 = arith.addf %add3A_993, %get3A_995 : vector<16xf32>
      %get3A_997 = arith.constant 7680 : index
      %get3A_998 = tpu.vector_load %arg9[%get3A_997] {strides = array<i32>} : memref<8448xf32, #tpu.memory_space<vmem>>, vector<16xf32>,
      %add3A_999 = arith.addf %add3A_996, %get3A_998 : vector<16xf32>
      %get3A_1000 = arith.constant 8208 : index
      %get3A_1001 = tpu.vector_load %arg9[%get3A_1000] {strides = array<i32>} : memref<8448xf32, #tpu.memory_space<vmem>>, vector<16xf32>,
      %add3A_1002 = arith.addf %add3A_999, %get3A_1001 : vector<16xf32>
      %swap3A_1003 = arith.constant 288 : index
      %swap3A_1004 = tpu.vector_load %arg10[%swap3A_1003] {strides = array<i32>} : memref<512xf32, #tpu.memory_space<vmem>>, vector<16xf32>,
      tpu.vector_store %arg10[%swap3A_1003], %add3A_1002 {strides = array<i32>} : memref<512xf32, #tpu.memory_space<vmem>>, vector<16xf32>,
      %get3A_1005 = arith.constant 304 : index
      %get3A_1006 = tpu.vector_load %arg9[%get3A_1005] {strides = array<i32>} : memref<8448xf32, #tpu.memory_space<vmem>>, vector<16xf32>,
      %get3A_1007 = arith.constant 832 : index
      %get3A_1008 = tpu.vector_load %arg9[%get3A_1007] {strides = array<i32>} : memref<8448xf32, #tpu.memory_space<vmem>>, vector<16xf32>,
      %add3A_1009 = arith.addf %get3A_1006, %get3A_1008 : vector<16xf32>
      %get3A_1010 = arith.constant 1360 : index
      %get3A_1011 = tpu.vector_load %arg9[%get3A_1010] {strides = array<i32>} : memref<8448xf32, #tpu.memory_space<vmem>>, vector<16xf32>,
      %add3A_1012 = arith.addf %add3A_1009, %get3A_1011 : vector<16xf32>
      %get3A_1013 = arith.constant 1888 : index
      %get3A_1014 = tpu.vector_load %arg9[%get3A_1013] {strides = array<i32>} : memref<8448xf32, #tpu.memory_space<vmem>>, vector<16xf32>,
      %add3A_1015 = arith.addf %add3A_1012, %get3A_1014 : vector<16xf32>
      %get3A_1016 = arith.constant 2416 : index
      %get3A_1017 = tpu.vector_load %arg9[%get3A_1016] {strides = array<i32>} : memref<8448xf32, #tpu.memory_space<vmem>>, vector<16xf32>,
      %add3A_1018 = arith.addf %add3A_1015, %get3A_1017 : vector<16xf32>
      %get3A_1019 = arith.constant 2944 : index
      %get3A_1020 = tpu.vector_load %arg9[%get3A_1019] {strides = array<i32>} : memref<8448xf32, #tpu.memory_space<vmem>>, vector<16xf32>,
      %add3A_1021 = arith.addf %add3A_1018, %get3A_1020 : vector<16xf32>
      %get3A_1022 = arith.constant 3472 : index
      %get3A_1023 = tpu.vector_load %arg9[%get3A_1022] {strides = array<i32>} : memref<8448xf32, #tpu.memory_space<vmem>>, vector<16xf32>,
      %add3A_1024 = arith.addf %add3A_1021, %get3A_1023 : vector<16xf32>
      %get3A_1025 = arith.constant 4000 : index
      %get3A_1026 = tpu.vector_load %arg9[%get3A_1025] {strides = array<i32>} : memref<8448xf32, #tpu.memory_space<vmem>>, vector<16xf32>,
      %add3A_1027 = arith.addf %add3A_1024, %get3A_1026 : vector<16xf32>
      %get3A_1028 = arith.constant 4528 : index
      %get3A_1029 = tpu.vector_load %arg9[%get3A_1028] {strides = array<i32>} : memref<8448xf32, #tpu.memory_space<vmem>>, vector<16xf32>,
      %add3A_1030 = arith.addf %add3A_1027, %get3A_1029 : vector<16xf32>
      %get3A_1031 = arith.constant 5056 : index
      %get3A_1032 = tpu.vector_load %arg9[%get3A_1031] {strides = array<i32>} : memref<8448xf32, #tpu.memory_space<vmem>>, vector<16xf32>,
      %add3A_1033 = arith.addf %add3A_1030, %get3A_1032 : vector<16xf32>
      %get3A_1034 = arith.constant 5584 : index
      %get3A_1035 = tpu.vector_load %arg9[%get3A_1034] {strides = array<i32>} : memref<8448xf32, #tpu.memory_space<vmem>>, vector<16xf32>,
      %add3A_1036 = arith.addf %add3A_1033, %get3A_1035 : vector<16xf32>
      %get3A_1037 = arith.constant 6112 : index
      %get3A_1038 = tpu.vector_load %arg9[%get3A_1037] {strides = array<i32>} : memref<8448xf32, #tpu.memory_space<vmem>>, vector<16xf32>,
      %add3A_1039 = arith.addf %add3A_1036, %get3A_1038 : vector<16xf32>
      %get3A_1040 = arith.constant 6640 : index
      %get3A_1041 = tpu.vector_load %arg9[%get3A_1040] {strides = array<i32>} : memref<8448xf32, #tpu.memory_space<vmem>>, vector<16xf32>,
      %add3A_1042 = arith.addf %add3A_1039, %get3A_1041 : vector<16xf32>
      %get3A_1043 = arith.constant 7168 : index
      %get3A_1044 = tpu.vector_load %arg9[%get3A_1043] {strides = array<i32>} : memref<8448xf32, #tpu.memory_space<vmem>>, vector<16xf32>,
      %add3A_1045 = arith.addf %add3A_1042, %get3A_1044 : vector<16xf32>
      %get3A_1046 = arith.constant 7696 : index
      %get3A_1047 = tpu.vector_load %arg9[%get3A_1046] {strides = array<i32>} : memref<8448xf32, #tpu.memory_space<vmem>>, vector<16xf32>,
      %add3A_1048 = arith.addf %add3A_1045, %get3A_1047 : vector<16xf32>
      %get3A_1049 = arith.constant 8224 : index
      %get3A_1050 = tpu.vector_load %arg9[%get3A_1049] {strides = array<i32>} : memref<8448xf32, #tpu.memory_space<vmem>>, vector<16xf32>,
      %add3A_1051 = arith.addf %add3A_1048, %get3A_1050 : vector<16xf32>
      %swap3A_1052 = arith.constant 304 : index
      %swap3A_1053 = tpu.vector_load %arg10[%swap3A_1052] {strides = array<i32>} : memref<512xf32, #tpu.memory_space<vmem>>, vector<16xf32>,
      tpu.vector_store %arg10[%swap3A_1052], %add3A_1051 {strides = array<i32>} : memref<512xf32, #tpu.memory_space<vmem>>, vector<16xf32>,
      %get3A_1054 = arith.constant 320 : index
      %get3A_1055 = tpu.vector_load %arg9[%get3A_1054] {strides = array<i32>} : memref<8448xf32, #tpu.memory_space<vmem>>, vector<16xf32>,
      %get3A_1056 = arith.constant 848 : index
      %get3A_1057 = tpu.vector_load %arg9[%get3A_1056] {strides = array<i32>} : memref<8448xf32, #tpu.memory_space<vmem>>, vector<16xf32>,
      %add3A_1058 = arith.addf %get3A_1055, %get3A_1057 : vector<16xf32>
      %get3A_1059 = arith.constant 1376 : index
      %get3A_1060 = tpu.vector_load %arg9[%get3A_1059] {strides = array<i32>} : memref<8448xf32, #tpu.memory_space<vmem>>, vector<16xf32>,
      %add3A_1061 = arith.addf %add3A_1058, %get3A_1060 : vector<16xf32>
      %get3A_1062 = arith.constant 1904 : index
      %get3A_1063 = tpu.vector_load %arg9[%get3A_1062] {strides = array<i32>} : memref<8448xf32, #tpu.memory_space<vmem>>, vector<16xf32>,
      %add3A_1064 = arith.addf %add3A_1061, %get3A_1063 : vector<16xf32>
      %get3A_1065 = arith.constant 2432 : index
      %get3A_1066 = tpu.vector_load %arg9[%get3A_1065] {strides = array<i32>} : memref<8448xf32, #tpu.memory_space<vmem>>, vector<16xf32>,
      %add3A_1067 = arith.addf %add3A_1064, %get3A_1066 : vector<16xf32>
      %get3A_1068 = arith.constant 2960 : index
      %get3A_1069 = tpu.vector_load %arg9[%get3A_1068] {strides = array<i32>} : memref<8448xf32, #tpu.memory_space<vmem>>, vector<16xf32>,
      %add3A_1070 = arith.addf %add3A_1067, %get3A_1069 : vector<16xf32>
      %get3A_1071 = arith.constant 3488 : index
      %get3A_1072 = tpu.vector_load %arg9[%get3A_1071] {strides = array<i32>} : memref<8448xf32, #tpu.memory_space<vmem>>, vector<16xf32>,
      %add3A_1073 = arith.addf %add3A_1070, %get3A_1072 : vector<16xf32>
      %get3A_1074 = arith.constant 4016 : index
      %get3A_1075 = tpu.vector_load %arg9[%get3A_1074] {strides = array<i32>} : memref<8448xf32, #tpu.memory_space<vmem>>, vector<16xf32>,
      %add3A_1076 = arith.addf %add3A_1073, %get3A_1075 : vector<16xf32>
      %get3A_1077 = arith.constant 4544 : index
      %get3A_1078 = tpu.vector_load %arg9[%get3A_1077] {strides = array<i32>} : memref<8448xf32, #tpu.memory_space<vmem>>, vector<16xf32>,
      %add3A_1079 = arith.addf %add3A_1076, %get3A_1078 : vector<16xf32>
      %get3A_1080 = arith.constant 5072 : index
      %get3A_1081 = tpu.vector_load %arg9[%get3A_1080] {strides = array<i32>} : memref<8448xf32, #tpu.memory_space<vmem>>, vector<16xf32>,
      %add3A_1082 = arith.addf %add3A_1079, %get3A_1081 : vector<16xf32>
      %get3A_1083 = arith.constant 5600 : index
      %get3A_1084 = tpu.vector_load %arg9[%get3A_1083] {strides = array<i32>} : memref<8448xf32, #tpu.memory_space<vmem>>, vector<16xf32>,
      %add3A_1085 = arith.addf %add3A_1082, %get3A_1084 : vector<16xf32>
      %get3A_1086 = arith.constant 6128 : index
      %get3A_1087 = tpu.vector_load %arg9[%get3A_1086] {strides = array<i32>} : memref<8448xf32, #tpu.memory_space<vmem>>, vector<16xf32>,
      %add3A_1088 = arith.addf %add3A_1085, %get3A_1087 : vector<16xf32>
      %get3A_1089 = arith.constant 6656 : index
      %get3A_1090 = tpu.vector_load %arg9[%get3A_1089] {strides = array<i32>} : memref<8448xf32, #tpu.memory_space<vmem>>, vector<16xf32>,
      %add3A_1091 = arith.addf %add3A_1088, %get3A_1090 : vector<16xf32>
      %get3A_1092 = arith.constant 7184 : index
      %get3A_1093 = tpu.vector_load %arg9[%get3A_1092] {strides = array<i32>} : memref<8448xf32, #tpu.memory_space<vmem>>, vector<16xf32>,
      %add3A_1094 = arith.addf %add3A_1091, %get3A_1093 : vector<16xf32>
      %get3A_1095 = arith.constant 7712 : index
      %get3A_1096 = tpu.vector_load %arg9[%get3A_1095] {strides = array<i32>} : memref<8448xf32, #tpu.memory_space<vmem>>, vector<16xf32>,
      %add3A_1097 = arith.addf %add3A_1094, %get3A_1096 : vector<16xf32>
      %get3A_1098 = arith.constant 8240 : index
      %get3A_1099 = tpu.vector_load %arg9[%get3A_1098] {strides = array<i32>} : memref<8448xf32, #tpu.memory_space<vmem>>, vector<16xf32>,
      %add3A_1100 = arith.addf %add3A_1097, %get3A_1099 : vector<16xf32>
      %swap3A_1101 = arith.constant 320 : index
      %swap3A_1102 = tpu.vector_load %arg10[%swap3A_1101] {strides = array<i32>} : memref<512xf32, #tpu.memory_space<vmem>>, vector<16xf32>,
      tpu.vector_store %arg10[%swap3A_1101], %add3A_1100 {strides = array<i32>} : memref<512xf32, #tpu.memory_space<vmem>>, vector<16xf32>,
      %get3A_1103 = arith.constant 336 : index
      %get3A_1104 = tpu.vector_load %arg9[%get3A_1103] {strides = array<i32>} : memref<8448xf32, #tpu.memory_space<vmem>>, vector<16xf32>,
      %get3A_1105 = arith.constant 864 : index
      %get3A_1106 = tpu.vector_load %arg9[%get3A_1105] {strides = array<i32>} : memref<8448xf32, #tpu.memory_space<vmem>>, vector<16xf32>,
      %add3A_1107 = arith.addf %get3A_1104, %get3A_1106 : vector<16xf32>
      %get3A_1108 = arith.constant 1392 : index
      %get3A_1109 = tpu.vector_load %arg9[%get3A_1108] {strides = array<i32>} : memref<8448xf32, #tpu.memory_space<vmem>>, vector<16xf32>,
      %add3A_1110 = arith.addf %add3A_1107, %get3A_1109 : vector<16xf32>
      %get3A_1111 = arith.constant 1920 : index
      %get3A_1112 = tpu.vector_load %arg9[%get3A_1111] {strides = array<i32>} : memref<8448xf32, #tpu.memory_space<vmem>>, vector<16xf32>,
      %add3A_1113 = arith.addf %add3A_1110, %get3A_1112 : vector<16xf32>
      %get3A_1114 = arith.constant 2448 : index
      %get3A_1115 = tpu.vector_load %arg9[%get3A_1114] {strides = array<i32>} : memref<8448xf32, #tpu.memory_space<vmem>>, vector<16xf32>,
      %add3A_1116 = arith.addf %add3A_1113, %get3A_1115 : vector<16xf32>
      %get3A_1117 = arith.constant 2976 : index
      %get3A_1118 = tpu.vector_load %arg9[%get3A_1117] {strides = array<i32>} : memref<8448xf32, #tpu.memory_space<vmem>>, vector<16xf32>,
      %add3A_1119 = arith.addf %add3A_1116, %get3A_1118 : vector<16xf32>
      %get3A_1120 = arith.constant 3504 : index
      %get3A_1121 = tpu.vector_load %arg9[%get3A_1120] {strides = array<i32>} : memref<8448xf32, #tpu.memory_space<vmem>>, vector<16xf32>,
      %add3A_1122 = arith.addf %add3A_1119, %get3A_1121 : vector<16xf32>
      %get3A_1123 = arith.constant 4032 : index
      %get3A_1124 = tpu.vector_load %arg9[%get3A_1123] {strides = array<i32>} : memref<8448xf32, #tpu.memory_space<vmem>>, vector<16xf32>,
      %add3A_1125 = arith.addf %add3A_1122, %get3A_1124 : vector<16xf32>
      %get3A_1126 = arith.constant 4560 : index
      %get3A_1127 = tpu.vector_load %arg9[%get3A_1126] {strides = array<i32>} : memref<8448xf32, #tpu.memory_space<vmem>>, vector<16xf32>,
      %add3A_1128 = arith.addf %add3A_1125, %get3A_1127 : vector<16xf32>
      %get3A_1129 = arith.constant 5088 : index
      %get3A_1130 = tpu.vector_load %arg9[%get3A_1129] {strides = array<i32>} : memref<8448xf32, #tpu.memory_space<vmem>>, vector<16xf32>,
      %add3A_1131 = arith.addf %add3A_1128, %get3A_1130 : vector<16xf32>
      %get3A_1132 = arith.constant 5616 : index
      %get3A_1133 = tpu.vector_load %arg9[%get3A_1132] {strides = array<i32>} : memref<8448xf32, #tpu.memory_space<vmem>>, vector<16xf32>,
      %add3A_1134 = arith.addf %add3A_1131, %get3A_1133 : vector<16xf32>
      %get3A_1135 = arith.constant 6144 : index
      %get3A_1136 = tpu.vector_load %arg9[%get3A_1135] {strides = array<i32>} : memref<8448xf32, #tpu.memory_space<vmem>>, vector<16xf32>,
      %add3A_1137 = arith.addf %add3A_1134, %get3A_1136 : vector<16xf32>
      %get3A_1138 = arith.constant 6672 : index
      %get3A_1139 = tpu.vector_load %arg9[%get3A_1138] {strides = array<i32>} : memref<8448xf32, #tpu.memory_space<vmem>>, vector<16xf32>,
      %add3A_1140 = arith.addf %add3A_1137, %get3A_1139 : vector<16xf32>
      %get3A_1141 = arith.constant 7200 : index
      %get3A_1142 = tpu.vector_load %arg9[%get3A_1141] {strides = array<i32>} : memref<8448xf32, #tpu.memory_space<vmem>>, vector<16xf32>,
      %add3A_1143 = arith.addf %add3A_1140, %get3A_1142 : vector<16xf32>
      %get3A_1144 = arith.constant 7728 : index
      %get3A_1145 = tpu.vector_load %arg9[%get3A_1144] {strides = array<i32>} : memref<8448xf32, #tpu.memory_space<vmem>>, vector<16xf32>,
      %add3A_1146 = arith.addf %add3A_1143, %get3A_1145 : vector<16xf32>
      %get3A_1147 = arith.constant 8256 : index
      %get3A_1148 = tpu.vector_load %arg9[%get3A_1147] {strides = array<i32>} : memref<8448xf32, #tpu.memory_space<vmem>>, vector<16xf32>,
      %add3A_1149 = arith.addf %add3A_1146, %get3A_1148 : vector<16xf32>
      %swap3A_1150 = arith.constant 336 : index
      %swap3A_1151 = tpu.vector_load %arg10[%swap3A_1150] {strides = array<i32>} : memref<512xf32, #tpu.memory_space<vmem>>, vector<16xf32>,
      tpu.vector_store %arg10[%swap3A_1150], %add3A_1149 {strides = array<i32>} : memref<512xf32, #tpu.memory_space<vmem>>, vector<16xf32>,
      %get3A_1152 = arith.constant 352 : index
      %get3A_1153 = tpu.vector_load %arg9[%get3A_1152] {strides = array<i32>} : memref<8448xf32, #tpu.memory_space<vmem>>, vector<16xf32>,
      %get3A_1154 = arith.constant 880 : index
      %get3A_1155 = tpu.vector_load %arg9[%get3A_1154] {strides = array<i32>} : memref<8448xf32, #tpu.memory_space<vmem>>, vector<16xf32>,
      %add3A_1156 = arith.addf %get3A_1153, %get3A_1155 : vector<16xf32>
      %get3A_1157 = arith.constant 1408 : index
      %get3A_1158 = tpu.vector_load %arg9[%get3A_1157] {strides = array<i32>} : memref<8448xf32, #tpu.memory_space<vmem>>, vector<16xf32>,
      %add3A_1159 = arith.addf %add3A_1156, %get3A_1158 : vector<16xf32>
      %get3A_1160 = arith.constant 1936 : index
      %get3A_1161 = tpu.vector_load %arg9[%get3A_1160] {strides = array<i32>} : memref<8448xf32, #tpu.memory_space<vmem>>, vector<16xf32>,
      %add3A_1162 = arith.addf %add3A_1159, %get3A_1161 : vector<16xf32>
      %get3A_1163 = arith.constant 2464 : index
      %get3A_1164 = tpu.vector_load %arg9[%get3A_1163] {strides = array<i32>} : memref<8448xf32, #tpu.memory_space<vmem>>, vector<16xf32>,
      %add3A_1165 = arith.addf %add3A_1162, %get3A_1164 : vector<16xf32>
      %get3A_1166 = arith.constant 2992 : index
      %get3A_1167 = tpu.vector_load %arg9[%get3A_1166] {strides = array<i32>} : memref<8448xf32, #tpu.memory_space<vmem>>, vector<16xf32>,
      %add3A_1168 = arith.addf %add3A_1165, %get3A_1167 : vector<16xf32>
      %get3A_1169 = arith.constant 3520 : index
      %get3A_1170 = tpu.vector_load %arg9[%get3A_1169] {strides = array<i32>} : memref<8448xf32, #tpu.memory_space<vmem>>, vector<16xf32>,
      %add3A_1171 = arith.addf %add3A_1168, %get3A_1170 : vector<16xf32>
      %get3A_1172 = arith.constant 4048 : index
      %get3A_1173 = tpu.vector_load %arg9[%get3A_1172] {strides = array<i32>} : memref<8448xf32, #tpu.memory_space<vmem>>, vector<16xf32>,
      %add3A_1174 = arith.addf %add3A_1171, %get3A_1173 : vector<16xf32>
      %get3A_1175 = arith.constant 4576 : index
      %get3A_1176 = tpu.vector_load %arg9[%get3A_1175] {strides = array<i32>} : memref<8448xf32, #tpu.memory_space<vmem>>, vector<16xf32>,
      %add3A_1177 = arith.addf %add3A_1174, %get3A_1176 : vector<16xf32>
      %get3A_1178 = arith.constant 5104 : index
      %get3A_1179 = tpu.vector_load %arg9[%get3A_1178] {strides = array<i32>} : memref<8448xf32, #tpu.memory_space<vmem>>, vector<16xf32>,
      %add3A_1180 = arith.addf %add3A_1177, %get3A_1179 : vector<16xf32>
      %get3A_1181 = arith.constant 5632 : index
      %get3A_1182 = tpu.vector_load %arg9[%get3A_1181] {strides = array<i32>} : memref<8448xf32, #tpu.memory_space<vmem>>, vector<16xf32>,
      %add3A_1183 = arith.addf %add3A_1180, %get3A_1182 : vector<16xf32>
      %get3A_1184 = arith.constant 6160 : index
      %get3A_1185 = tpu.vector_load %arg9[%get3A_1184] {strides = array<i32>} : memref<8448xf32, #tpu.memory_space<vmem>>, vector<16xf32>,
      %add3A_1186 = arith.addf %add3A_1183, %get3A_1185 : vector<16xf32>
      %get3A_1187 = arith.constant 6688 : index
      %get3A_1188 = tpu.vector_load %arg9[%get3A_1187] {strides = array<i32>} : memref<8448xf32, #tpu.memory_space<vmem>>, vector<16xf32>,
      %add3A_1189 = arith.addf %add3A_1186, %get3A_1188 : vector<16xf32>
      %get3A_1190 = arith.constant 7216 : index
      %get3A_1191 = tpu.vector_load %arg9[%get3A_1190] {strides = array<i32>} : memref<8448xf32, #tpu.memory_space<vmem>>, vector<16xf32>,
      %add3A_1192 = arith.addf %add3A_1189, %get3A_1191 : vector<16xf32>
      %get3A_1193 = arith.constant 7744 : index
      %get3A_1194 = tpu.vector_load %arg9[%get3A_1193] {strides = array<i32>} : memref<8448xf32, #tpu.memory_space<vmem>>, vector<16xf32>,
      %add3A_1195 = arith.addf %add3A_1192, %get3A_1194 : vector<16xf32>
      %get3A_1196 = arith.constant 8272 : index
      %get3A_1197 = tpu.vector_load %arg9[%get3A_1196] {strides = array<i32>} : memref<8448xf32, #tpu.memory_space<vmem>>, vector<16xf32>,
      %add3A_1198 = arith.addf %add3A_1195, %get3A_1197 : vector<16xf32>
      %swap3A_1199 = arith.constant 352 : index
      %swap3A_1200 = tpu.vector_load %arg10[%swap3A_1199] {strides = array<i32>} : memref<512xf32, #tpu.memory_space<vmem>>, vector<16xf32>,
      tpu.vector_store %arg10[%swap3A_1199], %add3A_1198 {strides = array<i32>} : memref<512xf32, #tpu.memory_space<vmem>>, vector<16xf32>,
      %get3A_1201 = arith.constant 368 : index
      %get3A_1202 = tpu.vector_load %arg9[%get3A_1201] {strides = array<i32>} : memref<8448xf32, #tpu.memory_space<vmem>>, vector<16xf32>,
      %get3A_1203 = arith.constant 896 : index
      %get3A_1204 = tpu.vector_load %arg9[%get3A_1203] {strides = array<i32>} : memref<8448xf32, #tpu.memory_space<vmem>>, vector<16xf32>,
      %add3A_1205 = arith.addf %get3A_1202, %get3A_1204 : vector<16xf32>
      %get3A_1206 = arith.constant 1424 : index
      %get3A_1207 = tpu.vector_load %arg9[%get3A_1206] {strides = array<i32>} : memref<8448xf32, #tpu.memory_space<vmem>>, vector<16xf32>,
      %add3A_1208 = arith.addf %add3A_1205, %get3A_1207 : vector<16xf32>
      %get3A_1209 = arith.constant 1952 : index
      %get3A_1210 = tpu.vector_load %arg9[%get3A_1209] {strides = array<i32>} : memref<8448xf32, #tpu.memory_space<vmem>>, vector<16xf32>,
      %add3A_1211 = arith.addf %add3A_1208, %get3A_1210 : vector<16xf32>
      %get3A_1212 = arith.constant 2480 : index
      %get3A_1213 = tpu.vector_load %arg9[%get3A_1212] {strides = array<i32>} : memref<8448xf32, #tpu.memory_space<vmem>>, vector<16xf32>,
      %add3A_1214 = arith.addf %add3A_1211, %get3A_1213 : vector<16xf32>
      %get3A_1215 = arith.constant 3008 : index
      %get3A_1216 = tpu.vector_load %arg9[%get3A_1215] {strides = array<i32>} : memref<8448xf32, #tpu.memory_space<vmem>>, vector<16xf32>,
      %add3A_1217 = arith.addf %add3A_1214, %get3A_1216 : vector<16xf32>
      %get3A_1218 = arith.constant 3536 : index
      %get3A_1219 = tpu.vector_load %arg9[%get3A_1218] {strides = array<i32>} : memref<8448xf32, #tpu.memory_space<vmem>>, vector<16xf32>,
      %add3A_1220 = arith.addf %add3A_1217, %get3A_1219 : vector<16xf32>
      %get3A_1221 = arith.constant 4064 : index
      %get3A_1222 = tpu.vector_load %arg9[%get3A_1221] {strides = array<i32>} : memref<8448xf32, #tpu.memory_space<vmem>>, vector<16xf32>,
      %add3A_1223 = arith.addf %add3A_1220, %get3A_1222 : vector<16xf32>
      %get3A_1224 = arith.constant 4592 : index
      %get3A_1225 = tpu.vector_load %arg9[%get3A_1224] {strides = array<i32>} : memref<8448xf32, #tpu.memory_space<vmem>>, vector<16xf32>,
      %add3A_1226 = arith.addf %add3A_1223, %get3A_1225 : vector<16xf32>
      %get3A_1227 = arith.constant 5120 : index
      %get3A_1228 = tpu.vector_load %arg9[%get3A_1227] {strides = array<i32>} : memref<8448xf32, #tpu.memory_space<vmem>>, vector<16xf32>,
      %add3A_1229 = arith.addf %add3A_1226, %get3A_1228 : vector<16xf32>
      %get3A_1230 = arith.constant 5648 : index
      %get3A_1231 = tpu.vector_load %arg9[%get3A_1230] {strides = array<i32>} : memref<8448xf32, #tpu.memory_space<vmem>>, vector<16xf32>,
      %add3A_1232 = arith.addf %add3A_1229, %get3A_1231 : vector<16xf32>
      %get3A_1233 = arith.constant 6176 : index
      %get3A_1234 = tpu.vector_load %arg9[%get3A_1233] {strides = array<i32>} : memref<8448xf32, #tpu.memory_space<vmem>>, vector<16xf32>,
      %add3A_1235 = arith.addf %add3A_1232, %get3A_1234 : vector<16xf32>
      %get3A_1236 = arith.constant 6704 : index
      %get3A_1237 = tpu.vector_load %arg9[%get3A_1236] {strides = array<i32>} : memref<8448xf32, #tpu.memory_space<vmem>>, vector<16xf32>,
      %add3A_1238 = arith.addf %add3A_1235, %get3A_1237 : vector<16xf32>
      %get3A_1239 = arith.constant 7232 : index
      %get3A_1240 = tpu.vector_load %arg9[%get3A_1239] {strides = array<i32>} : memref<8448xf32, #tpu.memory_space<vmem>>, vector<16xf32>,
      %add3A_1241 = arith.addf %add3A_1238, %get3A_1240 : vector<16xf32>
      %get3A_1242 = arith.constant 7760 : index
      %get3A_1243 = tpu.vector_load %arg9[%get3A_1242] {strides = array<i32>} : memref<8448xf32, #tpu.memory_space<vmem>>, vector<16xf32>,
      %add3A_1244 = arith.addf %add3A_1241, %get3A_1243 : vector<16xf32>
      %get3A_1245 = arith.constant 8288 : index
      %get3A_1246 = tpu.vector_load %arg9[%get3A_1245] {strides = array<i32>} : memref<8448xf32, #tpu.memory_space<vmem>>, vector<16xf32>,
      %add3A_1247 = arith.addf %add3A_1244, %get3A_1246 : vector<16xf32>
      %swap3A_1248 = arith.constant 368 : index
      %swap3A_1249 = tpu.vector_load %arg10[%swap3A_1248] {strides = array<i32>} : memref<512xf32, #tpu.memory_space<vmem>>, vector<16xf32>,
      tpu.vector_store %arg10[%swap3A_1248], %add3A_1247 {strides = array<i32>} : memref<512xf32, #tpu.memory_space<vmem>>, vector<16xf32>,
      %get3A_1250 = arith.constant 384 : index
      %get3A_1251 = tpu.vector_load %arg9[%get3A_1250] {strides = array<i32>} : memref<8448xf32, #tpu.memory_space<vmem>>, vector<16xf32>,
      %get3A_1252 = arith.constant 912 : index
      %get3A_1253 = tpu.vector_load %arg9[%get3A_1252] {strides = array<i32>} : memref<8448xf32, #tpu.memory_space<vmem>>, vector<16xf32>,
      %add3A_1254 = arith.addf %get3A_1251, %get3A_1253 : vector<16xf32>
      %get3A_1255 = arith.constant 1440 : index
      %get3A_1256 = tpu.vector_load %arg9[%get3A_1255] {strides = array<i32>} : memref<8448xf32, #tpu.memory_space<vmem>>, vector<16xf32>,
      %add3A_1257 = arith.addf %add3A_1254, %get3A_1256 : vector<16xf32>
      %get3A_1258 = arith.constant 1968 : index
      %get3A_1259 = tpu.vector_load %arg9[%get3A_1258] {strides = array<i32>} : memref<8448xf32, #tpu.memory_space<vmem>>, vector<16xf32>,
      %add3A_1260 = arith.addf %add3A_1257, %get3A_1259 : vector<16xf32>
      %get3A_1261 = arith.constant 2496 : index
      %get3A_1262 = tpu.vector_load %arg9[%get3A_1261] {strides = array<i32>} : memref<8448xf32, #tpu.memory_space<vmem>>, vector<16xf32>,
      %add3A_1263 = arith.addf %add3A_1260, %get3A_1262 : vector<16xf32>
      %get3A_1264 = arith.constant 3024 : index
      %get3A_1265 = tpu.vector_load %arg9[%get3A_1264] {strides = array<i32>} : memref<8448xf32, #tpu.memory_space<vmem>>, vector<16xf32>,
      %add3A_1266 = arith.addf %add3A_1263, %get3A_1265 : vector<16xf32>
      %get3A_1267 = arith.constant 3552 : index
      %get3A_1268 = tpu.vector_load %arg9[%get3A_1267] {strides = array<i32>} : memref<8448xf32, #tpu.memory_space<vmem>>, vector<16xf32>,
      %add3A_1269 = arith.addf %add3A_1266, %get3A_1268 : vector<16xf32>
      %get3A_1270 = arith.constant 4080 : index
      %get3A_1271 = tpu.vector_load %arg9[%get3A_1270] {strides = array<i32>} : memref<8448xf32, #tpu.memory_space<vmem>>, vector<16xf32>,
      %add3A_1272 = arith.addf %add3A_1269, %get3A_1271 : vector<16xf32>
      %get3A_1273 = arith.constant 4608 : index
      %get3A_1274 = tpu.vector_load %arg9[%get3A_1273] {strides = array<i32>} : memref<8448xf32, #tpu.memory_space<vmem>>, vector<16xf32>,
      %add3A_1275 = arith.addf %add3A_1272, %get3A_1274 : vector<16xf32>
      %get3A_1276 = arith.constant 5136 : index
      %get3A_1277 = tpu.vector_load %arg9[%get3A_1276] {strides = array<i32>} : memref<8448xf32, #tpu.memory_space<vmem>>, vector<16xf32>,
      %add3A_1278 = arith.addf %add3A_1275, %get3A_1277 : vector<16xf32>
      %get3A_1279 = arith.constant 5664 : index
      %get3A_1280 = tpu.vector_load %arg9[%get3A_1279] {strides = array<i32>} : memref<8448xf32, #tpu.memory_space<vmem>>, vector<16xf32>,
      %add3A_1281 = arith.addf %add3A_1278, %get3A_1280 : vector<16xf32>
      %get3A_1282 = arith.constant 6192 : index
      %get3A_1283 = tpu.vector_load %arg9[%get3A_1282] {strides = array<i32>} : memref<8448xf32, #tpu.memory_space<vmem>>, vector<16xf32>,
      %add3A_1284 = arith.addf %add3A_1281, %get3A_1283 : vector<16xf32>
      %get3A_1285 = arith.constant 6720 : index
      %get3A_1286 = tpu.vector_load %arg9[%get3A_1285] {strides = array<i32>} : memref<8448xf32, #tpu.memory_space<vmem>>, vector<16xf32>,
      %add3A_1287 = arith.addf %add3A_1284, %get3A_1286 : vector<16xf32>
      %get3A_1288 = arith.constant 7248 : index
      %get3A_1289 = tpu.vector_load %arg9[%get3A_1288] {strides = array<i32>} : memref<8448xf32, #tpu.memory_space<vmem>>, vector<16xf32>,
      %add3A_1290 = arith.addf %add3A_1287, %get3A_1289 : vector<16xf32>
      %get3A_1291 = arith.constant 7776 : index
      %get3A_1292 = tpu.vector_load %arg9[%get3A_1291] {strides = array<i32>} : memref<8448xf32, #tpu.memory_space<vmem>>, vector<16xf32>,
      %add3A_1293 = arith.addf %add3A_1290, %get3A_1292 : vector<16xf32>
      %get3A_1294 = arith.constant 8304 : index
      %get3A_1295 = tpu.vector_load %arg9[%get3A_1294] {strides = array<i32>} : memref<8448xf32, #tpu.memory_space<vmem>>, vector<16xf32>,
      %add3A_1296 = arith.addf %add3A_1293, %get3A_1295 : vector<16xf32>
      %swap3A_1297 = arith.constant 384 : index
      %swap3A_1298 = tpu.vector_load %arg10[%swap3A_1297] {strides = array<i32>} : memref<512xf32, #tpu.memory_space<vmem>>, vector<16xf32>,
      tpu.vector_store %arg10[%swap3A_1297], %add3A_1296 {strides = array<i32>} : memref<512xf32, #tpu.memory_space<vmem>>, vector<16xf32>,
      %get3A_1299 = arith.constant 400 : index
      %get3A_1300 = tpu.vector_load %arg9[%get3A_1299] {strides = array<i32>} : memref<8448xf32, #tpu.memory_space<vmem>>, vector<16xf32>,
      %get3A_1301 = arith.constant 928 : index
      %get3A_1302 = tpu.vector_load %arg9[%get3A_1301] {strides = array<i32>} : memref<8448xf32, #tpu.memory_space<vmem>>, vector<16xf32>,
      %add3A_1303 = arith.addf %get3A_1300, %get3A_1302 : vector<16xf32>
      %get3A_1304 = arith.constant 1456 : index
      %get3A_1305 = tpu.vector_load %arg9[%get3A_1304] {strides = array<i32>} : memref<8448xf32, #tpu.memory_space<vmem>>, vector<16xf32>,
      %add3A_1306 = arith.addf %add3A_1303, %get3A_1305 : vector<16xf32>
      %get3A_1307 = arith.constant 1984 : index
      %get3A_1308 = tpu.vector_load %arg9[%get3A_1307] {strides = array<i32>} : memref<8448xf32, #tpu.memory_space<vmem>>, vector<16xf32>,
      %add3A_1309 = arith.addf %add3A_1306, %get3A_1308 : vector<16xf32>
      %get3A_1310 = arith.constant 2512 : index
      %get3A_1311 = tpu.vector_load %arg9[%get3A_1310] {strides = array<i32>} : memref<8448xf32, #tpu.memory_space<vmem>>, vector<16xf32>,
      %add3A_1312 = arith.addf %add3A_1309, %get3A_1311 : vector<16xf32>
      %get3A_1313 = arith.constant 3040 : index
      %get3A_1314 = tpu.vector_load %arg9[%get3A_1313] {strides = array<i32>} : memref<8448xf32, #tpu.memory_space<vmem>>, vector<16xf32>,
      %add3A_1315 = arith.addf %add3A_1312, %get3A_1314 : vector<16xf32>
      %get3A_1316 = arith.constant 3568 : index
      %get3A_1317 = tpu.vector_load %arg9[%get3A_1316] {strides = array<i32>} : memref<8448xf32, #tpu.memory_space<vmem>>, vector<16xf32>,
      %add3A_1318 = arith.addf %add3A_1315, %get3A_1317 : vector<16xf32>
      %get3A_1319 = arith.constant 4096 : index
      %get3A_1320 = tpu.vector_load %arg9[%get3A_1319] {strides = array<i32>} : memref<8448xf32, #tpu.memory_space<vmem>>, vector<16xf32>,
      %add3A_1321 = arith.addf %add3A_1318, %get3A_1320 : vector<16xf32>
      %get3A_1322 = arith.constant 4624 : index
      %get3A_1323 = tpu.vector_load %arg9[%get3A_1322] {strides = array<i32>} : memref<8448xf32, #tpu.memory_space<vmem>>, vector<16xf32>,
      %add3A_1324 = arith.addf %add3A_1321, %get3A_1323 : vector<16xf32>
      %get3A_1325 = arith.constant 5152 : index
      %get3A_1326 = tpu.vector_load %arg9[%get3A_1325] {strides = array<i32>} : memref<8448xf32, #tpu.memory_space<vmem>>, vector<16xf32>,
      %add3A_1327 = arith.addf %add3A_1324, %get3A_1326 : vector<16xf32>
      %get3A_1328 = arith.constant 5680 : index
      %get3A_1329 = tpu.vector_load %arg9[%get3A_1328] {strides = array<i32>} : memref<8448xf32, #tpu.memory_space<vmem>>, vector<16xf32>,
      %add3A_1330 = arith.addf %add3A_1327, %get3A_1329 : vector<16xf32>
      %get3A_1331 = arith.constant 6208 : index
      %get3A_1332 = tpu.vector_load %arg9[%get3A_1331] {strides = array<i32>} : memref<8448xf32, #tpu.memory_space<vmem>>, vector<16xf32>,
      %add3A_1333 = arith.addf %add3A_1330, %get3A_1332 : vector<16xf32>
      %get3A_1334 = arith.constant 6736 : index
      %get3A_1335 = tpu.vector_load %arg9[%get3A_1334] {strides = array<i32>} : memref<8448xf32, #tpu.memory_space<vmem>>, vector<16xf32>,
      %add3A_1336 = arith.addf %add3A_1333, %get3A_1335 : vector<16xf32>
      %get3A_1337 = arith.constant 7264 : index
      %get3A_1338 = tpu.vector_load %arg9[%get3A_1337] {strides = array<i32>} : memref<8448xf32, #tpu.memory_space<vmem>>, vector<16xf32>,
      %add3A_1339 = arith.addf %add3A_1336, %get3A_1338 : vector<16xf32>
      %get3A_1340 = arith.constant 7792 : index
      %get3A_1341 = tpu.vector_load %arg9[%get3A_1340] {strides = array<i32>} : memref<8448xf32, #tpu.memory_space<vmem>>, vector<16xf32>,
      %add3A_1342 = arith.addf %add3A_1339, %get3A_1341 : vector<16xf32>
      %get3A_1343 = arith.constant 8320 : index
      %get3A_1344 = tpu.vector_load %arg9[%get3A_1343] {strides = array<i32>} : memref<8448xf32, #tpu.memory_space<vmem>>, vector<16xf32>,
      %add3A_1345 = arith.addf %add3A_1342, %get3A_1344 : vector<16xf32>
      %swap3A_1346 = arith.constant 400 : index
      %swap3A_1347 = tpu.vector_load %arg10[%swap3A_1346] {strides = array<i32>} : memref<512xf32, #tpu.memory_space<vmem>>, vector<16xf32>,
      tpu.vector_store %arg10[%swap3A_1346], %add3A_1345 {strides = array<i32>} : memref<512xf32, #tpu.memory_space<vmem>>, vector<16xf32>,
      %get3A_1348 = arith.constant 416 : index
      %get3A_1349 = tpu.vector_load %arg9[%get3A_1348] {strides = array<i32>} : memref<8448xf32, #tpu.memory_space<vmem>>, vector<16xf32>,
      %get3A_1350 = arith.constant 944 : index
      %get3A_1351 = tpu.vector_load %arg9[%get3A_1350] {strides = array<i32>} : memref<8448xf32, #tpu.memory_space<vmem>>, vector<16xf32>,
      %add3A_1352 = arith.addf %get3A_1349, %get3A_1351 : vector<16xf32>
      %get3A_1353 = arith.constant 1472 : index
      %get3A_1354 = tpu.vector_load %arg9[%get3A_1353] {strides = array<i32>} : memref<8448xf32, #tpu.memory_space<vmem>>, vector<16xf32>,
      %add3A_1355 = arith.addf %add3A_1352, %get3A_1354 : vector<16xf32>
      %get3A_1356 = arith.constant 2000 : index
      %get3A_1357 = tpu.vector_load %arg9[%get3A_1356] {strides = array<i32>} : memref<8448xf32, #tpu.memory_space<vmem>>, vector<16xf32>,
      %add3A_1358 = arith.addf %add3A_1355, %get3A_1357 : vector<16xf32>
      %get3A_1359 = arith.constant 2528 : index
      %get3A_1360 = tpu.vector_load %arg9[%get3A_1359] {strides = array<i32>} : memref<8448xf32, #tpu.memory_space<vmem>>, vector<16xf32>,
      %add3A_1361 = arith.addf %add3A_1358, %get3A_1360 : vector<16xf32>
      %get3A_1362 = arith.constant 3056 : index
      %get3A_1363 = tpu.vector_load %arg9[%get3A_1362] {strides = array<i32>} : memref<8448xf32, #tpu.memory_space<vmem>>, vector<16xf32>,
      %add3A_1364 = arith.addf %add3A_1361, %get3A_1363 : vector<16xf32>
      %get3A_1365 = arith.constant 3584 : index
      %get3A_1366 = tpu.vector_load %arg9[%get3A_1365] {strides = array<i32>} : memref<8448xf32, #tpu.memory_space<vmem>>, vector<16xf32>,
      %add3A_1367 = arith.addf %add3A_1364, %get3A_1366 : vector<16xf32>
      %get3A_1368 = arith.constant 4112 : index
      %get3A_1369 = tpu.vector_load %arg9[%get3A_1368] {strides = array<i32>} : memref<8448xf32, #tpu.memory_space<vmem>>, vector<16xf32>,
      %add3A_1370 = arith.addf %add3A_1367, %get3A_1369 : vector<16xf32>
      %get3A_1371 = arith.constant 4640 : index
      %get3A_1372 = tpu.vector_load %arg9[%get3A_1371] {strides = array<i32>} : memref<8448xf32, #tpu.memory_space<vmem>>, vector<16xf32>,
      %add3A_1373 = arith.addf %add3A_1370, %get3A_1372 : vector<16xf32>
      %get3A_1374 = arith.constant 5168 : index
      %get3A_1375 = tpu.vector_load %arg9[%get3A_1374] {strides = array<i32>} : memref<8448xf32, #tpu.memory_space<vmem>>, vector<16xf32>,
      %add3A_1376 = arith.addf %add3A_1373, %get3A_1375 : vector<16xf32>
      %get3A_1377 = arith.constant 5696 : index
      %get3A_1378 = tpu.vector_load %arg9[%get3A_1377] {strides = array<i32>} : memref<8448xf32, #tpu.memory_space<vmem>>, vector<16xf32>,
      %add3A_1379 = arith.addf %add3A_1376, %get3A_1378 : vector<16xf32>
      %get3A_1380 = arith.constant 6224 : index
      %get3A_1381 = tpu.vector_load %arg9[%get3A_1380] {strides = array<i32>} : memref<8448xf32, #tpu.memory_space<vmem>>, vector<16xf32>,
      %add3A_1382 = arith.addf %add3A_1379, %get3A_1381 : vector<16xf32>
      %get3A_1383 = arith.constant 6752 : index
      %get3A_1384 = tpu.vector_load %arg9[%get3A_1383] {strides = array<i32>} : memref<8448xf32, #tpu.memory_space<vmem>>, vector<16xf32>,
      %add3A_1385 = arith.addf %add3A_1382, %get3A_1384 : vector<16xf32>
      %get3A_1386 = arith.constant 7280 : index
      %get3A_1387 = tpu.vector_load %arg9[%get3A_1386] {strides = array<i32>} : memref<8448xf32, #tpu.memory_space<vmem>>, vector<16xf32>,
      %add3A_1388 = arith.addf %add3A_1385, %get3A_1387 : vector<16xf32>
      %get3A_1389 = arith.constant 7808 : index
      %get3A_1390 = tpu.vector_load %arg9[%get3A_1389] {strides = array<i32>} : memref<8448xf32, #tpu.memory_space<vmem>>, vector<16xf32>,
      %add3A_1391 = arith.addf %add3A_1388, %get3A_1390 : vector<16xf32>
      %get3A_1392 = arith.constant 8336 : index
      %get3A_1393 = tpu.vector_load %arg9[%get3A_1392] {strides = array<i32>} : memref<8448xf32, #tpu.memory_space<vmem>>, vector<16xf32>,
      %add3A_1394 = arith.addf %add3A_1391, %get3A_1393 : vector<16xf32>
      %swap3A_1395 = arith.constant 416 : index
      %swap3A_1396 = tpu.vector_load %arg10[%swap3A_1395] {strides = array<i32>} : memref<512xf32, #tpu.memory_space<vmem>>, vector<16xf32>,
      tpu.vector_store %arg10[%swap3A_1395], %add3A_1394 {strides = array<i32>} : memref<512xf32, #tpu.memory_space<vmem>>, vector<16xf32>,
      %get3A_1397 = arith.constant 432 : index
      %get3A_1398 = tpu.vector_load %arg9[%get3A_1397] {strides = array<i32>} : memref<8448xf32, #tpu.memory_space<vmem>>, vector<16xf32>,
      %get3A_1399 = arith.constant 960 : index
      %get3A_1400 = tpu.vector_load %arg9[%get3A_1399] {strides = array<i32>} : memref<8448xf32, #tpu.memory_space<vmem>>, vector<16xf32>,
      %add3A_1401 = arith.addf %get3A_1398, %get3A_1400 : vector<16xf32>
      %get3A_1402 = arith.constant 1488 : index
      %get3A_1403 = tpu.vector_load %arg9[%get3A_1402] {strides = array<i32>} : memref<8448xf32, #tpu.memory_space<vmem>>, vector<16xf32>,
      %add3A_1404 = arith.addf %add3A_1401, %get3A_1403 : vector<16xf32>
      %get3A_1405 = arith.constant 2016 : index
      %get3A_1406 = tpu.vector_load %arg9[%get3A_1405] {strides = array<i32>} : memref<8448xf32, #tpu.memory_space<vmem>>, vector<16xf32>,
      %add3A_1407 = arith.addf %add3A_1404, %get3A_1406 : vector<16xf32>
      %get3A_1408 = arith.constant 2544 : index
      %get3A_1409 = tpu.vector_load %arg9[%get3A_1408] {strides = array<i32>} : memref<8448xf32, #tpu.memory_space<vmem>>, vector<16xf32>,
      %add3A_1410 = arith.addf %add3A_1407, %get3A_1409 : vector<16xf32>
      %get3A_1411 = arith.constant 3072 : index
      %get3A_1412 = tpu.vector_load %arg9[%get3A_1411] {strides = array<i32>} : memref<8448xf32, #tpu.memory_space<vmem>>, vector<16xf32>,
      %add3A_1413 = arith.addf %add3A_1410, %get3A_1412 : vector<16xf32>
      %get3A_1414 = arith.constant 3600 : index
      %get3A_1415 = tpu.vector_load %arg9[%get3A_1414] {strides = array<i32>} : memref<8448xf32, #tpu.memory_space<vmem>>, vector<16xf32>,
      %add3A_1416 = arith.addf %add3A_1413, %get3A_1415 : vector<16xf32>
      %get3A_1417 = arith.constant 4128 : index
      %get3A_1418 = tpu.vector_load %arg9[%get3A_1417] {strides = array<i32>} : memref<8448xf32, #tpu.memory_space<vmem>>, vector<16xf32>,
      %add3A_1419 = arith.addf %add3A_1416, %get3A_1418 : vector<16xf32>
      %get3A_1420 = arith.constant 4656 : index
      %get3A_1421 = tpu.vector_load %arg9[%get3A_1420] {strides = array<i32>} : memref<8448xf32, #tpu.memory_space<vmem>>, vector<16xf32>,
      %add3A_1422 = arith.addf %add3A_1419, %get3A_1421 : vector<16xf32>
      %get3A_1423 = arith.constant 5184 : index
      %get3A_1424 = tpu.vector_load %arg9[%get3A_1423] {strides = array<i32>} : memref<8448xf32, #tpu.memory_space<vmem>>, vector<16xf32>,
      %add3A_1425 = arith.addf %add3A_1422, %get3A_1424 : vector<16xf32>
      %get3A_1426 = arith.constant 5712 : index
      %get3A_1427 = tpu.vector_load %arg9[%get3A_1426] {strides = array<i32>} : memref<8448xf32, #tpu.memory_space<vmem>>, vector<16xf32>,
      %add3A_1428 = arith.addf %add3A_1425, %get3A_1427 : vector<16xf32>
      %get3A_1429 = arith.constant 6240 : index
      %get3A_1430 = tpu.vector_load %arg9[%get3A_1429] {strides = array<i32>} : memref<8448xf32, #tpu.memory_space<vmem>>, vector<16xf32>,
      %add3A_1431 = arith.addf %add3A_1428, %get3A_1430 : vector<16xf32>
      %get3A_1432 = arith.constant 6768 : index
      %get3A_1433 = tpu.vector_load %arg9[%get3A_1432] {strides = array<i32>} : memref<8448xf32, #tpu.memory_space<vmem>>, vector<16xf32>,
      %add3A_1434 = arith.addf %add3A_1431, %get3A_1433 : vector<16xf32>
      %get3A_1435 = arith.constant 7296 : index
      %get3A_1436 = tpu.vector_load %arg9[%get3A_1435] {strides = array<i32>} : memref<8448xf32, #tpu.memory_space<vmem>>, vector<16xf32>,
      %add3A_1437 = arith.addf %add3A_1434, %get3A_1436 : vector<16xf32>
      %get3A_1438 = arith.constant 7824 : index
      %get3A_1439 = tpu.vector_load %arg9[%get3A_1438] {strides = array<i32>} : memref<8448xf32, #tpu.memory_space<vmem>>, vector<16xf32>,
      %add3A_1440 = arith.addf %add3A_1437, %get3A_1439 : vector<16xf32>
      %get3A_1441 = arith.constant 8352 : index
      %get3A_1442 = tpu.vector_load %arg9[%get3A_1441] {strides = array<i32>} : memref<8448xf32, #tpu.memory_space<vmem>>, vector<16xf32>,
      %add3A_1443 = arith.addf %add3A_1440, %get3A_1442 : vector<16xf32>
      %swap3A_1444 = arith.constant 432 : index
      %swap3A_1445 = tpu.vector_load %arg10[%swap3A_1444] {strides = array<i32>} : memref<512xf32, #tpu.memory_space<vmem>>, vector<16xf32>,
      tpu.vector_store %arg10[%swap3A_1444], %add3A_1443 {strides = array<i32>} : memref<512xf32, #tpu.memory_space<vmem>>, vector<16xf32>,
      %get3A_1446 = arith.constant 448 : index
      %get3A_1447 = tpu.vector_load %arg9[%get3A_1446] {strides = array<i32>} : memref<8448xf32, #tpu.memory_space<vmem>>, vector<16xf32>,
      %get3A_1448 = arith.constant 976 : index
      %get3A_1449 = tpu.vector_load %arg9[%get3A_1448] {strides = array<i32>} : memref<8448xf32, #tpu.memory_space<vmem>>, vector<16xf32>,
      %add3A_1450 = arith.addf %get3A_1447, %get3A_1449 : vector<16xf32>
      %get3A_1451 = arith.constant 1504 : index
      %get3A_1452 = tpu.vector_load %arg9[%get3A_1451] {strides = array<i32>} : memref<8448xf32, #tpu.memory_space<vmem>>, vector<16xf32>,
      %add3A_1453 = arith.addf %add3A_1450, %get3A_1452 : vector<16xf32>
      %get3A_1454 = arith.constant 2032 : index
      %get3A_1455 = tpu.vector_load %arg9[%get3A_1454] {strides = array<i32>} : memref<8448xf32, #tpu.memory_space<vmem>>, vector<16xf32>,
      %add3A_1456 = arith.addf %add3A_1453, %get3A_1455 : vector<16xf32>
      %get3A_1457 = arith.constant 2560 : index
      %get3A_1458 = tpu.vector_load %arg9[%get3A_1457] {strides = array<i32>} : memref<8448xf32, #tpu.memory_space<vmem>>, vector<16xf32>,
      %add3A_1459 = arith.addf %add3A_1456, %get3A_1458 : vector<16xf32>
      %get3A_1460 = arith.constant 3088 : index
      %get3A_1461 = tpu.vector_load %arg9[%get3A_1460] {strides = array<i32>} : memref<8448xf32, #tpu.memory_space<vmem>>, vector<16xf32>,
      %add3A_1462 = arith.addf %add3A_1459, %get3A_1461 : vector<16xf32>
      %get3A_1463 = arith.constant 3616 : index
      %get3A_1464 = tpu.vector_load %arg9[%get3A_1463] {strides = array<i32>} : memref<8448xf32, #tpu.memory_space<vmem>>, vector<16xf32>,
      %add3A_1465 = arith.addf %add3A_1462, %get3A_1464 : vector<16xf32>
      %get3A_1466 = arith.constant 4144 : index
      %get3A_1467 = tpu.vector_load %arg9[%get3A_1466] {strides = array<i32>} : memref<8448xf32, #tpu.memory_space<vmem>>, vector<16xf32>,
      %add3A_1468 = arith.addf %add3A_1465, %get3A_1467 : vector<16xf32>
      %get3A_1469 = arith.constant 4672 : index
      %get3A_1470 = tpu.vector_load %arg9[%get3A_1469] {strides = array<i32>} : memref<8448xf32, #tpu.memory_space<vmem>>, vector<16xf32>,
      %add3A_1471 = arith.addf %add3A_1468, %get3A_1470 : vector<16xf32>
      %get3A_1472 = arith.constant 5200 : index
      %get3A_1473 = tpu.vector_load %arg9[%get3A_1472] {strides = array<i32>} : memref<8448xf32, #tpu.memory_space<vmem>>, vector<16xf32>,
      %add3A_1474 = arith.addf %add3A_1471, %get3A_1473 : vector<16xf32>
      %get3A_1475 = arith.constant 5728 : index
      %get3A_1476 = tpu.vector_load %arg9[%get3A_1475] {strides = array<i32>} : memref<8448xf32, #tpu.memory_space<vmem>>, vector<16xf32>,
      %add3A_1477 = arith.addf %add3A_1474, %get3A_1476 : vector<16xf32>
      %get3A_1478 = arith.constant 6256 : index
      %get3A_1479 = tpu.vector_load %arg9[%get3A_1478] {strides = array<i32>} : memref<8448xf32, #tpu.memory_space<vmem>>, vector<16xf32>,
      %add3A_1480 = arith.addf %add3A_1477, %get3A_1479 : vector<16xf32>
      %get3A_1481 = arith.constant 6784 : index
      %get3A_1482 = tpu.vector_load %arg9[%get3A_1481] {strides = array<i32>} : memref<8448xf32, #tpu.memory_space<vmem>>, vector<16xf32>,
      %add3A_1483 = arith.addf %add3A_1480, %get3A_1482 : vector<16xf32>
      %get3A_1484 = arith.constant 7312 : index
      %get3A_1485 = tpu.vector_load %arg9[%get3A_1484] {strides = array<i32>} : memref<8448xf32, #tpu.memory_space<vmem>>, vector<16xf32>,
      %add3A_1486 = arith.addf %add3A_1483, %get3A_1485 : vector<16xf32>
      %get3A_1487 = arith.constant 7840 : index
      %get3A_1488 = tpu.vector_load %arg9[%get3A_1487] {strides = array<i32>} : memref<8448xf32, #tpu.memory_space<vmem>>, vector<16xf32>,
      %add3A_1489 = arith.addf %add3A_1486, %get3A_1488 : vector<16xf32>
      %get3A_1490 = arith.constant 8368 : index
      %get3A_1491 = tpu.vector_load %arg9[%get3A_1490] {strides = array<i32>} : memref<8448xf32, #tpu.memory_space<vmem>>, vector<16xf32>,
      %add3A_1492 = arith.addf %add3A_1489, %get3A_1491 : vector<16xf32>
      %swap3A_1493 = arith.constant 448 : index
      %swap3A_1494 = tpu.vector_load %arg10[%swap3A_1493] {strides = array<i32>} : memref<512xf32, #tpu.memory_space<vmem>>, vector<16xf32>,
      tpu.vector_store %arg10[%swap3A_1493], %add3A_1492 {strides = array<i32>} : memref<512xf32, #tpu.memory_space<vmem>>, vector<16xf32>,
      %get3A_1495 = arith.constant 464 : index
      %get3A_1496 = tpu.vector_load %arg9[%get3A_1495] {strides = array<i32>} : memref<8448xf32, #tpu.memory_space<vmem>>, vector<16xf32>,
      %get3A_1497 = arith.constant 992 : index
      %get3A_1498 = tpu.vector_load %arg9[%get3A_1497] {strides = array<i32>} : memref<8448xf32, #tpu.memory_space<vmem>>, vector<16xf32>,
      %add3A_1499 = arith.addf %get3A_1496, %get3A_1498 : vector<16xf32>
      %get3A_1500 = arith.constant 1520 : index
      %get3A_1501 = tpu.vector_load %arg9[%get3A_1500] {strides = array<i32>} : memref<8448xf32, #tpu.memory_space<vmem>>, vector<16xf32>,
      %add3A_1502 = arith.addf %add3A_1499, %get3A_1501 : vector<16xf32>
      %get3A_1503 = arith.constant 2048 : index
      %get3A_1504 = tpu.vector_load %arg9[%get3A_1503] {strides = array<i32>} : memref<8448xf32, #tpu.memory_space<vmem>>, vector<16xf32>,
      %add3A_1505 = arith.addf %add3A_1502, %get3A_1504 : vector<16xf32>
      %get3A_1506 = arith.constant 2576 : index
      %get3A_1507 = tpu.vector_load %arg9[%get3A_1506] {strides = array<i32>} : memref<8448xf32, #tpu.memory_space<vmem>>, vector<16xf32>,
      %add3A_1508 = arith.addf %add3A_1505, %get3A_1507 : vector<16xf32>
      %get3A_1509 = arith.constant 3104 : index
      %get3A_1510 = tpu.vector_load %arg9[%get3A_1509] {strides = array<i32>} : memref<8448xf32, #tpu.memory_space<vmem>>, vector<16xf32>,
      %add3A_1511 = arith.addf %add3A_1508, %get3A_1510 : vector<16xf32>
      %get3A_1512 = arith.constant 3632 : index
      %get3A_1513 = tpu.vector_load %arg9[%get3A_1512] {strides = array<i32>} : memref<8448xf32, #tpu.memory_space<vmem>>, vector<16xf32>,
      %add3A_1514 = arith.addf %add3A_1511, %get3A_1513 : vector<16xf32>
      %get3A_1515 = arith.constant 4160 : index
      %get3A_1516 = tpu.vector_load %arg9[%get3A_1515] {strides = array<i32>} : memref<8448xf32, #tpu.memory_space<vmem>>, vector<16xf32>,
      %add3A_1517 = arith.addf %add3A_1514, %get3A_1516 : vector<16xf32>
      %get3A_1518 = arith.constant 4688 : index
      %get3A_1519 = tpu.vector_load %arg9[%get3A_1518] {strides = array<i32>} : memref<8448xf32, #tpu.memory_space<vmem>>, vector<16xf32>,
      %add3A_1520 = arith.addf %add3A_1517, %get3A_1519 : vector<16xf32>
      %get3A_1521 = arith.constant 5216 : index
      %get3A_1522 = tpu.vector_load %arg9[%get3A_1521] {strides = array<i32>} : memref<8448xf32, #tpu.memory_space<vmem>>, vector<16xf32>,
      %add3A_1523 = arith.addf %add3A_1520, %get3A_1522 : vector<16xf32>
      %get3A_1524 = arith.constant 5744 : index
      %get3A_1525 = tpu.vector_load %arg9[%get3A_1524] {strides = array<i32>} : memref<8448xf32, #tpu.memory_space<vmem>>, vector<16xf32>,
      %add3A_1526 = arith.addf %add3A_1523, %get3A_1525 : vector<16xf32>
      %get3A_1527 = arith.constant 6272 : index
      %get3A_1528 = tpu.vector_load %arg9[%get3A_1527] {strides = array<i32>} : memref<8448xf32, #tpu.memory_space<vmem>>, vector<16xf32>,
      %add3A_1529 = arith.addf %add3A_1526, %get3A_1528 : vector<16xf32>
      %get3A_1530 = arith.constant 6800 : index
      %get3A_1531 = tpu.vector_load %arg9[%get3A_1530] {strides = array<i32>} : memref<8448xf32, #tpu.memory_space<vmem>>, vector<16xf32>,
      %add3A_1532 = arith.addf %add3A_1529, %get3A_1531 : vector<16xf32>
      %get3A_1533 = arith.constant 7328 : index
      %get3A_1534 = tpu.vector_load %arg9[%get3A_1533] {strides = array<i32>} : memref<8448xf32, #tpu.memory_space<vmem>>, vector<16xf32>,
      %add3A_1535 = arith.addf %add3A_1532, %get3A_1534 : vector<16xf32>
      %get3A_1536 = arith.constant 7856 : index
      %get3A_1537 = tpu.vector_load %arg9[%get3A_1536] {strides = array<i32>} : memref<8448xf32, #tpu.memory_space<vmem>>, vector<16xf32>,
      %add3A_1538 = arith.addf %add3A_1535, %get3A_1537 : vector<16xf32>
      %get3A_1539 = arith.constant 8384 : index
      %get3A_1540 = tpu.vector_load %arg9[%get3A_1539] {strides = array<i32>} : memref<8448xf32, #tpu.memory_space<vmem>>, vector<16xf32>,
      %add3A_1541 = arith.addf %add3A_1538, %get3A_1540 : vector<16xf32>
      %swap3A_1542 = arith.constant 464 : index
      %swap3A_1543 = tpu.vector_load %arg10[%swap3A_1542] {strides = array<i32>} : memref<512xf32, #tpu.memory_space<vmem>>, vector<16xf32>,
      tpu.vector_store %arg10[%swap3A_1542], %add3A_1541 {strides = array<i32>} : memref<512xf32, #tpu.memory_space<vmem>>, vector<16xf32>,
      %get3A_1544 = arith.constant 480 : index
      %get3A_1545 = tpu.vector_load %arg9[%get3A_1544] {strides = array<i32>} : memref<8448xf32, #tpu.memory_space<vmem>>, vector<16xf32>,
      %get3A_1546 = arith.constant 1008 : index
      %get3A_1547 = tpu.vector_load %arg9[%get3A_1546] {strides = array<i32>} : memref<8448xf32, #tpu.memory_space<vmem>>, vector<16xf32>,
      %add3A_1548 = arith.addf %get3A_1545, %get3A_1547 : vector<16xf32>
      %get3A_1549 = arith.constant 1536 : index
      %get3A_1550 = tpu.vector_load %arg9[%get3A_1549] {strides = array<i32>} : memref<8448xf32, #tpu.memory_space<vmem>>, vector<16xf32>,
      %add3A_1551 = arith.addf %add3A_1548, %get3A_1550 : vector<16xf32>
      %get3A_1552 = arith.constant 2064 : index
      %get3A_1553 = tpu.vector_load %arg9[%get3A_1552] {strides = array<i32>} : memref<8448xf32, #tpu.memory_space<vmem>>, vector<16xf32>,
      %add3A_1554 = arith.addf %add3A_1551, %get3A_1553 : vector<16xf32>
      %get3A_1555 = arith.constant 2592 : index
      %get3A_1556 = tpu.vector_load %arg9[%get3A_1555] {strides = array<i32>} : memref<8448xf32, #tpu.memory_space<vmem>>, vector<16xf32>,
      %add3A_1557 = arith.addf %add3A_1554, %get3A_1556 : vector<16xf32>
      %get3A_1558 = arith.constant 3120 : index
      %get3A_1559 = tpu.vector_load %arg9[%get3A_1558] {strides = array<i32>} : memref<8448xf32, #tpu.memory_space<vmem>>, vector<16xf32>,
      %add3A_1560 = arith.addf %add3A_1557, %get3A_1559 : vector<16xf32>
      %get3A_1561 = arith.constant 3648 : index
      %get3A_1562 = tpu.vector_load %arg9[%get3A_1561] {strides = array<i32>} : memref<8448xf32, #tpu.memory_space<vmem>>, vector<16xf32>,
      %add3A_1563 = arith.addf %add3A_1560, %get3A_1562 : vector<16xf32>
      %get3A_1564 = arith.constant 4176 : index
      %get3A_1565 = tpu.vector_load %arg9[%get3A_1564] {strides = array<i32>} : memref<8448xf32, #tpu.memory_space<vmem>>, vector<16xf32>,
      %add3A_1566 = arith.addf %add3A_1563, %get3A_1565 : vector<16xf32>
      %get3A_1567 = arith.constant 4704 : index
      %get3A_1568 = tpu.vector_load %arg9[%get3A_1567] {strides = array<i32>} : memref<8448xf32, #tpu.memory_space<vmem>>, vector<16xf32>,
      %add3A_1569 = arith.addf %add3A_1566, %get3A_1568 : vector<16xf32>
      %get3A_1570 = arith.constant 5232 : index
      %get3A_1571 = tpu.vector_load %arg9[%get3A_1570] {strides = array<i32>} : memref<8448xf32, #tpu.memory_space<vmem>>, vector<16xf32>,
      %add3A_1572 = arith.addf %add3A_1569, %get3A_1571 : vector<16xf32>
      %get3A_1573 = arith.constant 5760 : index
      %get3A_1574 = tpu.vector_load %arg9[%get3A_1573] {strides = array<i32>} : memref<8448xf32, #tpu.memory_space<vmem>>, vector<16xf32>,
      %add3A_1575 = arith.addf %add3A_1572, %get3A_1574 : vector<16xf32>
      %get3A_1576 = arith.constant 6288 : index
      %get3A_1577 = tpu.vector_load %arg9[%get3A_1576] {strides = array<i32>} : memref<8448xf32, #tpu.memory_space<vmem>>, vector<16xf32>,
      %add3A_1578 = arith.addf %add3A_1575, %get3A_1577 : vector<16xf32>
      %get3A_1579 = arith.constant 6816 : index
      %get3A_1580 = tpu.vector_load %arg9[%get3A_1579] {strides = array<i32>} : memref<8448xf32, #tpu.memory_space<vmem>>, vector<16xf32>,
      %add3A_1581 = arith.addf %add3A_1578, %get3A_1580 : vector<16xf32>
      %get3A_1582 = arith.constant 7344 : index
      %get3A_1583 = tpu.vector_load %arg9[%get3A_1582] {strides = array<i32>} : memref<8448xf32, #tpu.memory_space<vmem>>, vector<16xf32>,
      %add3A_1584 = arith.addf %add3A_1581, %get3A_1583 : vector<16xf32>
      %get3A_1585 = arith.constant 7872 : index
      %get3A_1586 = tpu.vector_load %arg9[%get3A_1585] {strides = array<i32>} : memref<8448xf32, #tpu.memory_space<vmem>>, vector<16xf32>,
      %add3A_1587 = arith.addf %add3A_1584, %get3A_1586 : vector<16xf32>
      %get3A_1588 = arith.constant 8400 : index
      %get3A_1589 = tpu.vector_load %arg9[%get3A_1588] {strides = array<i32>} : memref<8448xf32, #tpu.memory_space<vmem>>, vector<16xf32>,
      %add3A_1590 = arith.addf %add3A_1587, %get3A_1589 : vector<16xf32>
      %swap3A_1591 = arith.constant 480 : index
      %swap3A_1592 = tpu.vector_load %arg10[%swap3A_1591] {strides = array<i32>} : memref<512xf32, #tpu.memory_space<vmem>>, vector<16xf32>,
      tpu.vector_store %arg10[%swap3A_1591], %add3A_1590 {strides = array<i32>} : memref<512xf32, #tpu.memory_space<vmem>>, vector<16xf32>,
      %get3A_1593 = arith.constant 496 : index
      %get3A_1594 = tpu.vector_load %arg9[%get3A_1593] {strides = array<i32>} : memref<8448xf32, #tpu.memory_space<vmem>>, vector<16xf32>,
      %get3A_1595 = arith.constant 1024 : index
      %get3A_1596 = tpu.vector_load %arg9[%get3A_1595] {strides = array<i32>} : memref<8448xf32, #tpu.memory_space<vmem>>, vector<16xf32>,
      %add3A_1597 = arith.addf %get3A_1594, %get3A_1596 : vector<16xf32>
      %get3A_1598 = arith.constant 1552 : index
      %get3A_1599 = tpu.vector_load %arg9[%get3A_1598] {strides = array<i32>} : memref<8448xf32, #tpu.memory_space<vmem>>, vector<16xf32>,
      %add3A_1600 = arith.addf %add3A_1597, %get3A_1599 : vector<16xf32>
      %get3A_1601 = arith.constant 2080 : index
      %get3A_1602 = tpu.vector_load %arg9[%get3A_1601] {strides = array<i32>} : memref<8448xf32, #tpu.memory_space<vmem>>, vector<16xf32>,
      %add3A_1603 = arith.addf %add3A_1600, %get3A_1602 : vector<16xf32>
      %get3A_1604 = arith.constant 2608 : index
      %get3A_1605 = tpu.vector_load %arg9[%get3A_1604] {strides = array<i32>} : memref<8448xf32, #tpu.memory_space<vmem>>, vector<16xf32>,
      %add3A_1606 = arith.addf %add3A_1603, %get3A_1605 : vector<16xf32>
      %get3A_1607 = arith.constant 3136 : index
      %get3A_1608 = tpu.vector_load %arg9[%get3A_1607] {strides = array<i32>} : memref<8448xf32, #tpu.memory_space<vmem>>, vector<16xf32>,
      %add3A_1609 = arith.addf %add3A_1606, %get3A_1608 : vector<16xf32>
      %get3A_1610 = arith.constant 3664 : index
      %get3A_1611 = tpu.vector_load %arg9[%get3A_1610] {strides = array<i32>} : memref<8448xf32, #tpu.memory_space<vmem>>, vector<16xf32>,
      %add3A_1612 = arith.addf %add3A_1609, %get3A_1611 : vector<16xf32>
      %get3A_1613 = arith.constant 4192 : index
      %get3A_1614 = tpu.vector_load %arg9[%get3A_1613] {strides = array<i32>} : memref<8448xf32, #tpu.memory_space<vmem>>, vector<16xf32>,
      %add3A_1615 = arith.addf %add3A_1612, %get3A_1614 : vector<16xf32>
      %get3A_1616 = arith.constant 4720 : index
      %get3A_1617 = tpu.vector_load %arg9[%get3A_1616] {strides = array<i32>} : memref<8448xf32, #tpu.memory_space<vmem>>, vector<16xf32>,
      %add3A_1618 = arith.addf %add3A_1615, %get3A_1617 : vector<16xf32>
      %get3A_1619 = arith.constant 5248 : index
      %get3A_1620 = tpu.vector_load %arg9[%get3A_1619] {strides = array<i32>} : memref<8448xf32, #tpu.memory_space<vmem>>, vector<16xf32>,
      %add3A_1621 = arith.addf %add3A_1618, %get3A_1620 : vector<16xf32>
      %get3A_1622 = arith.constant 5776 : index
      %get3A_1623 = tpu.vector_load %arg9[%get3A_1622] {strides = array<i32>} : memref<8448xf32, #tpu.memory_space<vmem>>, vector<16xf32>,
      %add3A_1624 = arith.addf %add3A_1621, %get3A_1623 : vector<16xf32>
      %get3A_1625 = arith.constant 6304 : index
      %get3A_1626 = tpu.vector_load %arg9[%get3A_1625] {strides = array<i32>} : memref<8448xf32, #tpu.memory_space<vmem>>, vector<16xf32>,
      %add3A_1627 = arith.addf %add3A_1624, %get3A_1626 : vector<16xf32>
      %get3A_1628 = arith.constant 6832 : index
      %get3A_1629 = tpu.vector_load %arg9[%get3A_1628] {strides = array<i32>} : memref<8448xf32, #tpu.memory_space<vmem>>, vector<16xf32>,
      %add3A_1630 = arith.addf %add3A_1627, %get3A_1629 : vector<16xf32>
      %get3A_1631 = arith.constant 7360 : index
      %get3A_1632 = tpu.vector_load %arg9[%get3A_1631] {strides = array<i32>} : memref<8448xf32, #tpu.memory_space<vmem>>, vector<16xf32>,
      %add3A_1633 = arith.addf %add3A_1630, %get3A_1632 : vector<16xf32>
      %get3A_1634 = arith.constant 7888 : index
      %get3A_1635 = tpu.vector_load %arg9[%get3A_1634] {strides = array<i32>} : memref<8448xf32, #tpu.memory_space<vmem>>, vector<16xf32>,
      %add3A_1636 = arith.addf %add3A_1633, %get3A_1635 : vector<16xf32>
      %get3A_1637 = arith.constant 8416 : index
      %get3A_1638 = tpu.vector_load %arg9[%get3A_1637] {strides = array<i32>} : memref<8448xf32, #tpu.memory_space<vmem>>, vector<16xf32>,
      %add3A_1639 = arith.addf %add3A_1636, %get3A_1638 : vector<16xf32>
      %swap3A_1640 = arith.constant 496 : index
      %swap3A_1641 = tpu.vector_load %arg10[%swap3A_1640] {strides = array<i32>} : memref<512xf32, #tpu.memory_space<vmem>>, vector<16xf32>,
      tpu.vector_store %arg10[%swap3A_1640], %add3A_1639 {strides = array<i32>} : memref<512xf32, #tpu.memory_space<vmem>>, vector<16xf32>,
      "tpu.region"() ({
        %run_scoped3A = tpu.sem_alloc : memref<!tpu.dma_semaphore, #tpu.memory_space<semaphore_mem>>
        tpu.enqueue_dma source(%arg10 : memref<512xf32, #tpu.memory_space<vmem>>) target(%arg4 : memref<512xf32, #tpu.memory_space<hbm>>) target_semaphore(%run_scoped3A : memref<!tpu.dma_semaphore, #tpu.memory_space<semaphore_mem>>)
        tpu.wait_dma2 semaphore(%run_scoped3A : memref<!tpu.dma_semaphore, #tpu.memory_space<semaphore_mem>>) src(%arg10 : memref<512xf32, #tpu.memory_space<vmem>>) dst(%arg4 : memref<512xf32, #tpu.memory_space<hbm>>)
        tpu.yield
      }) : () -> ()
    } else {
    }
    return
  }
}

module attributes {stable_mosaic.version = 14 : i64} {
  func.func @_tc_body(%arg0: i32, %arg1: memref<3x8192xf32, #tpu.memory_space<vmem>>, %arg2: memref<8192xi32, #tpu.memory_space<vmem>>, %arg3: memref<256x3xf32, #tpu.memory_space<vmem>>, %arg4: memref<256x1xf32, #tpu.memory_space<vmem>>, %arg5: memref<1x256xf32, #tpu.memory_space<vmem>>, %arg6: memref<1x1xf32, #tpu.memory_space<vmem>>, %arg7: memref<8192xf32, #tpu.memory_space<vmem>>) attributes {dimension_semantics = [#tpu.dimension_semantics<arbitrary>], iteration_bounds = array<i64: 13>, scalar_prefetch = 0 : i64, scratch_operands = 0 : i64, tpu.core_type = #tpu.core_type<tc>, window_params = [{transform_indices = @transform_0, window_bounds = array<i64: 3, 8192>}, {transform_indices = @transform_1, window_bounds = array<i64: 8192>}, {pipeline_mode = #tpu.pipeline_mode<synchronous>, transform_indices = @transform_2, window_bounds = array<i64: 256, 3>}, {pipeline_mode = #tpu.pipeline_mode<synchronous>, transform_indices = @transform_3, window_bounds = array<i64: 256, 1>}, {pipeline_mode = #tpu.pipeline_mode<synchronous>, transform_indices = @transform_4, window_bounds = array<i64: 1, 256>}, {pipeline_mode = #tpu.pipeline_mode<synchronous>, transform_indices = @transform_5, window_bounds = array<i64: 1, 1>}, {transform_indices = @transform_6, window_bounds = array<i64: 8192>}]} {
    %get3A = arith.constant 0 : index
    %get3A_0 = arith.constant 0 : index
    %get3A_1 = vector.load %arg1[%get3A, %get3A_0] : memref<3x8192xf32, #tpu.memory_space<vmem>>, vector<3x8192xf32>
    %get3A_2 = arith.constant 0 : index
    %get3A_3 = arith.constant 0 : index
    %get3A_4 = vector.load %arg3[%get3A_2, %get3A_3] : memref<256x3xf32, #tpu.memory_space<vmem>>, vector<256x3xf32>
    %dot_general3A = arith.constant dense<0.000000e+00> : vector<256x8192xf32>
    %dot_general3A_5 = tpu.matmul %get3A_4, %get3A_1, %dot_general3A {dimension_numbers = #tpu.dot_dimension_numbers<[1], [0], [0], [1], [0, 0, 1, 1], [], []>, transpose_lhs_hint = false} : vector<256x3xf32>, vector<3x8192xf32>, vector<256x8192xf32> -> vector<256x8192xf32>
    %get3A_6 = arith.constant 0 : index
    %get3A_7 = arith.constant 0 : index
    %get3A_8 = vector.load %arg4[%get3A_6, %get3A_7] : memref<256x1xf32, #tpu.memory_space<vmem>>, vector<256x1xf32>
    %add3A = vector.broadcast %get3A_8 : vector<256x1xf32> to vector<256x8192xf32>
    %add3A_9 = arith.addf %dot_general3A_5, %add3A : vector<256x8192xf32>
    %tanh3A = math.tanh %add3A_9 : vector<256x8192xf32>
    %get3A_10 = arith.constant 0 : index
    %get3A_11 = arith.constant 0 : index
    %get3A_12 = vector.load %arg5[%get3A_10, %get3A_11] : memref<1x256xf32, #tpu.memory_space<vmem>>, vector<1x256xf32>
    %dot_general3A_13 = arith.constant dense<0.000000e+00> : vector<1x8192xf32>
    %dot_general3A_14 = tpu.matmul %get3A_12, %tanh3A, %dot_general3A_13 {dimension_numbers = #tpu.dot_dimension_numbers<[1], [0], [0], [1], [0, 0, 1, 1], [], []>, transpose_lhs_hint = false} : vector<1x256xf32>, vector<256x8192xf32>, vector<1x8192xf32> -> vector<1x8192xf32>
    %get3A_15 = arith.constant 0 : index
    %get3A_16 = vector.load %arg2[%get3A_15] : memref<8192xi32, #tpu.memory_space<vmem>>, vector<8192xi32>
    %eq3A = arith.constant 1 : i32
    %eq3A_17 = vector.broadcast %eq3A : i32 to vector<8192xi32>
    %eq3A_18 = arith.cmpi eq, %get3A_16, %eq3A_17 : vector<8192xi32>
    %jit3A = arith.constant -5.000000e-01 : f32
    %jit3A_19 = arith.constant 0.000000e+00 : f32
    %broadcast_in_dim3A = vector.broadcast %jit3A : f32 to vector<8192xf32>
    %broadcast_in_dim3A_20 = vector.broadcast %jit3A_19 : f32 to vector<8192xf32>
    %select_n3A = arith.select %eq3A_18, %broadcast_in_dim3A, %broadcast_in_dim3A_20 : vector<8192xi1>, vector<8192xf32>
    %eq3A_21 = arith.constant 8 : i32
    %eq3A_22 = vector.broadcast %eq3A_21 : i32 to vector<8192xi32>
    %eq3A_23 = arith.cmpi eq, %get3A_16, %eq3A_22 : vector<8192xi32>
    %jit3A_24 = arith.constant -7.500000e+01 : f32
    %jit3A_25 = arith.constant 0.000000e+00 : f32
    %broadcast_in_dim3A_26 = vector.broadcast %jit3A_24 : f32 to vector<8192xf32>
    %broadcast_in_dim3A_27 = vector.broadcast %jit3A_25 : f32 to vector<8192xf32>
    %select_n3A_28 = arith.select %eq3A_23, %broadcast_in_dim3A_26, %broadcast_in_dim3A_27 : vector<8192xi1>, vector<8192xf32>
    %add3A_29 = arith.addf %select_n3A, %select_n3A_28 : vector<8192xf32>
    %get3A_30 = arith.constant 0 : index
    %get3A_31 = arith.constant 0 : index
    %get3A_32 = vector.load %arg6[%get3A_30, %get3A_31] : memref<1x1xf32, #tpu.memory_space<vmem>>, vector<1x1xf32>
    %add3A_33 = vector.broadcast %get3A_32 : vector<1x1xf32> to vector<1x8192xf32>
    %add3A_34 = arith.addf %dot_general3A_14, %add3A_33 : vector<1x8192xf32>
    %reshape3A = vector.shape_cast %add3A_34 : vector<1x8192xf32> to vector<8192xf32>
    %add3A_35 = arith.addf %reshape3A, %add3A_29 : vector<8192xf32>
    %swap3A = arith.constant 0 : index
    %swap3A_36 = vector.load %arg7[%swap3A] : memref<8192xf32, #tpu.memory_space<vmem>>, vector<8192xf32>
    tpu.vector_store %arg7[%swap3A], %add3A_35 {strides = array<i32>} : memref<8192xf32, #tpu.memory_space<vmem>>, vector<8192xf32>,
    return
  }
  func.func @transform_0(%arg0: i32) -> (i32, i32) {
    %c0_i32 = arith.constant 0 : i32
    %c0_i32_0 = arith.constant 0 : i32
    return %c0_i32, %arg0 : i32, i32
  }
  func.func @transform_1(%arg0: i32) -> i32 {
    %c0_i32 = arith.constant 0 : i32
    return %arg0 : i32
  }
  func.func @transform_2(%arg0: i32) -> (i32, i32) {
    %c0_i32 = arith.constant 0 : i32
    %c0_i32_0 = arith.constant 0 : i32
    %c0_i32_1 = arith.constant 0 : i32
    return %c0_i32, %c0_i32_0 : i32, i32
  }
  func.func @transform_3(%arg0: i32) -> (i32, i32) {
    %c0_i32 = arith.constant 0 : i32
    %c0_i32_0 = arith.constant 0 : i32
    %c0_i32_1 = arith.constant 0 : i32
    return %c0_i32, %c0_i32_0 : i32, i32
  }
  func.func @transform_4(%arg0: i32) -> (i32, i32) {
    %c0_i32 = arith.constant 0 : i32
    %c0_i32_0 = arith.constant 0 : i32
    %c0_i32_1 = arith.constant 0 : i32
    return %c0_i32, %c0_i32_0 : i32, i32
  }
  func.func @transform_5(%arg0: i32) -> (i32, i32) {
    %c0_i32 = arith.constant 0 : i32
    %c0_i32_0 = arith.constant 0 : i32
    %c0_i32_1 = arith.constant 0 : i32
    return %c0_i32, %c0_i32_0 : i32, i32
  }
  func.func @transform_6(%arg0: i32) -> i32 {
    %c0_i32 = arith.constant 0 : i32
    return %arg0 : i32
  }
}

</mosaic_0001>

<sc_bundles>
// kernel: kernel.4.cloned.1.call-start
scs
__scs_entry_jumppad:
0x0: {  	(pc) =	sbr.rel $0x88, $3  }
0x1: {  	(tag) =	ssettag $0x0;
	lr =	simm.s32 $0x1  }
0x2: {  	[smem:$0x3F9A] =	sst lr;
	_ =	strace $0xD0000000  }
0x3: {  	_ = 	snop  }
0x4: {  	_ = 	snop  }
0x5: {  	_ = 	snop  }
0x6: {  	_ = 	snop  }
0x7: {  	_ = 	snop  }
__scs_overlays_trampoline_lowered:
0x8: {  	[smem:$0x3FA9] =	sst s0  }
0x9: {  	[smem:$0x3FAA] =	sst s1  }
0xa: {  	[smem:$0x3FAB] =	sst s2  }
0xb: {  	[smem:$0x3FAC] =	sst s3  }
0xc: {  	[smem:$0x3FAD] =	sst s4  }
0xd: {  	[smem:$0x3FAE] =	sst s5  }
0xe: {  	[smem:$0x3FAF] =	sst s6  }
0xf: {  	[smem:$0x3FB0] =	sst s7  }
0x10: {  	[smem:$0x3FB1] =	sst s8  }
0x11: {  	[smem:$0x3FB2] =	sst s9;
	s0 =	simm.s32 @!p0 $0x0  }
0x12: {  	s1 =	sld [smem:$0x3F98];
	s0 =	simm.s32 @p0 $0x1  }
0x13: {  	[smem:$0x3FB3] =	sst s0;
	s0 =	simm.s32 @!p1 $0x0  }
0x14: {  	s2 =	sld [smem:$0x3F97];
	s0 =	simm.s32 @p1 $0x1  }
0x15: {  	[smem:$0x3FB4] =	sst s0;
	s0 =	simm.s32 @!p2 $0x0  }
0x16: {  	s3 =	sld [smem:$0x3FDB];
	s0 =	simm.s32 @p2 $0x1  }
0x17: {  	s4 =	simm.s32 $0x1BF5;
	[smem:$0x3FB6] =	sst s0  }
0x18: {  	s0 =	sld [smem:$0x3F99];
	_ =	swait.ge [sflag:s4], $0x0  }
0x19: {  	s7 =	sld [smem:$0x3F9A]  }
0x1a: {  	s8 =	sadd.s32 $0xFFFFE003, lr  }
0x1b: {  	s9 =	sadd.s32 $0xFFFFFEF7, lr;
	s5 =	simm.s32 $0xFFFFFFFF;
	p2 =	slt.u32 s8, $0xFFFFF086  }
0x1c: {  	p1 =	slt.u32 s9, $0xF7A;
	s5 =	simm.s32 @!p2 $0x0  }
0x1d: {  	s5 =	simm.s32 @p1 $0x1;
	p0 =	seq.s32 s7, s2  }
0x1e: {  	s7 =	smul.u32 @!p0 $0xF7A, s2;
	p2 =	seq.s32 @!p0 s5, $0x0  }
0x1f: {  	s9 =	smul.u32 $0xF7A, s1;
	s8 =	simm.s32 @!p0 $0x1BF5;
	p2 =	por !p2, p0  }
0x20: {  	[sflag:s8] =	ssyncset.s32 @!p0 $0xFFFFF086;
	s6 =	sadd.s32 @!p0 s3, s7;
	s7 =	simm.s32 @!p0 $0x108  }
0x21: {  	s3 =	sadd.s32 s3, s9;
	s6 =	sadd.s32 @!p0 $0x88, s6;
	s7 =	simm.s32 @p2 $0x1082  }
0x22: {  	[simem:s7], [sflag:s8] =	dma.local @!p0 [hbm:s6], $0xF7A  }
0x23: {  	s9 =	sor.u32 $0xD0000000, s2;
	s6 =	simm.s32 $0x108;
	_ =	swait.ge @!p0 [sflag:s8], $0x0  }
0x24: {  	s3 =	sadd.s32 $0x88, s3;
	s6 =	simm.s32 @!p1 $0x1082;
	[sflag:s4] =	ssyncset.s32 $0xFFFFF086  }
0x25: {  	[simem:s6], [sflag:s4] =	dma.local [hbm:s3], $0xF7A  }
0x26: {  	[smem:$0x3F9A] =	sst s1;
	(tag) =	ssettag s2;
	_ =	strace s9  }
0x27: {  	s1 =	sld [smem:$0x3FAA]  }
0x28: {  	s2 =	sld [smem:$0x3FAB]  }
0x29: {  	s4 =	sld [smem:$0x3FAD]  }
0x2a: {  	p0 =	seq.s32 s5, $0x0;
	s5 =	sld [smem:$0x3FAE]  }
0x2b: {  	s6 =	sld [smem:$0x3FAF]  }
0x2c: {  	s7 =	sld [smem:$0x3FB0]  }
0x2d: {  	s3 =	simm.s32 $0x108;
	s8 =	sld [smem:$0x3FB1]  }
0x2e: {  	s3 =	simm.s32 @!p0 $0x1082;
	s9 =	sld [smem:$0x3FB2]  }
0x2f: {  	lr =	sadd.s32 s0, s3;
	s0 =	sld [smem:$0x3FA9]  }
0x30: {  	s3 =	sld [smem:$0x3FAC]  }
0x31: {  	[smem:$0x3FB5] =	sst s10  }
0x32: {  	s10 =	sld [smem:$0x3FB3];
	_ =	sdelay $0x3  }
0x33: {  	p0 =	seq.s32 s10, $0x1;
	s10 =	sld [smem:$0x3FB5];
	_ =	sdelay $0x3  }
0x34: {  	[smem:$0x3FB5] =	sst s10  }
0x35: {  	s10 =	sld [smem:$0x3FB4];
	_ =	sdelay $0x3  }
0x36: {  	p1 =	seq.s32 s10, $0x1;
	s10 =	sld [smem:$0x3FB5];
	_ =	sdelay $0x3  }
0x37: {  	[smem:$0x3FB5] =	sst s10  }
0x38: {  	s10 =	sld [smem:$0x3FB6]  }
0x39: {  	_ = 	snop;
	(pc) =	sbr.ind lr, $3  }
0x3a: {  	_ = 	snop  }
0x3b: {  	_ = 	snop  }
0x3c: {  	p2 =	seq.s32 s10, $0x1;
	s10 =	sld [smem:$0x3FB5]  }
0x3d: {  	_ =	shalt  }
0x3e: {  	_ =	shalt  }
0x3f: {  	_ =	shalt  }
0x40: {  	_ =	shalt  }
0x41: {  	_ =	shalt  }
0x42: {  	_ =	shalt  }
0x43: {  	_ =	shalt  }
0x44: {  	_ =	shalt  }
0x45: {  	_ =	shalt  }
0x46: {  	_ =	shalt  }
0x47: {  	_ =	shalt  }
0x48: {  	_ =	shalt  }
0x49: {  	_ =	shalt  }
0x4a: {  	_ =	shalt  }
0x4b: {  	_ =	shalt  }
0x4c: {  	_ =	shalt  }
0x4d: {  	_ =	shalt  }
0x4e: {  	_ =	shalt  }
0x4f: {  	_ =	shalt  }
0x50: {  	_ =	shalt  }
0x51: {  	_ =	shalt  }
0x52: {  	_ =	shalt  }
0x53: {  	_ =	shalt  }
0x54: {  	_ =	shalt  }
0x55: {  	_ =	shalt  }
0x56: {  	_ =	shalt  }
0x57: {  	_ =	shalt  }
0x58: {  	_ =	shalt  }
0x59: {  	_ =	shalt  }
0x5a: {  	_ =	shalt  }
0x5b: {  	_ =	shalt  }
0x5c: {  	_ =	shalt  }
0x5d: {  	_ =	shalt  }
0x5e: {  	_ =	shalt  }
0x5f: {  	_ =	shalt  }
0x60: {  	_ =	shalt  }
0x61: {  	_ =	shalt  }
0x62: {  	_ =	shalt  }
0x63: {  	_ =	shalt  }
0x64: {  	_ =	shalt  }
0x65: {  	_ =	shalt  }
0x66: {  	_ =	shalt  }
0x67: {  	_ =	shalt  }
0x68: {  	_ =	shalt  }
0x69: {  	_ =	shalt  }
0x6a: {  	_ =	shalt  }
0x6b: {  	_ =	shalt  }
0x6c: {  	_ =	shalt  }
0x6d: {  	_ =	shalt  }
0x6e: {  	_ =	shalt  }
0x6f: {  	_ =	shalt  }
0x70: {  	_ =	shalt  }
0x71: {  	_ =	shalt  }
0x72: {  	_ =	shalt  }
0x73: {  	_ =	shalt  }
0x74: {  	_ =	shalt  }
0x75: {  	_ =	shalt  }
0x76: {  	_ =	shalt  }
0x77: {  	_ =	shalt  }
0x78: {  	_ =	shalt  }
0x79: {  	_ =	shalt  }
0x7a: {  	_ =	shalt  }
0x7b: {  	_ =	shalt  }
0x7c: {  	_ =	shalt  }
0x7d: {  	_ =	shalt  }
0x7e: {  	_ =	shalt  }
0x7f: {  	_ =	shalt  }
0x80: {  	_ =	shalt  }
0x81: {  	_ =	shalt  }
0x82: {  	_ =	shalt  }
0x83: {  	_ =	shalt  }
0x84: {  	_ =	shalt  }
0x85: {  	_ =	shalt  }
0x86: {  	_ =	shalt  }
0x87: {  	_ =	shalt  }
.Lfunc_end0:
.L_simem_size_0:
called_computation_lowered:
.L_overlay_start_0:
0x88: {  	s0 =	sld [smem:$0x3FD9]  }
0x89: {  	s1 =	sld [smem:$0x3FFE];
	_ =	sdelay $0x3  }
0x8a: {  	s0 =	sadd.s32 s1, s0  }
0x8b: {  	[smem:$0x3FC1] =	sst s0  }
0x8c: {  	_ = 	snop  }
0x8d: {  	s0 =	sld [smem:$0x3FD0];
	(tm) =	ssettm $0x1  }
0x8e: {  	s16 =	sld [smem:$0x3FFB];
	_ =	sdelay $0x3  }
0x8f: {  	_ =	strace s16  }
0x90: {  	s1 =	sld [smem:$0x3FFC];
	_ =	sdelay $0x3  }
0x91: {  	_ =	strace s1  }
0x92: {  	s1 =	sld [smem:$0x3FFD];
	_ =	sdelay $0x3  }
0x93: {  	_ =	strace s1  }
0x94: {  	_ =	strace $0x8FFFFFFF  }
0x95: {  	s17 =	sld [smem:$0x3FDB];
	_ =	sdelay $0x1  }
0x96: {  	s2 =	simm.s32 $_scs_section_size  }
0x97: {  	s3 =	simm.s32 $_size__tile_overlayer_lowered;
	s4 =	simm.s32 $_tile_overlayer_lowered  }
0x98: {  	s20 =	simm.s32 $0x1BFF;
	s19 =	sshll.u32 s4, $0x1;
	s1 =	sadd.s32 s2, s17  }
0x99: {  	s5 =	simm.s32 $0x0;
	s18 =	sshll.u32 s3, $0x1;
	s3 =	sadd.s32 s19, s1  }
0x9a: {  	[timem:s5], [sflag:s20] =	dma.local [hbm:s3], s18  }
0x9b: {  	_ =	swait.ge [sflag:s20], s18  }
0x9c: {  	s2 =	ssub.s32 $0x0, s18;
	[sflag:s20] =	ssyncset.done $0x0  }
0x9d: {  	[sflag:s20] =	ssyncadd.s32 s2;
	_ =	sdelay $0x1  }
0x9e: {  	s21 =	simm.s32 $0x1B8B  }
0x9f: {  	_ =	swait.ge [sflag:s21], $0x1  }
0xa0: {  	[sflag:s21] =	ssyncset.done $0x0  }
0xa1: {  	s23 =	simm.s32 $0x1B8E;
	s22 =	sld [smem:$0x3FFE];
	[sflag:s21] =	ssyncadd.s32 $0xFFFFFFFF  }
0xa2: {  	s24 =	simm.s32 $execute0_lowered;
	[smem:$0x3FD2] =	sst s23  }
0xa3: {  	s3 =	sshll.u32 s24, $0x1;
	_ =	strace $0x80000046;
	[dreg:$0x1] =	wrdreg $0xFFFFFFFF  }
0xa4: {  	s25 =	simm.s32 $_size_execute0_lowered;
	s1 =	sadd.s32 s1, s3;
	[dreg:$0x0] =	wrdreg $0x0  }
0xa5: {  	s3 =	sshll.u32 s25, $0x1;
	[dreg:$0x2] =	wrdreg s1  }
0xa6: {  	[dreg:$0x3] =	wrdreg s3  }
0xa7: {  	[dreg:$0x4] =	wrdreg $0xC0  }
0xa8: {  	_ =	task [dreg:s5], $0x5FFFF  }
0xa9: {  	[dreg:$0x1] =	wrdreg $0xFFFFFFFF  }
0xaa: {  	[dreg:$0x0] =	wrdreg $0x60  }
0xab: {  	[dreg:$0x2] =	wrdreg s22  }
0xac: {  	[dreg:$0x3] =	wrdreg s0  }
0xad: {  	[dreg:$0x4] =	wrdreg $0x37000  }
0xae: {  	[dreg:$0x5] =	wrdreg $0x9  }
0xaf: {  	_ =	task.clear_ibuf [dreg:s5], $0x6FFFF;
	_ =	strace $0x90000046  }
0xb0: {  	s26 =	simm.s32 $0x9;
	_ =	strace $0x80000048  }
0xb1: {  	_ =	swait.ge [sflag:s26], $0x1  }
0xb2: {  	[sflag:s26] =	ssyncadd.s32 $0xFFFFFFFF  }
0xb3: {  	_ =	strace $0x90000048  }
0xb4: {  	_ =	sfence  }
0xb5: {  	s28 =	sld [smem:$0x0];
	_ =	sdelay $0x1  }
0xb6: {  	s29 =	srdreg.scid  }
0xb7: {  	s30 =	sshll.u32 s29, $0xD;
	s31 =	sshrl.u32 s29, $0x2  }
0xb8: {  	s2 =	sand.u32 $0x4000, s30;
	s1 =	sand.u32 $0x1, s29;
	s0 =	sadd.s32 s31, s28  }
0xb9: {  	s1 =	sor.u32 s2, s1;
	s0 =	sshll.u32 s0, $0x11  }
0xba: {  	s0 =	sor.u32 s0, s1  }
0xbb: {  	s0 =	sadd.s32 $0x8F2B, s0  }
0xbc: {  	[sflag:s0] =	ssyncadd.remote.s32 $0x1  }
0xbd: {  	_ =	sfence.sel $0xFFFF  }
0xbe: {  	[dreg:$0x0] =	wrdreg $0xFFFFFFFF;
	(pc) =	sbr.abs _section_cstart, $3  }
0xbf: {  	[dreg:$0x1] =	wrdreg $0xFFFFFFFF  }
0xc0: {  	_ =	task.clear_ibuf [dreg:s5], $0x2FFFF;
	_ =	strace $0x9FFFFFFF  }
0xc1: {  	(tm) =	ssettm $0x7FFFFFFF  }
tec
execute0_lowered:
.L_overlay_start_1:
0x0: {  	(tag) =	ssettag $0x1  }
0x1: {  	s2 =	rddreg [dreg:$0x0]  }
0x2: {  	s1 =	rddreg [dreg:$0x1];
	s4 =	stileid.u32  }
0x3: {  	s3 =	rddreg [dreg:$0x2];
	s5 =	smul.u32 $0x340, s4  }
0x4: {  	s0 =	rddreg [dreg:$0x3];
	s6 =	simm.s32 $0x0  }
0x5: {  	[smem:$0x7FF] =	sst s6;
	s2 =	sadd.s32 s5, s2  }
0x6: {  	s30 =	simm.s32 $0x1;
	_ =	strace $0x80000047;
	s5 =	sadd.s32 $0x4000, s2  }
0x7: {  	[tilespmem:s6], [sflag:$0x1] =	stream.linear.gather [hbm4b:s5+s6], $0x1A00, $0x38;
	[tilespmem:$0x5C10] =	vst v63  }
0x8: {  	_ =	swait.ge [sflag:s30], $0x1A00  }
0x9: {  	[sflag:s30] =	ssyncset.done $0x0  }
0xa: {  	s7 =	simm.s32 $0x1A00;
	s2 =	sadd.s32 $0xC00, s2;
	[sflag:s30] =	ssyncadd.s32 $0xFFFFE600  }
0xb: {  	[tilespmem:s7], [sflag:$0x1] =	stream.linear.gather [hbm4b:s2+s6], $0x1A00, $0x38;
	[tilespmem:$0x5C10] =	vst v63  }
0xc: {  	_ =	swait.ge [sflag:s30], $0x1A00  }
0xd: {  	[sflag:s30] =	ssyncset.done $0x0  }
0xe: {  	v0 =	vimm.f32 $0.0e+00;
	[sflag:s30] =	ssyncadd.s32 $0xFFFFE600  }
0xf: {  	[tilespmem:$0x3480] =	vst v0  }
0x10: {  	[tilespmem:$0x3490] =	vst v0  }
0x11: {  	[tilespmem:$0x34A0] =	vst v0  }
0x12: {  	[tilespmem:$0x34B0] =	vst v0  }
0x13: {  	[tilespmem:$0x34C0] =	vst v0  }
0x14: {  	[tilespmem:$0x34D0] =	vst v0  }
0x15: {  	[tilespmem:$0x34E0] =	vst v0  }
0x16: {  	[tilespmem:$0x34F0] =	vst v0  }
0x17: {  	[tilespmem:$0x3500] =	vst v0  }
0x18: {  	[tilespmem:$0x3510] =	vst v0  }
0x19: {  	[tilespmem:$0x3520] =	vst v0  }
0x1a: {  	[tilespmem:$0x3530] =	vst v0  }
0x1b: {  	[tilespmem:$0x3540] =	vst v0  }
0x1c: {  	[tilespmem:$0x3550] =	vst v0  }
0x1d: {  	[tilespmem:$0x3560] =	vst v0  }
0x1e: {  	[tilespmem:$0x3570] =	vst v0  }
0x1f: {  	[tilespmem:$0x3580] =	vst v0  }
0x20: {  	[tilespmem:$0x3590] =	vst v0  }
0x21: {  	[tilespmem:$0x35A0] =	vst v0  }
0x22: {  	[tilespmem:$0x35B0] =	vst v0  }
0x23: {  	[tilespmem:$0x35C0] =	vst v0  }
0x24: {  	[tilespmem:$0x35D0] =	vst v0  }
0x25: {  	[tilespmem:$0x35E0] =	vst v0  }
0x26: {  	[tilespmem:$0x35F0] =	vst v0  }
0x27: {  	[tilespmem:$0x3600] =	vst v0  }
0x28: {  	[tilespmem:$0x3610] =	vst v0  }
0x29: {  	[tilespmem:$0x3620] =	vst v0  }
0x2a: {  	[tilespmem:$0x3630] =	vst v0  }
0x2b: {  	[tilespmem:$0x3640] =	vst v0  }
0x2c: {  	[tilespmem:$0x3650] =	vst v0  }
0x2d: {  	[tilespmem:$0x3660] =	vst v0  }
0x2e: {  	[tilespmem:$0x3670] =	vst v0  }
0x2f: {  	s31 =	simm.s32 $0x0;
	[tilespmem:$0x3680] =	vst v0  }
0x30: {  	v0 =	vld [tilespmem:s31+$0x0];
	_ =	sdelay $0x3  }
0x31: {  	v1 =	vld [tilespmem:s31+$0x1A01]  }
0x32: {  	v2 =	vld [tilespmem:s31+$0x1A00];
	(xrf2) =	vadd.scan.msk.f32 $0xffff, v0;
	_ =	sdelay $0x4  }
0x33: {  	vm0 =	vcmask $0x3F3C;
	vm2 =	vne.s32 v2, v1  }
0x34: {  	vm1 =	vmmov $0x7fff;
	vm3 =	vmor vm2, vm0  }
0x35: {  	vm2 =	vmand vm2, vm1;
	_ =	sdelay $0x2  }
0x36: {  	v0, _, _ =	vpop (xrf2)  }
0x37: {  	s2 =	simm.s32 $0x3480;
	v3 =	vsub.f32 $0.0e+00, v0  }
0x38: {  	[tilespmem:v2+s2+$0x0] =	vst.idx.add.f32.msk vm3, v0  }
0x39: {  	[tilespmem:v1+s2+$0x0] =	vst.idx.add.f32.msk vm2, v3  }
0x3a: {  	v0 =	vld [tilespmem:s31+$0x10];
	_ =	sdelay $0x3  }
0x3b: {  	v1 =	vld [tilespmem:s31+$0x1A11]  }
0x3c: {  	v2 =	vld [tilespmem:s31+$0x1A10];
	(xrf2) =	vadd.scan.msk.f32 $0xffff, v0;
	_ =	sdelay $0x4  }
0x3d: {  	vm2 =	vne.s32 v2, v1  }
0x3e: {  	vm3 =	vmor vm2, vm0  }
0x3f: {  	vm2 =	vmand vm2, vm1;
	_ =	sdelay $0x2  }
0x40: {  	v0, _, _ =	vpop (xrf2)  }
0x41: {  	v3 =	vsub.f32 $0.0e+00, v0  }
0x42: {  	[tilespmem:v2+s2+$0x0] =	vst.idx.add.f32.msk vm3, v0  }
0x43: {  	[tilespmem:v1+s2+$0x0] =	vst.idx.add.f32.msk vm2, v3  }
0x44: {  	v0 =	vld [tilespmem:s31+$0x20];
	_ =	sdelay $0x3  }
0x45: {  	v1 =	vld [tilespmem:s31+$0x1A21]  }
0x46: {  	v2 =	vld [tilespmem:s31+$0x1A20];
	(xrf2) =	vadd.scan.msk.f32 $0xffff, v0;
	_ =	sdelay $0x4  }
0x47: {  	vm2 =	vne.s32 v2, v1  }
0x48: {  	vm3 =	vmor vm2, vm0  }
0x49: {  	vm2 =	vmand vm2, vm1;
	_ =	sdelay $0x2  }
0x4a: {  	v0, _, _ =	vpop (xrf2)  }
0x4b: {  	v3 =	vsub.f32 $0.0e+00, v0  }
0x4c: {  	[tilespmem:v2+s2+$0x0] =	vst.idx.add.f32.msk vm3, v0  }
0x4d: {  	[tilespmem:v1+s2+$0x0] =	vst.idx.add.f32.msk vm2, v3  }
0x4e: {  	v0 =	vld [tilespmem:s31+$0x30];
	_ =	sdelay $0x3  }
0x4f: {  	v1 =	vld [tilespmem:s31+$0x1A31]  }
0x50: {  	v2 =	vld [tilespmem:s31+$0x1A30];
	(xrf2) =	vadd.scan.msk.f32 $0xffff, v0;
	_ =	sdelay $0x4  }
0x51: {  	vm2 =	vne.s32 v2, v1  }
0x52: {  	vm3 =	vmor vm2, vm0  }
0x53: {  	vm2 =	vmand vm2, vm1;
	_ =	sdelay $0x2  }
0x54: {  	v0, _, _ =	vpop (xrf2)  }
0x55: {  	v3 =	vsub.f32 $0.0e+00, v0  }
0x56: {  	[tilespmem:v2+s2+$0x0] =	vst.idx.add.f32.msk vm3, v0  }
0x57: {  	[tilespmem:v1+s2+$0x0] =	vst.idx.add.f32.msk vm2, v3  }
0x58: {  	v0 =	vld [tilespmem:s31+$0x40];
	_ =	sdelay $0x3  }
0x59: {  	v1 =	vld [tilespmem:s31+$0x1A41]  }
0x5a: {  	v2 =	vld [tilespmem:s31+$0x1A40];
	(xrf2) =	vadd.scan.msk.f32 $0xffff, v0;
	_ =	sdelay $0x4  }
0x5b: {  	vm2 =	vne.s32 v2, v1  }
0x5c: {  	vm3 =	vmor vm2, vm0  }
0x5d: {  	vm2 =	vmand vm2, vm1;
	_ =	sdelay $0x2  }
0x5e: {  	v0, _, _ =	vpop (xrf2)  }
0x5f: {  	v3 =	vsub.f32 $0.0e+00, v0  }
0x60: {  	[tilespmem:v2+s2+$0x0] =	vst.idx.add.f32.msk vm3, v0  }
0x61: {  	[tilespmem:v1+s2+$0x0] =	vst.idx.add.f32.msk vm2, v3  }
0x62: {  	v0 =	vld [tilespmem:s31+$0x50];
	_ =	sdelay $0x3  }
0x63: {  	v1 =	vld [tilespmem:s31+$0x1A50]  }
0x64: {  	v2 =	vld [tilespmem:s31+$0x1A51];
	(xrf2) =	vadd.scan.msk.f32 $0xffff, v0;
	_ =	sdelay $0x4  }
0x65: {  	vm2 =	vne.s32 v1, v2  }
0x66: {  	vm3 =	vmor vm2, vm0  }
0x67: {  	vm2 =	vmand vm2, vm1;
	_ =	sdelay $0x2  }
0x68: {  	v0, _, _ =	vpop (xrf2)  }
0x69: {  	v3 =	vsub.f32 $0.0e+00, v0  }
0x6a: {  	[tilespmem:v1+s2+$0x0] =	vst.idx.add.f32.msk vm3, v0  }
0x6b: {  	[tilespmem:v2+s2+$0x0] =	vst.idx.add.f32.msk vm2, v3  }
0x6c: {  	v0 =	vld [tilespmem:s31+$0x60];
	_ =	sdelay $0x3  }
0x6d: {  	v1 =	vld [tilespmem:s31+$0x1A60]  }
0x6e: {  	v2 =	vld [tilespmem:s31+$0x1A61];
	(xrf2) =	vadd.scan.msk.f32 $0xffff, v0;
	_ =	sdelay $0x4  }
0x6f: {  	vm2 =	vne.s32 v1, v2  }
0x70: {  	vm3 =	vmor vm2, vm0  }
0x71: {  	vm2 =	vmand vm2, vm1;
	_ =	sdelay $0x2  }
0x72: {  	v0, _, _ =	vpop (xrf2)  }
0x73: {  	v3 =	vsub.f32 $0.0e+00, v0  }
0x74: {  	[tilespmem:v1+s2+$0x0] =	vst.idx.add.f32.msk vm3, v0  }
0x75: {  	[tilespmem:v2+s2+$0x0] =	vst.idx.add.f32.msk vm2, v3  }
0x76: {  	v1 =	vld [tilespmem:s31+$0x70];
	_ =	sdelay $0x2  }
0x77: {  	v2 =	vld [tilespmem:s31+$0x1A70]  }
0x78: {  	v0 =	vld [tilespmem:s31+$0x1A71]  }
0x79: {  	(xrf2) =	vadd.scan.msk.f32 $0xffff, v1;
	_ =	sdelay $0x3  }
0x7a: {  	vm2 =	vne.s32 v2, v0  }
0x7b: {  	vm3 =	vmor vm2, vm0;
	_ =	sdelay $0x1  }
0x7c: {  	vm2 =	vmand vm2, vm1;
	_ =	sdelay $0x2  }
0x7d: {  	v1, _, _ =	vpop (xrf2)  }
0x7e: {  	s5 =	simm.s32 $0x200;
	s6 =	simm.s32 $0x400;
	[tilespmem:v2+s2+$0x0] =	vst.idx.add.f32.msk vm3, v1;
	v1 =	vsub.f32 $0.0e+00, v1  }
.LBB2_1:
0x7f: {  	p0 =	sne.s32 s6, $0x6600  }
0x80: {  	s7 =	sshra.s32 s5, $0x2;
	s5 =	smov.u32 s6;
	s6 =	sadd.s32 $0x200, s6;
	[tilespmem:v0+s2+$0x0] =	vst.idx.add.f32.msk vm2, v1  }
0x81: {  	v0 =	vld [tilespmem:s7+$0x0];
	_ =	sdelay $0x3  }
0x82: {  	v1 =	vld [tilespmem:s7+$0x1A01]  }
0x83: {  	v2 =	vld [tilespmem:s7+$0x1A00];
	(xrf2) =	vadd.scan.msk.f32 $0xffff, v0;
	_ =	sdelay $0x4  }
0x84: {  	vm2 =	vne.s32 v2, v1  }
0x85: {  	vm3 =	vmor vm2, vm0  }
0x86: {  	vm2 =	vmand vm2, vm1;
	_ =	sdelay $0x2  }
0x87: {  	v0, _, _ =	vpop (xrf2)  }
0x88: {  	v3 =	vsub.f32 $0.0e+00, v0  }
0x89: {  	[tilespmem:v2+s2+$0x0] =	vst.idx.add.f32.msk vm3, v0  }
0x8a: {  	[tilespmem:v1+s2+$0x0] =	vst.idx.add.f32.msk vm2, v3  }
0x8b: {  	v0 =	vld [tilespmem:s7+$0x10];
	_ =	sdelay $0x3  }
0x8c: {  	v1 =	vld [tilespmem:s7+$0x1A11]  }
0x8d: {  	v2 =	vld [tilespmem:s7+$0x1A10];
	(xrf2) =	vadd.scan.msk.f32 $0xffff, v0;
	_ =	sdelay $0x4  }
0x8e: {  	vm2 =	vne.s32 v2, v1  }
0x8f: {  	vm3 =	vmor vm2, vm0  }
0x90: {  	vm2 =	vmand vm2, vm1;
	_ =	sdelay $0x2  }
0x91: {  	v0, _, _ =	vpop (xrf2)  }
0x92: {  	v3 =	vsub.f32 $0.0e+00, v0  }
0x93: {  	[tilespmem:v2+s2+$0x0] =	vst.idx.add.f32.msk vm3, v0  }
0x94: {  	[tilespmem:v1+s2+$0x0] =	vst.idx.add.f32.msk vm2, v3  }
0x95: {  	v0 =	vld [tilespmem:s7+$0x20];
	_ =	sdelay $0x3  }
0x96: {  	v1 =	vld [tilespmem:s7+$0x1A21]  }
0x97: {  	v2 =	vld [tilespmem:s7+$0x1A20];
	(xrf2) =	vadd.scan.msk.f32 $0xffff, v0;
	_ =	sdelay $0x4  }
0x98: {  	vm2 =	vne.s32 v2, v1  }
0x99: {  	vm3 =	vmor vm2, vm0  }
0x9a: {  	vm2 =	vmand vm2, vm1;
	_ =	sdelay $0x2  }
0x9b: {  	v0, _, _ =	vpop (xrf2)  }
0x9c: {  	v3 =	vsub.f32 $0.0e+00, v0  }
0x9d: {  	[tilespmem:v2+s2+$0x0] =	vst.idx.add.f32.msk vm3, v0  }
0x9e: {  	[tilespmem:v1+s2+$0x0] =	vst.idx.add.f32.msk vm2, v3  }
0x9f: {  	v0 =	vld [tilespmem:s7+$0x30]  }
0xa0: {  	v1 =	vld [tilespmem:s7+$0x1A31]  }
0xa1: {  	v2 =	vld [tilespmem:s7+$0x1A30];
	_ =	sdelay $0x2  }
0xa2: {  	(xrf2) =	vadd.scan.msk.f32 $0xffff, v0;
	_ =	sdelay $0x1  }
0xa3: {  	vm2 =	vne.s32 v2, v1;
	_ =	sdelay $0x2  }
0xa4: {  	vm3 =	vmor vm2, vm0;
	_ =	sdelay $0x1  }
0xa5: {  	vm2 =	vmand vm2, vm1;
	_ =	sdelay $0x2  }
0xa6: {  	v0, _, _ =	vpop (xrf2)  }
0xa7: {  	[tilespmem:v2+s2+$0x0] =	vst.idx.add.f32.msk vm3, v0;
	v0 =	vsub.f32 $0.0e+00, v0;
	_ =	sdelay $0x1  }
0xa8: {  	[tilespmem:v1+s2+$0x0] =	vst.idx.add.f32.msk vm2, v0  }
0xa9: {  	v0 =	vld [tilespmem:s7+$0x40];
	_ =	sdelay $0x2  }
0xaa: {  	v1 =	vld [tilespmem:s7+$0x1A41]  }
0xab: {  	v2 =	vld [tilespmem:s7+$0x1A40]  }
0xac: {  	(xrf2) =	vadd.scan.msk.f32 $0xffff, v0;
	_ =	sdelay $0x3  }
0xad: {  	vm2 =	vne.s32 v2, v1  }
0xae: {  	vm3 =	vmor vm2, vm0;
	_ =	sdelay $0x1  }
0xaf: {  	vm2 =	vmand vm2, vm1;
	_ =	sdelay $0x2  }
0xb0: {  	v0, _, _ =	vpop (xrf2)  }
0xb1: {  	[tilespmem:v2+s2+$0x0] =	vst.idx.add.f32.msk vm3, v0;
	v0 =	vsub.f32 $0.0e+00, v0;
	_ =	sdelay $0x1  }
0xb2: {  	[tilespmem:v1+s2+$0x0] =	vst.idx.add.f32.msk vm2, v0  }
0xb3: {  	v0 =	vld [tilespmem:s7+$0x50]  }
0xb4: {  	v1 =	vld [tilespmem:s7+$0x1A50]  }
0xb5: {  	v2 =	vld [tilespmem:s7+$0x1A51];
	_ =	sdelay $0x2  }
0xb6: {  	(xrf2) =	vadd.scan.msk.f32 $0xffff, v0;
	_ =	sdelay $0x1  }
0xb7: {  	vm2 =	vne.s32 v1, v2;
	_ =	sdelay $0x2  }
0xb8: {  	vm3 =	vmor vm2, vm0;
	_ =	sdelay $0x1  }
0xb9: {  	vm2 =	vmand vm2, vm1;
	_ =	sdelay $0x2  }
0xba: {  	v0, _, _ =	vpop (xrf2)  }
0xbb: {  	[tilespmem:v1+s2+$0x0] =	vst.idx.add.f32.msk vm3, v0;
	v0 =	vsub.f32 $0.0e+00, v0;
	_ =	sdelay $0x1  }
0xbc: {  	[tilespmem:v2+s2+$0x0] =	vst.idx.add.f32.msk vm2, v0  }
0xbd: {  	v0 =	vld [tilespmem:s7+$0x60]  }
0xbe: {  	v1 =	vld [tilespmem:s7+$0x1A60]  }
0xbf: {  	v2 =	vld [tilespmem:s7+$0x1A61];
	_ =	sdelay $0x2  }
0xc0: {  	(xrf2) =	vadd.scan.msk.f32 $0xffff, v0;
	_ =	sdelay $0x1  }
0xc1: {  	vm2 =	vne.s32 v1, v2;
	_ =	sdelay $0x2  }
0xc2: {  	vm3 =	vmor vm2, vm0;
	_ =	sdelay $0x1  }
0xc3: {  	vm2 =	vmand vm2, vm1;
	_ =	sdelay $0x2  }
0xc4: {  	v0, _, _ =	vpop (xrf2)  }
0xc5: {  	[tilespmem:v1+s2+$0x0] =	vst.idx.add.f32.msk vm3, v0;
	v0 =	vsub.f32 $0.0e+00, v0;
	_ =	sdelay $0x1  }
0xc6: {  	[tilespmem:v2+s2+$0x0] =	vst.idx.add.f32.msk vm2, v0  }
0xc7: {  	v1 =	vld [tilespmem:s7+$0x70]  }
0xc8: {  	v2 =	vld [tilespmem:s7+$0x1A70]  }
0xc9: {  	v0 =	vld [tilespmem:s7+$0x1A71];
	_ =	sdelay $0x2  }
0xca: {  	(xrf2) =	vadd.scan.msk.f32 $0xffff, v1;
	_ =	sdelay $0x1  }
0xcb: {  	vm2 =	vne.s32 v2, v0;
	_ =	sdelay $0x2  }
0xcc: {  	vm3 =	vmor vm2, vm0;
	_ =	sdelay $0x1  }
.Ltmp0:
0xcd: {  	vm2 =	vmand vm2, vm1;
	(pc) =	sbr.rel @p0 .LBB2_1-.Ltmp0, $3  }
0xce: {  	_ =	sdelay $0x1  }
0xcf: {  	v1, _, _ =	vpop (xrf2)  }
0xd0: {  	[tilespmem:v2+s2+$0x0] =	vst.idx.add.f32.msk vm3, v1;
	v1 =	vsub.f32 $0.0e+00, v1  }
0xd1: {  	_ =	sdelay $0x4  }
0xd2: {  	s5 =	sshra.s32 s5, $0x2;
	[tilespmem:v0+s2+$0x0] =	vst.idx.add.f32.msk vm2, v1  }
0xd3: {  	v0 =	vld [tilespmem:s5+$0x0];
	_ =	sdelay $0x3  }
0xd4: {  	v1 =	vld [tilespmem:s5+$0x1A01]  }
0xd5: {  	v2 =	vld [tilespmem:s5+$0x1A00];
	(xrf2) =	vadd.scan.msk.f32 $0xffff, v0;
	_ =	sdelay $0x4  }
0xd6: {  	vm10 =	vne.s32 v2, v1  }
0xd7: {  	vm3 =	vmor vm10, vm0  }
0xd8: {  	vm2 =	vmand vm10, vm1;
	_ =	sdelay $0x2  }
0xd9: {  	v0, _, _ =	vpop (xrf2)  }
0xda: {  	v3 =	vsub.f32 $0.0e+00, v0  }
0xdb: {  	[tilespmem:v2+s2+$0x0] =	vst.idx.add.f32.msk vm3, v0  }
0xdc: {  	[tilespmem:v1+s2+$0x0] =	vst.idx.add.f32.msk vm2, v3  }
0xdd: {  	v0 =	vld [tilespmem:s5+$0x10];
	_ =	sdelay $0x3  }
0xde: {  	v1 =	vld [tilespmem:s5+$0x1A11]  }
0xdf: {  	v2 =	vld [tilespmem:s5+$0x1A10];
	(xrf2) =	vadd.scan.msk.f32 $0xffff, v0;
	_ =	sdelay $0x4  }
0xe0: {  	vm11 =	vne.s32 v2, v1  }
0xe1: {  	vm12 =	vmor vm11, vm0  }
0xe2: {  	vm2 =	vmand vm11, vm1;
	_ =	sdelay $0x2  }
0xe3: {  	v0, _, _ =	vpop (xrf2)  }
0xe4: {  	v57 =	vsub.f32 $0.0e+00, v0  }
0xe5: {  	[tilespmem:v2+s2+$0x0] =	vst.idx.add.f32.msk vm12, v0  }
0xe6: {  	[tilespmem:v1+s2+$0x0] =	vst.idx.add.f32.msk vm2, v57  }
0xe7: {  	v0 =	vld [tilespmem:s5+$0x20];
	_ =	sdelay $0x3  }
0xe8: {  	v1 =	vld [tilespmem:s5+$0x1A21]  }
0xe9: {  	v2 =	vld [tilespmem:s5+$0x1A20];
	(xrf2) =	vadd.scan.msk.f32 $0xffff, v0;
	_ =	sdelay $0x4  }
0xea: {  	vm13 =	vne.s32 v2, v1  }
0xeb: {  	vm14 =	vmor vm13, vm0  }
0xec: {  	vm2 =	vmand vm13, vm1;
	_ =	sdelay $0x2  }
0xed: {  	v0, _, _ =	vpop (xrf2)  }
0xee: {  	v58 =	vsub.f32 $0.0e+00, v0  }
0xef: {  	[tilespmem:v2+s2+$0x0] =	vst.idx.add.f32.msk vm14, v0  }
0xf0: {  	[tilespmem:v1+s2+$0x0] =	vst.idx.add.f32.msk vm2, v58  }
0xf1: {  	v0 =	vld [tilespmem:s5+$0x30];
	_ =	sdelay $0x3  }
0xf2: {  	v1 =	vld [tilespmem:s5+$0x1A31]  }
0xf3: {  	v2 =	vld [tilespmem:s5+$0x1A30];
	(xrf2) =	vadd.scan.msk.f32 $0xffff, v0;
	_ =	sdelay $0x4  }
0xf4: {  	vm15 =	vne.s32 v2, v1  }
0xf5: {  	vm6 =	vmor vm15, vm0  }
0xf6: {  	vm2 =	vmand vm15, vm1;
	_ =	sdelay $0x2  }
0xf7: {  	v0, _, _ =	vpop (xrf2)  }
0xf8: {  	v59 =	vsub.f32 $0.0e+00, v0  }
0xf9: {  	[tilespmem:v2+s2+$0x0] =	vst.idx.add.f32.msk vm6, v0  }
0xfa: {  	[tilespmem:v1+s2+$0x0] =	vst.idx.add.f32.msk vm2, v59  }
0xfb: {  	v0 =	vld [tilespmem:s5+$0x40];
	_ =	sdelay $0x3  }
0xfc: {  	v1 =	vld [tilespmem:s5+$0x1A41]  }
0xfd: {  	v2 =	vld [tilespmem:s5+$0x1A40];
	(xrf2) =	vadd.scan.msk.f32 $0xffff, v0;
	_ =	sdelay $0x4  }
0xfe: {  	vm7 =	vne.s32 v2, v1  }
0xff: {  	vm8 =	vmor vm7, vm0  }
0x100: {  	vm2 =	vmand vm7, vm1;
	_ =	sdelay $0x2  }
0x101: {  	v0, _, _ =	vpop (xrf2)  }
0x102: {  	v60 =	vsub.f32 $0.0e+00, v0  }
0x103: {  	[tilespmem:v2+s2+$0x0] =	vst.idx.add.f32.msk vm8, v0  }
0x104: {  	[tilespmem:v1+s2+$0x0] =	vst.idx.add.f32.msk vm2, v60  }
0x105: {  	v0 =	vld [tilespmem:s5+$0x50];
	_ =	sdelay $0x3  }
0x106: {  	v1 =	vld [tilespmem:s5+$0x1A50]  }
0x107: {  	v2 =	vld [tilespmem:s5+$0x1A51];
	(xrf2) =	vadd.scan.msk.f32 $0xffff, v0;
	_ =	sdelay $0x4  }
0x108: {  	vm9 =	vne.s32 v1, v2  }
0x109: {  	vm10 =	vmor vm9, vm0  }
0x10a: {  	vm2 =	vmand vm9, vm1;
	_ =	sdelay $0x2  }
0x10b: {  	v0, _, _ =	vpop (xrf2)  }
0x10c: {  	v61 =	vsub.f32 $0.0e+00, v0  }
0x10d: {  	[tilespmem:v1+s2+$0x0] =	vst.idx.add.f32.msk vm10, v0  }
0x10e: {  	[tilespmem:v2+s2+$0x0] =	vst.idx.add.f32.msk vm2, v61  }
0x10f: {  	v0 =	vld [tilespmem:s5+$0x60];
	_ =	sdelay $0x3  }
0x110: {  	v1 =	vld [tilespmem:s5+$0x1A60]  }
0x111: {  	v2 =	vld [tilespmem:s5+$0x1A61];
	(xrf2) =	vadd.scan.msk.f32 $0xffff, v0;
	_ =	sdelay $0x4  }
0x112: {  	vm11 =	vne.s32 v1, v2  }
0x113: {  	vm12 =	vmor vm11, vm0  }
0x114: {  	vm2 =	vmand vm11, vm1;
	_ =	sdelay $0x2  }
0x115: {  	v0, _, _ =	vpop (xrf2)  }
0x116: {  	v62 =	vsub.f32 $0.0e+00, v0  }
0x117: {  	[tilespmem:v1+s2+$0x0] =	vst.idx.add.f32.msk vm12, v0  }
0x118: {  	[tilespmem:v2+s2+$0x0] =	vst.idx.add.f32.msk vm2, v62  }
0x119: {  	v0 =	vld [tilespmem:s5+$0x70];
	_ =	sdelay $0x3  }
0x11a: {  	v1 =	vld [tilespmem:s5+$0x1A70]  }
0x11b: {  	v2 =	vld [tilespmem:s5+$0x1A71];
	(xrf2) =	vadd.scan.msk.f32 $0xffff, v0;
	_ =	sdelay $0x4  }
0x11c: {  	vm13 =	vne.s32 v1, v2  }
0x11d: {  	vm14 =	vmor vm13, vm0  }
0x11e: {  	vm15 =	vmand vm13, vm1;
	_ =	sdelay $0x2  }
0x11f: {  	s29 =	smul.u32 $0x840, s4;
	v0, _, _ =	vpop (xrf2)  }
0x120: {  	v63 =	vsub.f32 $0.0e+00, v0  }
0x121: {  	s5 =	sshrl.u32 s29, $0x2;
	[tilespmem:v1+s2+$0x0] =	vst.idx.add.f32.msk vm14, v0  }
0x122: {  	s31 =	simm.s32 $0x3480;
	s30 =	sadd.s32 s5, s3;
	[tilespmem:v2+s2+$0x0] =	vst.idx.add.f32.msk vm15, v63;
	s2 =	simm.s32 $0x1  }
0x123: {  	[spmem:s30] =	stream.linear.scatter [tilespmem:s31], [sflag:$0x1], $0x210, $0x38;
	[tilespmem:$0x5C10] =	vst v63  }
0x124: {  	_ =	swait.ge [sflag:s2], $0x210  }
0x125: {  	[sflag:s2] =	ssyncset.done $0x0  }
0x126: {  	[sflag:s2] =	ssyncadd.s32 $0xFFFFFDF0  }
0x127: {  	p0 =	sne.s32 s4, $0x0;
	[bflag:$0x0] =	sbarrier.arrive $0xFFFF  }
0x128: {  	_ =	sfence.sel @p0 $0x180000  }
0x129: {  	[bflag:$0x0] =	sbarrier.arrive @p0 $0xFFFF  }
0x12a: {  	_ =	strace @p0 $0x90000047  }
0x12b: {  	[bflag:$0x2] =	sbarrier.arrive @p0 $0xFFFF  }
0x12c: {  	_ =	shalt @p0  }
.LBB2_3:
0x12d: {  	s4 =	simm.s32 $0x3910  }
0x12e: {  	[tilespmem:s4], [sflag:$0x1] =	stream.linear.gather [spmem:s3], $0x2100, $0x38;
	[tilespmem:$0x5C10] =	vst v63  }
0x12f: {  	_ =	swait.ge [sflag:s2], $0x2100  }
0x130: {  	[sflag:s2] =	ssyncset.done $0x0  }
0x131: {  	[sflag:s2] =	ssyncadd.s32 $0xFFFFDF00  }
0x132: {  	v0 =	vld [tilespmem:$0x3910]  }
0x133: {  	v1 =	vld [tilespmem:$0x3B20]  }
0x134: {  	v2 =	vld [tilespmem:$0x3D30]  }
0x135: {  	v3 =	vld [tilespmem:$0x3F40]  }
0x136: {  	v4 =	vld [tilespmem:$0x4150]  }
0x137: {  	v5 =	vld [tilespmem:$0x4360]  }
0x138: {  	v6 =	vld [tilespmem:$0x4570]  }
0x139: {  	v7 =	vld [tilespmem:$0x4780]  }
0x13a: {  	v8 =	vld [tilespmem:$0x4990]  }
0x13b: {  	v9 =	vld [tilespmem:$0x3920]  }
0x13c: {  	v10 =	vld [tilespmem:$0x3B30]  }
0x13d: {  	v11 =	vld [tilespmem:$0x4BA0]  }
0x13e: {  	v12 =	vld [tilespmem:$0x3D40]  }
0x13f: {  	v13 =	vld [tilespmem:$0x4DB0]  }
0x140: {  	v52 =	vld [tilespmem:$0x3F50]  }
0x141: {  	v14 =	vld [tilespmem:$0x4FC0]  }
0x142: {  	v53 =	vld [tilespmem:$0x4160]  }
0x143: {  	v54 =	vld [tilespmem:$0x51D0]  }
0x144: {  	v55 =	vld [tilespmem:$0x4370]  }
0x145: {  	v56 =	vld [tilespmem:$0x53E0]  }
0x146: {  	v57 =	vld [tilespmem:$0x4580]  }
0x147: {  	v58 =	vld [tilespmem:$0x55F0]  }
0x148: {  	v59 =	vld [tilespmem:$0x4790]  }
0x149: {  	v60 =	vld [tilespmem:$0x5800]  }
0x14a: {  	v61 =	vld [tilespmem:$0x49A0]  }
0x14b: {  	v62 =	vld [tilespmem:$0x4BB0]  }
0x14c: {  	v63 =	vld [tilespmem:$0x4DC0]  }
0x14d: {  	v15 =	vld [tilespmem:$0x4FD0]  }
0x14e: {  	v16 =	vld [tilespmem:$0x51E0]  }
0x14f: {  	v17 =	vld [tilespmem:$0x53F0]  }
0x150: {  	v18 =	vld [tilespmem:$0x5600]  }
0x151: {  	v19 =	vld [tilespmem:$0x5810]  }
0x152: {  	v27 =	vld [tilespmem:$0x3930]  }
0x153: {  	v21 =	vld [tilespmem:$0x3B40]  }
0x154: {  	v28 =	vld [tilespmem:$0x3D50]  }
0x155: {  	v32 =	vld [tilespmem:$0x3F60]  }
0x156: {  	v35 =	vld [tilespmem:$0x4170]  }
0x157: {  	v38 =	vld [tilespmem:$0x4380]  }
0x158: {  	v42 =	vld [tilespmem:$0x4590]  }
0x159: {  	v44 =	vld [tilespmem:$0x47A0]  }
0x15a: {  	v50 =	vld [tilespmem:$0x49B0]  }
0x15b: {  	v34 =	vld [tilespmem:$0x4FE0]  }
0x15c: {  	v36 =	vld [tilespmem:$0x51F0]  }
0x15d: {  	v37 =	vld [tilespmem:$0x5400]  }
0x15e: {  	v39 =	vld [tilespmem:$0x5610]  }
0x15f: {  	v40 =	vld [tilespmem:$0x5820];
	v0 =	vadd.f32 v1, v0  }
0x160: {  	v24 =	vld [tilespmem:$0x4DE0];
	v9 =	vadd.f32 v10, v9  }
0x161: {  	v33 =	vld [tilespmem:$0x4FF0];
	v0 =	vadd.f32 v2, v0  }
0x162: {  	v43 =	vld [tilespmem:$0x5410];
	v9 =	vadd.f32 v12, v9  }
0x163: {  	v47 =	vld [tilespmem:$0x5620];
	v0 =	vadd.f32 v3, v0  }
0x164: {  	v46 =	vld [tilespmem:$0x3B60];
	v1 =	vadd.f32 v52, v9  }
0x165: {  	v41 =	vld [tilespmem:$0x3F80];
	v0 =	vadd.f32 v4, v0  }
0x166: {  	v45 =	vld [tilespmem:$0x4190];
	v1 =	vadd.f32 v53, v1  }
0x167: {  	v48 =	vld [tilespmem:$0x43A0];
	v0 =	vadd.f32 v5, v0  }
0x168: {  	v49 =	vld [tilespmem:$0x45B0];
	v1 =	vadd.f32 v55, v1  }
0x169: {  	v51 =	vld [tilespmem:$0x47C0];
	v0 =	vadd.f32 v6, v0  }
0x16a: {  	[tilespmem:$0x1EEE0] =	vst v36;
	v36 =	vld [tilespmem:$0x5200];
	v1 =	vadd.f32 v57, v1  }
0x16b: {  	v2 =	vld [tilespmem:$0x3940];
	v0 =	vadd.f32 v7, v0  }
0x16c: {  	v12 =	vld [tilespmem:$0x45A0];
	v1 =	vadd.f32 v59, v1  }
0x16d: {  	v9 =	vld [tilespmem:$0x4390];
	v0 =	vadd.f32 v8, v0  }
0x16e: {  	v52 =	vld [tilespmem:$0x3950];
	v1 =	vadd.f32 v61, v1  }
0x16f: {  	[tilespmem:$0x1EED0] =	vst v34;
	v4 =	vld [tilespmem:$0x3D60];
	v0 =	vadd.f32 v11, v0  }
0x170: {  	[tilespmem:$0x1EEF0] =	vst v37;
	v53 =	vld [tilespmem:$0x49D0];
	v1 =	vadd.f32 v62, v1  }
0x171: {  	[tilespmem:$0x1EF00] =	vst v39;
	v55 =	vld [tilespmem:$0x4BC0];
	v0 =	vadd.f32 v13, v0  }
0x172: {  	[tilespmem:$0x1EF10] =	vst v40;
	v6 =	vld [tilespmem:$0x3F70];
	v1 =	vadd.f32 v63, v1  }
0x173: {  	[tilespmem:$0x1EF20] =	vst v41;
	v57 =	vld [tilespmem:$0x5830];
	v0 =	vadd.f32 v14, v0  }
0x174: {  	[tilespmem:$0x1EF30] =	vst v45;
	v61 =	vld [tilespmem:$0x5210];
	v1 =	vadd.f32 v15, v1  }
0x175: {  	[tilespmem:$0x1EF40] =	vst v48;
	v62 =	vld [tilespmem:$0x5420];
	v0 =	vadd.f32 v54, v0  }
0x176: {  	[tilespmem:$0x1EF50] =	vst v49;
	v63 =	vld [tilespmem:$0x5630];
	v1 =	vadd.f32 v16, v1  }
0x177: {  	[tilespmem:$0x1EF70] =	vst v51;
	v54 =	vld [tilespmem:$0x4BE0];
	v0 =	vadd.f32 v56, v0  }
0x178: {  	[tilespmem:$0x1EF90] =	vst v53;
	v59 =	vld [tilespmem:$0x4DD0];
	v1 =	vadd.f32 v17, v1  }
0x179: {  	v7 =	vld [tilespmem:$0x4180];
	[tilespmem:$0x1F040] =	vst v61;
	v0 =	vadd.f32 v58, v0  }
0x17a: {  	[tilespmem:$0x1F080] =	vst v62;
	v1 =	vadd.f32 v18, v1;
	v58 =	vld [tilespmem:$0x4DF0]  }
0x17b: {  	[tilespmem:$0x1F0C0] =	vst v63;
	v0 =	vadd.f32 v60, v0;
	v60 =	vld [tilespmem:$0x5000]  }
0x17c: {  	v14 =	vld [tilespmem:$0x47B0];
	[tilespmem:$0x1EFB0] =	vst v54;
	v1 =	vadd.f32 v19, v1  }
0x17d: {  	v17 =	vld [tilespmem:$0x49C0];
	[tilespmem:$0x5A10] =	vst v0  }
0x17e: {  	v56 =	vld [tilespmem:$0x3D70];
	[tilespmem:$0x5A20] =	vst v1  }
0x17f: {  	v19 =	vld [tilespmem:$0x4BD0];
	[tilespmem:$0x1EFE0] =	vst v58  }
0x180: {  	v0 =	vld [tilespmem:$0x3B50];
	[tilespmem:$0x1F010] =	vst v60  }
0x181: {  	v1 =	vld [tilespmem:$0x5840]  }
0x182: {  	v63 =	vld [tilespmem:$0x5660];
	_ =	sdelay $0x4  }
0x183: {  	[tilespmem:$0x1F130] =	vst v63;
	v63 =	vld [tilespmem:$0x45F0];
	_ =	sdelay $0x4  }
0x184: {  	[tilespmem:$0x1F240] =	vst v63;
	v63 =	vld [tilespmem:$0x5670];
	_ =	sdelay $0x4  }
0x185: {  	[tilespmem:$0x1F440] =	vst v63;
	v63 =	vld [tilespmem:$0x4600];
	_ =	sdelay $0x4  }
0x186: {  	[tilespmem:$0x1F260] =	vst v63;
	v63 =	vld [tilespmem:$0x5680];
	_ =	sdelay $0x4  }
0x187: {  	[tilespmem:$0x1F460] =	vst v63;
	v63 =	vld [tilespmem:$0x4610];
	_ =	sdelay $0x4  }
0x188: {  	[tilespmem:$0x1F290] =	vst v63;
	v63 =	vld [tilespmem:$0x5060];
	_ =	sdelay $0x4  }
0x189: {  	[tilespmem:$0x1F3D0] =	vst v63;
	v63 =	vld [tilespmem:$0x4410];
	_ =	sdelay $0x4  }
0x18a: {  	[tilespmem:$0x1F270] =	vst v63;
	v63 =	vld [tilespmem:$0x4620];
	_ =	sdelay $0x4  }
0x18b: {  	[tilespmem:$0x1F2B0] =	vst v63;
	v63 =	vld [tilespmem:$0x4830];
	_ =	sdelay $0x4  }
0x18c: {  	[tilespmem:$0x1F2F0] =	vst v63;
	v63 =	vld [tilespmem:$0x4A40];
	_ =	sdelay $0x4  }
0x18d: {  	[tilespmem:$0x1F330] =	vst v63;
	v63 =	vld [tilespmem:$0x4C50];
	_ =	sdelay $0x4  }
0x18e: {  	[tilespmem:$0x1F370] =	vst v63;
	v63 =	vld [tilespmem:$0x4E60];
	_ =	sdelay $0x4  }
0x18f: {  	[tilespmem:$0x1F3B0] =	vst v63;
	v63 =	vld [tilespmem:$0x5070];
	_ =	sdelay $0x4  }
0x190: {  	[tilespmem:$0x1F3F0] =	vst v63;
	v63 =	vld [tilespmem:$0x5280];
	_ =	sdelay $0x4  }
0x191: {  	[tilespmem:$0x1F430] =	vst v63;
	v63 =	vld [tilespmem:$0x5490];
	_ =	sdelay $0x4  }
0x192: {  	[tilespmem:$0x1F470] =	vst v63;
	v63 =	vld [tilespmem:$0x56A0];
	_ =	sdelay $0x4  }
0x193: {  	[tilespmem:$0x1F4B0] =	vst v63;
	v63 =	vld [tilespmem:$0x58B0];
	_ =	sdelay $0x4  }
0x194: {  	[tilespmem:$0x1F4F0] =	vst v63;
	v63 =	vld [tilespmem:$0x39D0];
	_ =	sdelay $0x4  }
0x195: {  	[tilespmem:$0x1F4D0] =	vst v63;
	v63 =	vld [tilespmem:$0x3BE0];
	_ =	sdelay $0x4  }
0x196: {  	[tilespmem:$0x1F4E0] =	vst v63;
	v63 =	vld [tilespmem:$0x3DF0];
	_ =	sdelay $0x4  }
0x197: {  	[tilespmem:$0x1F520] =	vst v63;
	v63 =	vld [tilespmem:$0x4000];
	_ =	sdelay $0x4  }
0x198: {  	[tilespmem:$0x1F580] =	vst v63;
	v63 =	vld [tilespmem:$0x4210];
	_ =	sdelay $0x4  }
0x199: {  	[tilespmem:$0x1F5C0] =	vst v63;
	v63 =	vld [tilespmem:$0x4420];
	_ =	sdelay $0x4  }
0x19a: {  	[tilespmem:$0x1F600] =	vst v63;
	v63 =	vld [tilespmem:$0x4630];
	_ =	sdelay $0x4  }
0x19b: {  	[tilespmem:$0x1F640] =	vst v63;
	v63 =	vld [tilespmem:$0x4840];
	_ =	sdelay $0x4  }
0x19c: {  	[tilespmem:$0x1F680] =	vst v63;
	v63 =	vld [tilespmem:$0x4A50];
	_ =	sdelay $0x4  }
0x19d: {  	[tilespmem:$0x1F6C0] =	vst v63;
	v63 =	vld [tilespmem:$0x4C60];
	_ =	sdelay $0x4  }
0x19e: {  	[tilespmem:$0x1F700] =	vst v63;
	v63 =	vld [tilespmem:$0x4E70];
	_ =	sdelay $0x4  }
0x19f: {  	[tilespmem:$0x1F740] =	vst v63;
	v63 =	vld [tilespmem:$0x5080];
	_ =	sdelay $0x4  }
0x1a0: {  	[tilespmem:$0x1F780] =	vst v63;
	v63 =	vld [tilespmem:$0x5290];
	_ =	sdelay $0x4  }
0x1a1: {  	[tilespmem:$0x1F7C0] =	vst v63;
	v63 =	vld [tilespmem:$0x54A0];
	_ =	sdelay $0x4  }
0x1a2: {  	[tilespmem:$0x1F800] =	vst v63;
	v63 =	vld [tilespmem:$0x56B0];
	_ =	sdelay $0x4  }
0x1a3: {  	[tilespmem:$0x1F840] =	vst v63;
	v63 =	vld [tilespmem:$0x58C0];
	_ =	sdelay $0x4  }
0x1a4: {  	[tilespmem:$0x1F880] =	vst v63;
	v63 =	vld [tilespmem:$0x39E0];
	_ =	sdelay $0x4  }
0x1a5: {  	[tilespmem:$0x1F500] =	vst v63;
	v63 =	vld [tilespmem:$0x3BF0];
	_ =	sdelay $0x4  }
0x1a6: {  	[tilespmem:$0x1F510] =	vst v63;
	v63 =	vld [tilespmem:$0x3E00];
	_ =	sdelay $0x4  }
0x1a7: {  	[tilespmem:$0x1F550] =	vst v63;
	v63 =	vld [tilespmem:$0x4010];
	_ =	sdelay $0x4  }
0x1a8: {  	[tilespmem:$0x1F5A0] =	vst v63;
	v63 =	vld [tilespmem:$0x4220];
	_ =	sdelay $0x4  }
0x1a9: {  	[tilespmem:$0x1F5E0] =	vst v63;
	v63 =	vld [tilespmem:$0x4430];
	_ =	sdelay $0x4  }
0x1aa: {  	[tilespmem:$0x1F620] =	vst v63;
	v63 =	vld [tilespmem:$0x4640];
	_ =	sdelay $0x4  }
0x1ab: {  	[tilespmem:$0x1F660] =	vst v63;
	v63 =	vld [tilespmem:$0x4850];
	_ =	sdelay $0x4  }
0x1ac: {  	[tilespmem:$0x1F6A0] =	vst v63;
	v63 =	vld [tilespmem:$0x4A60];
	_ =	sdelay $0x4  }
0x1ad: {  	[tilespmem:$0x1F6E0] =	vst v63;
	v63 =	vld [tilespmem:$0x4C70];
	_ =	sdelay $0x4  }
0x1ae: {  	[tilespmem:$0x1F720] =	vst v63;
	v63 =	vld [tilespmem:$0x4E80];
	_ =	sdelay $0x4  }
0x1af: {  	[tilespmem:$0x1F760] =	vst v63;
	v63 =	vld [tilespmem:$0x5090];
	_ =	sdelay $0x4  }
0x1b0: {  	[tilespmem:$0x1F7A0] =	vst v63;
	v63 =	vld [tilespmem:$0x52A0];
	_ =	sdelay $0x4  }
0x1b1: {  	[tilespmem:$0x1F7E0] =	vst v63;
	v63 =	vld [tilespmem:$0x54B0];
	_ =	sdelay $0x4  }
0x1b2: {  	[tilespmem:$0x1F820] =	vst v63;
	v63 =	vld [tilespmem:$0x56C0];
	_ =	sdelay $0x4  }
0x1b3: {  	[tilespmem:$0x1F860] =	vst v63;
	v63 =	vld [tilespmem:$0x58D0];
	_ =	sdelay $0x4  }
0x1b4: {  	[tilespmem:$0x1F8A0] =	vst v63;
	v63 =	vld [tilespmem:$0x39F0];
	_ =	sdelay $0x4  }
0x1b5: {  	[tilespmem:$0x1F530] =	vst v63;
	v63 =	vld [tilespmem:$0x3C00];
	_ =	sdelay $0x4  }
0x1b6: {  	[tilespmem:$0x1F540] =	vst v63;
	v63 =	vld [tilespmem:$0x3E10];
	_ =	sdelay $0x4  }
0x1b7: {  	[tilespmem:$0x1F590] =	vst v63;
	v63 =	vld [tilespmem:$0x4020];
	_ =	sdelay $0x4  }
0x1b8: {  	[tilespmem:$0x1F5D0] =	vst v63;
	v63 =	vld [tilespmem:$0x4230];
	_ =	sdelay $0x4  }
0x1b9: {  	[tilespmem:$0x1F610] =	vst v63;
	v63 =	vld [tilespmem:$0x4440];
	_ =	sdelay $0x4  }
0x1ba: {  	[tilespmem:$0x1F650] =	vst v63;
	v63 =	vld [tilespmem:$0x4650];
	_ =	sdelay $0x4  }
0x1bb: {  	[tilespmem:$0x1F690] =	vst v63;
	v63 =	vld [tilespmem:$0x4860];
	_ =	sdelay $0x4  }
0x1bc: {  	[tilespmem:$0x1F6D0] =	vst v63;
	v63 =	vld [tilespmem:$0x4A70];
	_ =	sdelay $0x4  }
0x1bd: {  	[tilespmem:$0x1F710] =	vst v63;
	v63 =	vld [tilespmem:$0x4C80];
	_ =	sdelay $0x4  }
0x1be: {  	[tilespmem:$0x1F750] =	vst v63;
	v63 =	vld [tilespmem:$0x4E90];
	_ =	sdelay $0x3  }
0x1bf: {  	v25 =	vld [tilespmem:$0x3960]  }
0x1c0: {  	[tilespmem:$0x1F790] =	vst v63;
	v63 =	vld [tilespmem:$0x50A0]  }
0x1c1: {  	v22 =	vld [tilespmem:$0x3B70]  }
0x1c2: {  	v30 =	vld [tilespmem:$0x3D80]  }
0x1c3: {  	v40 =	vld [tilespmem:$0x3F90]  }
0x1c4: {  	v51 =	vld [tilespmem:$0x41A0]  }
0x1c5: {  	[tilespmem:$0x1F7D0] =	vst v63;
	v63 =	vld [tilespmem:$0x52B0]  }
0x1c6: {  	v62 =	vld [tilespmem:$0x43B0]  }
0x1c7: {  	v5 =	vld [tilespmem:$0x45C0]  }
0x1c8: {  	v8 =	vld [tilespmem:$0x47D0]  }
0x1c9: {  	v10 =	vld [tilespmem:$0x49E0]  }
0x1ca: {  	[tilespmem:$0x1F810] =	vst v63;
	v63 =	vld [tilespmem:$0x54C0]  }
0x1cb: {  	v11 =	vld [tilespmem:$0x4BF0]  }
0x1cc: {  	v13 =	vld [tilespmem:$0x4E00]  }
0x1cd: {  	v15 =	vld [tilespmem:$0x5010]  }
0x1ce: {  	v16 =	vld [tilespmem:$0x5220]  }
0x1cf: {  	[tilespmem:$0x1F850] =	vst v63;
	v63 =	vld [tilespmem:$0x56D0]  }
0x1d0: {  	v18 =	vld [tilespmem:$0x5430]  }
0x1d1: {  	v20 =	vld [tilespmem:$0x5640]  }
0x1d2: {  	v23 =	vld [tilespmem:$0x5850]  }
0x1d3: {  	v29 =	vld [tilespmem:$0x41B0]  }
0x1d4: {  	[tilespmem:$0x1F890] =	vst v63;
	v63 =	vld [tilespmem:$0x58E0]  }
0x1d5: {  	v37 =	vld [tilespmem:$0x43C0]  }
0x1d6: {  	v45 =	vld [tilespmem:$0x45D0]  }
0x1d7: {  	v58 =	vld [tilespmem:$0x47E0]  }
0x1d8: {  	v26 =	vld [tilespmem:$0x49F0]  }
0x1d9: {  	[tilespmem:$0x1F8C0] =	vst v63;
	v63 =	vld [tilespmem:$0x3A00]  }
0x1da: {  	v31 =	vld [tilespmem:$0x4C00]  }
0x1db: {  	v34 =	vld [tilespmem:$0x4E10]  }
0x1dc: {  	v39 =	vld [tilespmem:$0x5020]  }
0x1dd: {  	v41 =	vld [tilespmem:$0x5230]  }
0x1de: {  	[tilespmem:$0x1F560] =	vst v63;
	v63 =	vld [tilespmem:$0x3C10]  }
0x1df: {  	v48 =	vld [tilespmem:$0x5440]  }
0x1e0: {  	v49 =	vld [tilespmem:$0x5650]  }
0x1e1: {  	v53 =	vld [tilespmem:$0x5860]  }
0x1e2: {  	v3 =	vld [tilespmem:$0x3980]  }
0x1e3: {  	[tilespmem:$0x1F570] =	vst v63;
	v63 =	vld [tilespmem:$0x3E20]  }
0x1e4: {  	v61 =	vld [tilespmem:$0x4E20]  }
0x1e5: {  	v21 =	vadd.f32 v21, v27;
	v54 =	vld [tilespmem:$0x5240]  }
0x1e6: {  	v60 =	vld [tilespmem:$0x5450]  }
0x1e7: {  	v27 =	vadd.f32 v28, v21;
	v28 =	vld [tilespmem:$0x4890]  }
0x1e8: {  	[tilespmem:$0x1F5B0] =	vst v63;
	v63 =	vld [tilespmem:$0x4030]  }
0x1e9: {  	v21 =	vld [tilespmem:$0x4CB0]  }
0x1ea: {  	v46 =	vadd.f32 v46, v52;
	v52 =	vld [tilespmem:$0x1EF20]  }
0x1eb: {  	v0 =	vadd.f32 v0, v2;
	v2 =	vadd.f32 v32, v27;
	v27 =	vld [tilespmem:$0x4EC0]  }
0x1ec: {  	v32 =	vld [tilespmem:$0x52E0]  }
0x1ed: {  	[tilespmem:$0x1F5F0] =	vst v63;
	v63 =	vld [tilespmem:$0x4240]  }
0x1ee: {  	v2 =	vadd.f32 v35, v2;
	v35 =	vld [tilespmem:$0x54F0]  }
0x1ef: {  	[tilespmem:$0x1EFD0] =	vst v11;
	v11 =	vld [tilespmem:$0x3970]  }
0x1f0: {  	[tilespmem:$0x1EFA0] =	vst v10;
	v10 =	vld [tilespmem:$0x3B80]  }
0x1f1: {  	[tilespmem:$0x1F030] =	vst v15;
	v15 =	vld [tilespmem:$0x3D90]  }
0x1f2: {  	[tilespmem:$0x1F630] =	vst v63;
	v63 =	vld [tilespmem:$0x4450]  }
0x1f3: {  	[tilespmem:$0x1F0A0] =	vst v18;
	v18 =	vld [tilespmem:$0x3FA0]  }
0x1f4: {  	[tilespmem:$0x1F100] =	vst v1;
	v1 =	vld [tilespmem:$0x3B90]  }
0x1f5: {  	[tilespmem:$0x1EF60] =	vst v5;
	v5 =	vld [tilespmem:$0x3DA0]  }
0x1f6: {  	[tilespmem:$0x1EF80] =	vst v8;
	v8 =	vld [tilespmem:$0x3FB0]  }
0x1f7: {  	[tilespmem:$0x1F670] =	vst v63;
	v63 =	vld [tilespmem:$0x4660]  }
0x1f8: {  	[tilespmem:$0x1F000] =	vst v13;
	v13 =	vld [tilespmem:$0x41C0]  }
0x1f9: {  	[tilespmem:$0x1F060] =	vst v16;
	v16 =	vld [tilespmem:$0x43D0]  }
0x1fa: {  	[tilespmem:$0x1F0E0] =	vst v20;
	v20 =	vld [tilespmem:$0x45E0]  }
0x1fb: {  	[tilespmem:$0x1EFF0] =	vst v31;
	v31 =	vld [tilespmem:$0x47F0]  }
0x1fc: {  	[tilespmem:$0x1F6B0] =	vst v63;
	v63 =	vld [tilespmem:$0x4870]  }
0x1fd: {  	[tilespmem:$0x1F050] =	vst v39;
	v39 =	vld [tilespmem:$0x4A00]  }
0x1fe: {  	[tilespmem:$0x1F140] =	vst v53;
	v53 =	vld [tilespmem:$0x4C10]  }
0x1ff: {  	[tilespmem:$0x1F120] =	vst v23;
	v23 =	vld [tilespmem:$0x5030]  }
0x200: {  	[tilespmem:$0x1EFC0] =	vst v26;
	v26 =	vld [tilespmem:$0x5870]  }
0x201: {  	[tilespmem:$0x1F6F0] =	vst v63;
	v63 =	vld [tilespmem:$0x4A80]  }
0x202: {  	[tilespmem:$0x1F020] =	vst v34;
	v34 =	vld [tilespmem:$0x3990]  }
0x203: {  	[tilespmem:$0x1F090] =	vst v41;
	v41 =	vld [tilespmem:$0x3BA0]  }
0x204: {  	[tilespmem:$0x1F0D0] =	vst v48;
	v48 =	vld [tilespmem:$0x3DB0]  }
0x205: {  	[tilespmem:$0x1F110] =	vst v49;
	v49 =	vld [tilespmem:$0x3FC0]  }
0x206: {  	[tilespmem:$0x1F730] =	vst v63;
	v63 =	vld [tilespmem:$0x4C90]  }
0x207: {  	[tilespmem:$0x1F0B0] =	vst v54;
	v54 =	vld [tilespmem:$0x41D0]  }
0x208: {  	[tilespmem:$0x1F0F0] =	vst v60;
	v60 =	vld [tilespmem:$0x43E0]  }
0x209: {  	[tilespmem:$0x1FA10] =	vst v28;
	v28 =	vld [tilespmem:$0x50D0]  }
0x20a: {  	v2 =	vadd.f32 v38, v2;
	v38 =	vld [tilespmem:$0x5700]  }
0x20b: {  	v0 =	vadd.f32 v4, v0;
	[tilespmem:$0x1F770] =	vst v63;
	v63 =	vld [tilespmem:$0x4EA0]  }
0x20c: {  	[tilespmem:$0x1FA60] =	vst v21;
	v21 =	vld [tilespmem:$0x4CC0]  }
0x20d: {  	v0 =	vadd.f32 v6, v0;
	v6 =	vadd.f32 v56, v46;
	v46 =	vld [tilespmem:$0x1F010]  }
0x20e: {  	[tilespmem:$0x1FB00] =	vst v32;
	v32 =	vld [tilespmem:$0x4480]  }
0x20f: {  	[tilespmem:$0x1FA90] =	vst v27;
	v27 =	vld [tilespmem:$0x50E0]  }
0x210: {  	[tilespmem:$0x1F7B0] =	vst v63;
	v63 =	vld [tilespmem:$0x50B0]  }
0x211: {  	v2 =	vadd.f32 v42, v2;
	v42 =	vld [tilespmem:$0x5910]  }
0x212: {  	v0 =	vadd.f32 v7, v0;
	v6 =	vadd.f32 v52, v6;
	v52 =	vld [tilespmem:$0x1F030]  }
0x213: {  	[tilespmem:$0x1FB20] =	vst v35;
	v35 =	vld [tilespmem:$0x5710]  }
0x214: {  	v0 =	vadd.f32 v9, v0;
	v9 =	vld [tilespmem:$0x3C40]  }
0x215: {  	[tilespmem:$0x1F7F0] =	vst v63;
	v63 =	vld [tilespmem:$0x52C0]  }
0x216: {  	v2 =	vadd.f32 v44, v2;
	v44 =	vld [tilespmem:$0x48A0]  }
0x217: {  	[tilespmem:$0x1F170] =	vst v26;
	v26 =	vld [tilespmem:$0x4800]  }
0x218: {  	[tilespmem:$0x1F150] =	vst v34;
	v34 =	vld [tilespmem:$0x4A10]  }
0x219: {  	[tilespmem:$0x1F160] =	vst v41;
	v41 =	vld [tilespmem:$0x4C20]  }
0x21a: {  	[tilespmem:$0x1F830] =	vst v63;
	v63 =	vld [tilespmem:$0x54D0]  }
0x21b: {  	[tilespmem:$0x1F1A0] =	vst v48;
	v48 =	vld [tilespmem:$0x4E30]  }
0x21c: {  	[tilespmem:$0x1F1C0] =	vst v49;
	v49 =	vld [tilespmem:$0x5040]  }
0x21d: {  	[tilespmem:$0x1F1E0] =	vst v54;
	v54 =	vld [tilespmem:$0x5250]  }
0x21e: {  	[tilespmem:$0x1F210] =	vst v60;
	v60 =	vld [tilespmem:$0x5460]  }
0x21f: {  	[tilespmem:$0x1F870] =	vst v63;
	v63 =	vld [tilespmem:$0x56E0]  }
0x220: {  	[tilespmem:$0x1F070] =	vst v23;
	v23 =	vld [tilespmem:$0x3BD0]  }
0x221: {  	[tilespmem:$0x1FAC0] =	vst v28;
	v28 =	vld [tilespmem:$0x4270]  }
0x222: {  	v1 =	vadd.f32 v1, v3;
	v3 =	vld [tilespmem:$0x4490]  }
0x223: {  	[tilespmem:$0x1FA80] =	vst v21;
	v21 =	vld [tilespmem:$0x1EF60]  }
0x224: {  	[tilespmem:$0x1F8B0] =	vst v63;
	v63 =	vld [tilespmem:$0x58F0]  }
0x225: {  	v0 =	vadd.f32 v12, v0;
	v12 =	vld [tilespmem:$0x3E50]  }
0x226: {  	v2 =	vadd.f32 v50, v2;
	v50 =	vadd.f32 v10, v11;
	v10 =	vld [tilespmem:$0x46A0]  }
0x227: {  	v11 =	vld [tilespmem:$0x48B0]  }
0x228: {  	[tilespmem:$0x1FAF0] =	vst v27;
	v27 =	vld [tilespmem:$0x1EF90]  }
0x229: {  	[tilespmem:$0x1F8F0] =	vst v63;
	v63 =	vld [tilespmem:$0x3A10]  }
0x22a: {  	[tilespmem:$0x1FB80] =	vst v42;
	v42 =	vld [tilespmem:$0x4690]  }
0x22b: {  	v0 =	vadd.f32 v14, v0;
	v14 =	vld [tilespmem:$0x4060]  }
0x22c: {  	v2 =	vadd.f32 v55, v2;
	v55 =	vld [tilespmem:$0x1EF30]  }
0x22d: {  	v1 =	vadd.f32 v5, v1;
	[tilespmem:$0x1FB70] =	vst v35;
	v35 =	vld [tilespmem:$0x3C60]  }
0x22e: {  	[tilespmem:$0x1F8D0] =	vst v63;
	v63 =	vld [tilespmem:$0x3C20]  }
0x22f: {  	v8 =	vadd.f32 v8, v1;
	v1 =	vld [tilespmem:$0x4AC0]  }
0x230: {  	[tilespmem:$0x1F940] =	vst v9;
	v9 =	vadd.f32 v15, v50;
	v15 =	vld [tilespmem:$0x4EE0]  }
0x231: {  	v50 =	vld [tilespmem:$0x1F020]  }
0x232: {  	[tilespmem:$0x1F280] =	vst v26;
	v26 =	vld [tilespmem:$0x5880]  }
0x233: {  	[tilespmem:$0x1F8E0] =	vst v63;
	v63 =	vld [tilespmem:$0x3E30]  }
0x234: {  	[tilespmem:$0x1F2C0] =	vst v34;
	v34 =	vld [tilespmem:$0x39A0]  }
0x235: {  	[tilespmem:$0x1F300] =	vst v41;
	v41 =	vld [tilespmem:$0x3BB0]  }
0x236: {  	[tilespmem:$0x1F340] =	vst v48;
	v48 =	vld [tilespmem:$0x3DC0]  }
0x237: {  	[tilespmem:$0x1F380] =	vst v49;
	v49 =	vld [tilespmem:$0x3FD0]  }
0x238: {  	[tilespmem:$0x1F920] =	vst v63;
	v63 =	vld [tilespmem:$0x4040]  }
0x239: {  	[tilespmem:$0x1F3C0] =	vst v54;
	v54 =	vld [tilespmem:$0x41E0]  }
0x23a: {  	[tilespmem:$0x1F400] =	vst v60;
	v60 =	vld [tilespmem:$0x43F0]  }
0x23b: {  	v0 =	vadd.f32 v17, v0;
	v17 =	vld [tilespmem:$0x4AB0]  }
0x23c: {  	v2 =	vadd.f32 v59, v2;
	v59 =	vld [tilespmem:$0x4CD0]  }
0x23d: {  	[tilespmem:$0x1F960] =	vst v63;
	v63 =	vld [tilespmem:$0x4250]  }
0x23e: {  	[tilespmem:$0x1F970] =	vst v12;
	v12 =	vld [tilespmem:$0x4ED0]  }
0x23f: {  	v56 =	vadd.f32 v18, v9;
	v18 =	vld [tilespmem:$0x1EF50]  }
0x240: {  	v8 =	vadd.f32 v13, v8;
	v13 =	vld [tilespmem:$0x50F0]  }
0x241: {  	v0 =	vadd.f32 v19, v0;
	v19 =	vld [tilespmem:$0x1EED0]  }
0x242: {  	[tilespmem:$0x1F990] =	vst v63;
	v63 =	vld [tilespmem:$0x4460]  }
0x243: {  	[tilespmem:$0x1F9A0] =	vst v14;
	v14 =	vld [tilespmem:$0x52F0]  }
0x244: {  	v5 =	vadd.f32 v55, v6;
	v6 =	vadd.f32 v29, v56;
	v29 =	vld [tilespmem:$0x1EFA0]  }
0x245: {  	v55 =	vld [tilespmem:$0x1F040]  }
0x246: {  	v56 =	vld [tilespmem:$0x1F050]  }
0x247: {  	[tilespmem:$0x1F9C0] =	vst v63;
	v63 =	vld [tilespmem:$0x4670]  }
0x248: {  	v8 =	vadd.f32 v16, v8;
	v16 =	vld [tilespmem:$0x1F090]  }
0x249: {  	[tilespmem:$0x1FBA0] =	vst v35;
	v35 =	vld [tilespmem:$0x5310]  }
0x24a: {  	v0 =	vadd.f32 v24, v0;
	v24 =	vld [tilespmem:$0x1EEE0]  }
0x24b: {  	[tilespmem:$0x1FAD0] =	vst v15;
	v15 =	vld [tilespmem:$0x5300]  }
0x24c: {  	[tilespmem:$0x1F9E0] =	vst v63;
	v63 =	vld [tilespmem:$0x4880]  }
0x24d: {  	[tilespmem:$0x1F480] =	vst v26;
	v26 =	vld [tilespmem:$0x4810]  }
0x24e: {  	[tilespmem:$0x1F180] =	vst v34;
	v34 =	vld [tilespmem:$0x4A20]  }
0x24f: {  	[tilespmem:$0x1F190] =	vst v41;
	v41 =	vld [tilespmem:$0x4C30]  }
0x250: {  	[tilespmem:$0x1F1B0] =	vst v48;
	v48 =	vld [tilespmem:$0x4E40]  }
0x251: {  	[tilespmem:$0x1FA00] =	vst v63;
	v63 =	vld [tilespmem:$0x4A90]  }
0x252: {  	[tilespmem:$0x1F1D0] =	vst v49;
	v49 =	vld [tilespmem:$0x5050]  }
0x253: {  	[tilespmem:$0x1F200] =	vst v54;
	v54 =	vld [tilespmem:$0x5260]  }
0x254: {  	[tilespmem:$0x1F230] =	vst v60;
	v60 =	vld [tilespmem:$0x5470]  }
0x255: {  	[tilespmem:$0x1FA50] =	vst v17;
	v17 =	vld [tilespmem:$0x5500]  }
0x256: {  	[tilespmem:$0x1FA20] =	vst v63;
	v63 =	vld [tilespmem:$0x4CA0]  }
0x257: {  	v8 =	vadd.f32 v20, v8;
	v20 =	vld [tilespmem:$0x5930]  }
0x258: {  	v6 =	vadd.f32 v37, v6;
	v37 =	vld [tilespmem:$0x3E70]  }
0x259: {  	[tilespmem:$0x1FAA0] =	vst v59;
	v59 =	vld [tilespmem:$0x1F070]  }
0x25a: {  	v0 =	vadd.f32 v33, v0;
	v33 =	vld [tilespmem:$0x1EEF0]  }
0x25b: {  	[tilespmem:$0x1FA40] =	vst v63;
	v63 =	vld [tilespmem:$0x4EB0]  }
0x25c: {  	v2 =	vadd.f32 v19, v2;
	v19 =	vld [tilespmem:$0x5920]  }
0x25d: {  	v8 =	vadd.f32 v31, v8;
	v31 =	vld [tilespmem:$0x1EFB0]  }
0x25e: {  	v6 =	vadd.f32 v45, v6;
	v45 =	vld [tilespmem:$0x4290]  }
0x25f: {  	v0 =	vadd.f32 v36, v0;
	v36 =	vld [tilespmem:$0x1EF00]  }
0x260: {  	[tilespmem:$0x1FA70] =	vst v63;
	v63 =	vld [tilespmem:$0x50C0]  }
0x261: {  	v2 =	vadd.f32 v24, v2;
	v24 =	vld [tilespmem:$0x5510]  }
0x262: {  	v8 =	vadd.f32 v39, v8;
	v39 =	vld [tilespmem:$0x1EFF0]  }
0x263: {  	v6 =	vadd.f32 v58, v6;
	v58 =	vld [tilespmem:$0x1F060]  }
0x264: {  	[tilespmem:$0x1F2A0] =	vst v26;
	v26 =	vld [tilespmem:$0x5890]  }
0x265: {  	[tilespmem:$0x1FAB0] =	vst v63;
	v63 =	vld [tilespmem:$0x52D0]  }
0x266: {  	[tilespmem:$0x1F3A0] =	vst v49;
	v49 =	vld [tilespmem:$0x39B0]  }
0x267: {  	[tilespmem:$0x1F360] =	vst v48;
	v48 =	vld [tilespmem:$0x3BC0]  }
0x268: {  	[tilespmem:$0x1F420] =	vst v60;
	v60 =	vld [tilespmem:$0x3DD0]  }
0x269: {  	[tilespmem:$0x1F2E0] =	vst v34;
	v34 =	vld [tilespmem:$0x3FE0]  }
0x26a: {  	[tilespmem:$0x1FAE0] =	vst v63;
	v63 =	vld [tilespmem:$0x54E0]  }
0x26b: {  	[tilespmem:$0x1F320] =	vst v41;
	v41 =	vld [tilespmem:$0x41F0]  }
0x26c: {  	[tilespmem:$0x1F3E0] =	vst v54;
	v54 =	vld [tilespmem:$0x4400]  }
0x26d: {  	v0 =	vadd.f32 v43, v0;
	v43 =	vld [tilespmem:$0x1EF10]  }
0x26e: {  	[tilespmem:$0x1FBD0] =	vst v37;
	v37 =	vld [tilespmem:$0x1F110]  }
0x26f: {  	[tilespmem:$0x1FB10] =	vst v63;
	v63 =	vld [tilespmem:$0x56F0]  }
0x270: {  	v2 =	vadd.f32 v33, v2;
	v33 =	vld [tilespmem:$0x1EFC0]  }
0x271: {  	v8 =	vadd.f32 v53, v8;
	v53 =	vld [tilespmem:$0x46B0]  }
0x272: {  	[tilespmem:$0x1FB40] =	vst v38;
	v38 =	vadd.f32 v47, v0;
	v0 =	vld [tilespmem:$0x3A40]  }
0x273: {  	v47 =	vadd.f32 v22, v25;
	v22 =	vld [tilespmem:$0x1EF70]  }
0x274: {  	[tilespmem:$0x1FB30] =	vst v63;
	v63 =	vld [tilespmem:$0x5900]  }
0x275: {  	v25 =	vld [tilespmem:$0x1EF80]  }
0x276: {  	v2 =	vadd.f32 v36, v2;
	v36 =	vld [tilespmem:$0x1EFD0]  }
0x277: {  	v8 =	vadd.f32 v61, v8;
	v61 =	vld [tilespmem:$0x4AD0]  }
0x278: {  	v7 =	vadd.f32 v30, v47;
	v47 =	vld [tilespmem:$0x4280]  }
0x279: {  	[tilespmem:$0x1FB60] =	vst v63;
	v63 =	vld [tilespmem:$0x3A20]  }
0x27a: {  	v4 =	vadd.f32 v57, v38;
	v57 =	vld [tilespmem:$0x1EF40]  }
0x27b: {  	v30 =	vld [tilespmem:$0x3A50]  }
0x27c: {  	v38 =	vld [tilespmem:$0x1EFE0]  }
0x27d: {  	[tilespmem:$0x1FB50] =	vst v24;
	v24 =	vld [tilespmem:$0x1F0B0]  }
0x27e: {  	[tilespmem:$0x1F900] =	vst v63;
	v63 =	vld [tilespmem:$0x3C30]  }
0x27f: {  	[tilespmem:$0x1F4A0] =	vst v26;
	v26 =	vld [tilespmem:$0x4820]  }
0x280: {  	[tilespmem:$0x1F1F0] =	vst v34;
	v34 =	vld [tilespmem:$0x4A30]  }
0x281: {  	[tilespmem:$0x1F220] =	vst v41;
	v41 =	vld [tilespmem:$0x4C40]  }
0x282: {  	[tilespmem:$0x1F250] =	vst v54;
	v54 =	vld [tilespmem:$0x4E50]  }
0x283: {  	[tilespmem:$0x1F910] =	vst v63;
	v63 =	vld [tilespmem:$0x3E40]  }
0x284: {  	v2 =	vadd.f32 v43, v2;
	v43 =	vld [tilespmem:$0x1F000]  }
0x285: {  	[tilespmem:$0x1FEF0] =	vst v4;
	v4 =	vld [tilespmem:$0x3E60]  }
0x286: {  	v7 =	vadd.f32 v40, v7;
	v40 =	vld [tilespmem:$0x4080]  }
0x287: {  	v6 =	vadd.f32 v33, v6;
	v33 =	vld [tilespmem:$0x1F0F0]  }
0x288: {  	[tilespmem:$0x1F950] =	vst v63;
	v63 =	vld [tilespmem:$0x4050]  }
0x289: {  	[tilespmem:$0x1FEE0] =	vst v2;
	v2 =	vld [tilespmem:$0x3C50]  }
0x28a: {  	v7 =	vadd.f32 v51, v7;
	v51 =	vld [tilespmem:$0x44A0]  }
0x28b: {  	[tilespmem:$0x1FD40] =	vst v35;
	v6 =	vadd.f32 v39, v6;
	v39 =	vld [tilespmem:$0x1F120]  }
0x28c: {  	[tilespmem:$0x1FC10] =	vst v45;
	v5 =	vadd.f32 v57, v5;
	v57 =	vld [tilespmem:$0x48C0]  }
0x28d: {  	[tilespmem:$0x1F980] =	vst v63;
	v63 =	vld [tilespmem:$0x4260]  }
0x28e: {  	[tilespmem:$0x1FB90] =	vst v30;
	v30 =	vld [tilespmem:$0x5100]  }
0x28f: {  	[tilespmem:$0x1F2D0] =	vst v26;
	v26 =	vld [tilespmem:$0x5270];
	v7 =	vadd.f32 v62, v7;
	v5 =	vadd.f32 v18, v5  }
0x290: {  	[tilespmem:$0x1F310] =	vst v34;
	v34 =	vld [tilespmem:$0x5480]  }
0x291: {  	[tilespmem:$0x1F350] =	vst v41;
	v41 =	vld [tilespmem:$0x5690];
	v7 =	vadd.f32 v21, v7;
	v5 =	vadd.f32 v22, v5  }
0x292: {  	[tilespmem:$0x1F9B0] =	vst v63;
	v63 =	vld [tilespmem:$0x4470]  }
0x293: {  	[tilespmem:$0x1F390] =	vst v54;
	v54 =	vld [tilespmem:$0x58A0];
	v7 =	vadd.f32 v25, v7;
	v5 =	vadd.f32 v27, v5  }
0x294: {  	[tilespmem:$0x1FC50] =	vst v53;
	v62 =	vld [tilespmem:$0x1F080]  }
0x295: {  	[tilespmem:$0x1FC90] =	vst v61;
	v21 =	vld [tilespmem:$0x4CE0];
	v7 =	vadd.f32 v29, v7;
	v5 =	vadd.f32 v31, v5  }
0x296: {  	[tilespmem:$0x1FBF0] =	vst v40;
	v22 =	vld [tilespmem:$0x1F0A0]  }
0x297: {  	v7 =	vadd.f32 v36, v7;
	v5 =	vadd.f32 v38, v5;
	[tilespmem:$0x1F9D0] =	vst v63;
	v63 =	vld [tilespmem:$0x4680]  }
0x298: {  	[tilespmem:$0x1FC30] =	vst v51;
	v27 =	vld [tilespmem:$0x1F0C0]  }
0x299: {  	[tilespmem:$0x1FC70] =	vst v57;
	v29 =	vld [tilespmem:$0x1F0D0];
	v7 =	vadd.f32 v43, v7;
	v5 =	vadd.f32 v46, v5  }
0x29a: {  	v6 =	vadd.f32 v50, v6;
	[tilespmem:$0x1FD10] =	vst v30;
	v31 =	vld [tilespmem:$0x1F0E0]  }
0x29b: {  	[tilespmem:$0x1F410] =	vst v26;
	v36 =	vld [tilespmem:$0x1F100];
	v7 =	vadd.f32 v52, v7;
	v5 =	vadd.f32 v55, v5  }
0x29c: {  	v6 =	vadd.f32 v56, v6;
	[tilespmem:$0x1F9F0] =	vst v63;
	v63 =	vld [tilespmem:$0x4AA0]  }
0x29d: {  	v25 =	vld [tilespmem:$0x4EF0];
	[tilespmem:$0x1F450] =	vst v34;
	v7 =	vadd.f32 v58, v7;
	v5 =	vadd.f32 v62, v5  }
0x29e: {  	v18 =	vld [tilespmem:$0x5720];
	v6 =	vadd.f32 v16, v6;
	[tilespmem:$0x1F490] =	vst v41  }
0x29f: {  	[tilespmem:$0x1F4C0] =	vst v54;
	v38 =	vld [tilespmem:$0x5520];
	v7 =	vadd.f32 v22, v7;
	v5 =	vadd.f32 v27, v5  }
0x2a0: {  	v40 =	vld [tilespmem:$0x1F130];
	[tilespmem:$0x1FCB0] =	vst v21;
	v6 =	vadd.f32 v29, v6  }
0x2a1: {  	v7 =	vadd.f32 v31, v7;
	v5 =	vadd.f32 v36, v5;
	[tilespmem:$0x1FA30] =	vst v63;
	v63 =	vld [tilespmem:$0x3A30]  }
0x2a2: {  	[tilespmem:$0x1FCE0] =	vst v25;
	v43 =	vld [tilespmem:$0x5730]  }
0x2a3: {  	v26 =	vld [tilespmem:$0x39C0];
	[tilespmem:$0x1FF00] =	vst v5;
	v5 =	vadd.f32 v37, v6;
	v6 =	vadd.f32 v39, v7  }
0x2a4: {  	v34 =	vld [tilespmem:$0x3DE0];
	[tilespmem:$0x1FD70] =	vst v38  }
0x2a5: {  	v41 =	vld [tilespmem:$0x3FF0];
	[tilespmem:$0x1FF10] =	vst v6  }
0x2a6: {  	v54 =	vld [tilespmem:$0x4200];
	[tilespmem:$0x1F930] =	vst v63  }
0x2a7: {  	v63 =	vld [tilespmem:$0x4070];
	[tilespmem:$0x1FDA0] =	vst v43  }
0x2a8: {  	v7 =	vld [tilespmem:$0x1F140]  }
0x2a9: {  	v45 =	vld [tilespmem:$0x1F150]  }
0x2aa: {  	v46 =	vld [tilespmem:$0x1F160]  }
0x2ab: {  	v50 =	vld [tilespmem:$0x5940]  }
0x2ac: {  	v51 =	vld [tilespmem:$0x1F170]  }
0x2ad: {  	v52 =	vld [tilespmem:$0x1F180]  }
0x2ae: {  	v53 =	vld [tilespmem:$0x1F190]  }
0x2af: {  	v55 =	vld [tilespmem:$0x3A60]  }
0x2b0: {  	v56 =	vld [tilespmem:$0x1F1A0]  }
0x2b1: {  	v58 =	vld [tilespmem:$0x3C70]  }
0x2b2: {  	v8 =	vadd.f32 v59, v8;
	v59 =	vld [tilespmem:$0x1F1B0]  }
0x2b3: {  	v62 =	vld [tilespmem:$0x3E80]  }
0x2b4: {  	v16 =	vld [tilespmem:$0x1F1C0]  }
0x2b5: {  	v21 =	vld [tilespmem:$0x4090]  }
0x2b6: {  	v22 =	vld [tilespmem:$0x1F1D0]  }
0x2b7: {  	v61 =	vadd.f32 v23, v26;
	v23 =	vld [tilespmem:$0x42A0]  }
0x2b8: {  	v8 =	vadd.f32 v24, v8;
	v24 =	vld [tilespmem:$0x1F1E0]  }
0x2b9: {  	v25 =	vld [tilespmem:$0x1F1F0]  }
0x2ba: {  	v26 =	vld [tilespmem:$0x44B0]  }
0x2bb: {  	v27 =	vld [tilespmem:$0x1F200]  }
0x2bc: {  	v29 =	vld [tilespmem:$0x46C0]  }
0x2bd: {  	v30 =	vld [tilespmem:$0x1F210]  }
0x2be: {  	v8 =	vadd.f32 v33, v8;
	v31 =	vld [tilespmem:$0x1F220]  }
0x2bf: {  	v33 =	vld [tilespmem:$0x48D0]  }
0x2c0: {  	v6 =	vadd.f32 v40, v8;
	v8 =	vadd.f32 v34, v61;
	v34 =	vld [tilespmem:$0x1F230]  }
0x2c1: {  	v35 =	vld [tilespmem:$0x4AE0]  }
0x2c2: {  	v36 =	vld [tilespmem:$0x1F240]  }
0x2c3: {  	v37 =	vld [tilespmem:$0x1F250]  }
0x2c4: {  	v38 =	vld [tilespmem:$0x4CF0]  }
0x2c5: {  	v39 =	vld [tilespmem:$0x1F260]  }
0x2c6: {  	v40 =	vld [tilespmem:$0x1F270]  }
0x2c7: {  	v8 =	vadd.f32 v41, v8;
	v41 =	vld [tilespmem:$0x4F00]  }
0x2c8: {  	v43 =	vld [tilespmem:$0x1F280]  }
0x2c9: {  	v57 =	vadd.f32 v48, v49;
	v48 =	vld [tilespmem:$0x1F2A0]  }
0x2ca: {  	v0 =	vadd.f32 v2, v0;
	v49 =	vld [tilespmem:$0x1F2B0]  }
0x2cb: {  	v8 =	vadd.f32 v54, v8;
	v54 =	vld [tilespmem:$0x1F2E0]  }
0x2cc: {  	v0 =	vadd.f32 v4, v0;
	v61 =	vld [tilespmem:$0x1F330]  }
0x2cd: {  	v9 =	vld [tilespmem:$0x1F4E0]  }
0x2ce: {  	v0 =	vadd.f32 v63, v0;
	v63 =	vld [tilespmem:$0x1FA30]  }
0x2cf: {  	[tilespmem:$0x1FDD0] =	vst v50;
	v50 =	vld [tilespmem:$0x5320]  }
0x2d0: {  	v6 =	vadd.f32 v51, v6;
	v51 =	vld [tilespmem:$0x1F2C0]  }
0x2d1: {  	[tilespmem:$0x1FBB0] =	vst v55;
	v55 =	vld [tilespmem:$0x1F2F0]  }
0x2d2: {  	v5 =	vadd.f32 v7, v5;
	v7 =	vadd.f32 v60, v57;
	v57 =	vld [tilespmem:$0x1F300]  }
0x2d3: {  	[tilespmem:$0x1FBC0] =	vst v58;
	v58 =	vld [tilespmem:$0x1F310]  }
0x2d4: {  	v60 =	vld [tilespmem:$0x1F320]  }
0x2d5: {  	[tilespmem:$0x1FCD0] =	vst v38;
	v38 =	vld [tilespmem:$0x3A70]  }
0x2d6: {  	[tilespmem:$0x1FBE0] =	vst v62;
	v62 =	vld [tilespmem:$0x1F340]  }
0x2d7: {  	[tilespmem:$0x1FC00] =	vst v21;
	v21 =	vld [tilespmem:$0x1F360]  }
0x2d8: {  	[tilespmem:$0x1FC20] =	vst v23;
	v23 =	vld [tilespmem:$0x1F380]  }
0x2d9: {  	[tilespmem:$0x1FC40] =	vst v26;
	v26 =	vld [tilespmem:$0x1F3B0]  }
0x2da: {  	[tilespmem:$0x1FC60] =	vst v29;
	v29 =	vld [tilespmem:$0x1F3D0]  }
0x2db: {  	[tilespmem:$0x1FC80] =	vst v33;
	v33 =	vld [tilespmem:$0x1F400]  }
0x2dc: {  	[tilespmem:$0x1FCA0] =	vst v35;
	v35 =	vld [tilespmem:$0x1F420]  }
0x2dd: {  	v8 =	vadd.f32 v40, v8;
	v40 =	vld [tilespmem:$0x1F440]  }
0x2de: {  	[tilespmem:$0x1FD00] =	vst v41;
	v41 =	vld [tilespmem:$0x1F450]  }
0x2df: {  	v0 =	vadd.f32 v47, v0;
	v47 =	vld [tilespmem:$0x1FA00]  }
0x2e0: {  	[tilespmem:$0x1FF20] =	vst v5;
	v5 =	vadd.f32 v46, v45;
	v45 =	vld [tilespmem:$0x1F290]  }
0x2e1: {  	v46 =	vld [tilespmem:$0x5110]  }
0x2e2: {  	[tilespmem:$0x1FF30] =	vst v6;
	v6 =	vadd.f32 v53, v52;
	v52 =	vld [tilespmem:$0x1F2D0]  }
0x2e3: {  	v53 =	vld [tilespmem:$0x5530]  }
0x2e4: {  	v7 =	vadd.f32 v25, v7;
	v25 =	vld [tilespmem:$0x1F3A0]  }
0x2e5: {  	v8 =	vadd.f32 v49, v8;
	v49 =	vld [tilespmem:$0x1F480]  }
0x2e6: {  	v5 =	vadd.f32 v56, v5;
	v56 =	vld [tilespmem:$0x5740]  }
0x2e7: {  	v6 =	vadd.f32 v59, v6;
	v59 =	vld [tilespmem:$0x5950]  }
0x2e8: {  	v7 =	vadd.f32 v31, v7;
	v31 =	vld [tilespmem:$0x1F3F0]  }
0x2e9: {  	v0 =	vadd.f32 v3, v0;
	v8 =	vadd.f32 v55, v8;
	v55 =	vld [tilespmem:$0x44C0]  }
0x2ea: {  	[tilespmem:$0x1FD60] =	vst v50;
	v50 =	vld [tilespmem:$0x1F490]  }
0x2eb: {  	v0 =	vadd.f32 v10, v0;
	v10 =	vld [tilespmem:$0x1FA60]  }
0x2ec: {  	v5 =	vadd.f32 v16, v5;
	v16 =	vld [tilespmem:$0x1F350]  }
0x2ed: {  	v6 =	vadd.f32 v22, v6;
	v22 =	vld [tilespmem:$0x1F370]  }
0x2ee: {  	v7 =	vadd.f32 v37, v7;
	v37 =	vld [tilespmem:$0x1F430]  }
0x2ef: {  	v8 =	vadd.f32 v61, v8;
	v61 =	vld [tilespmem:$0x3E90]  }
0x2f0: {  	[tilespmem:$0x1FD90] =	vst v53;
	v53 =	vld [tilespmem:$0x40A0]  }
0x2f1: {  	[tilespmem:$0x1FD30] =	vst v46;
	v46 =	vld [tilespmem:$0x1F470]  }
0x2f2: {  	v0 =	vadd.f32 v11, v0;
	v11 =	vld [tilespmem:$0x1FA70]  }
0x2f3: {  	v5 =	vadd.f32 v24, v5;
	v24 =	vld [tilespmem:$0x1F390]  }
0x2f4: {  	v6 =	vadd.f32 v27, v6;
	v27 =	vld [tilespmem:$0x1F3C0]  }
0x2f5: {  	v7 =	vadd.f32 v45, v7;
	v45 =	vld [tilespmem:$0x1F460]  }
0x2f6: {  	[tilespmem:$0x1FDC0] =	vst v56;
	v56 =	vld [tilespmem:$0x46D0]  }
0x2f7: {  	[tilespmem:$0x1FDF0] =	vst v59;
	v59 =	vld [tilespmem:$0x1F4C0]  }
0x2f8: {  	v7 =	vadd.f32 v52, v7;
	v52 =	vld [tilespmem:$0x42B0]  }
0x2f9: {  	v5 =	vadd.f32 v30, v5;
	v30 =	vld [tilespmem:$0x1F3E0]  }
0x2fa: {  	v6 =	vadd.f32 v34, v6;
	v34 =	vld [tilespmem:$0x1F410]  }
0x2fb: {  	v8 =	vadd.f32 v22, v8;
	v22 =	vld [tilespmem:$0x1F500]  }
0x2fc: {  	v5 =	vadd.f32 v36, v5;
	v36 =	vld [tilespmem:$0x3C80]  }
0x2fd: {  	v6 =	vadd.f32 v39, v6;
	v39 =	vld [tilespmem:$0x4AF0]  }
0x2fe: {  	v7 =	vadd.f32 v58, v7;
	v58 =	vld [tilespmem:$0x5330]  }
0x2ff: {  	v8 =	vadd.f32 v26, v8;
	v26 =	vld [tilespmem:$0x1F530]  }
0x300: {  	v5 =	vadd.f32 v43, v5;
	v43 =	vld [tilespmem:$0x4D00]  }
0x301: {  	v6 =	vadd.f32 v48, v6;
	v48 =	vld [tilespmem:$0x4F10]  }
0x302: {  	v7 =	vadd.f32 v16, v7;
	v16 =	vld [tilespmem:$0x5540]  }
0x303: {  	v8 =	vadd.f32 v31, v8;
	v31 =	vld [tilespmem:$0x1F560]  }
0x304: {  	v5 =	vadd.f32 v51, v5;
	v51 =	vld [tilespmem:$0x5120]  }
0x305: {  	v6 =	vadd.f32 v54, v6;
	v54 =	vld [tilespmem:$0x1F4A0]  }
0x306: {  	v7 =	vadd.f32 v24, v7;
	v24 =	vld [tilespmem:$0x5750]  }
0x307: {  	v8 =	vadd.f32 v37, v8;
	v37 =	vld [tilespmem:$0x1F5A0]  }
0x308: {  	[tilespmem:$0x1FCC0] =	vst v39;
	v39 =	vld [tilespmem:$0x1F5B0]  }
0x309: {  	[tilespmem:$0x1FD80] =	vst v58;
	v58 =	vld [tilespmem:$0x1F670]  }
0x30a: {  	v36 =	vadd.f32 v36, v38;
	v38 =	vld [tilespmem:$0x5160]  }
0x30b: {  	v5 =	vadd.f32 v57, v5;
	v57 =	vld [tilespmem:$0x1F4B0]  }
0x30c: {  	v6 =	vadd.f32 v60, v6;
	v60 =	vld [tilespmem:$0x1F4D0]  }
0x30d: {  	v7 =	vadd.f32 v29, v7;
	v29 =	vld [tilespmem:$0x5960]  }
0x30e: {  	[tilespmem:$0x1FCF0] =	vst v43;
	v43 =	vld [tilespmem:$0x1F5E0]  }
0x30f: {  	v8 =	vadd.f32 v46, v8;
	v46 =	vld [tilespmem:$0x1F600]  }
0x310: {  	[tilespmem:$0x1FD20] =	vst v48;
	v48 =	vld [tilespmem:$0x1F610]  }
0x311: {  	[tilespmem:$0x1FDB0] =	vst v16;
	v16 =	vld [tilespmem:$0x1F690]  }
0x312: {  	v36 =	vadd.f32 v61, v36;
	v61 =	vld [tilespmem:$0x5580]  }
0x313: {  	v5 =	vadd.f32 v62, v5;
	v62 =	vld [tilespmem:$0x48E0]  }
0x314: {  	v6 =	vadd.f32 v21, v6;
	v21 =	vld [tilespmem:$0x1F4F0]  }
0x315: {  	v7 =	vadd.f32 v34, v7;
	v34 =	vld [tilespmem:$0x1F580]  }
0x316: {  	[tilespmem:$0x1FD50] =	vst v51;
	v51 =	vld [tilespmem:$0x1F640]  }
0x317: {  	[tilespmem:$0x1FDE0] =	vst v24;
	v24 =	vld [tilespmem:$0x1F6B0]  }
0x318: {  	v53 =	vadd.f32 v53, v36;
	v36 =	vld [tilespmem:$0x59A0]  }
0x319: {  	v5 =	vadd.f32 v23, v5;
	v23 =	vld [tilespmem:$0x1F510]  }
0x31a: {  	v6 =	vadd.f32 v25, v6;
	v25 =	vld [tilespmem:$0x1F520]  }
0x31b: {  	v7 =	vadd.f32 v41, v7;
	v41 =	vld [tilespmem:$0x1F5D0]  }
0x31c: {  	[tilespmem:$0x1FE00] =	vst v29;
	v29 =	vld [tilespmem:$0x44D0]  }
0x31d: {  	v52 =	vadd.f32 v52, v53;
	v53 =	vld [tilespmem:$0x3CD0]  }
0x31e: {  	v5 =	vadd.f32 v27, v5;
	v27 =	vld [tilespmem:$0x1F540]  }
0x31f: {  	v6 =	vadd.f32 v30, v6;
	v30 =	vld [tilespmem:$0x1F550]  }
0x320: {  	v52 =	vadd.f32 v55, v52;
	v55 =	vld [tilespmem:$0x40F0]  }
0x321: {  	v5 =	vadd.f32 v33, v5;
	v33 =	vld [tilespmem:$0x1F570]  }
0x322: {  	v6 =	vadd.f32 v35, v6;
	v35 =	vld [tilespmem:$0x1F590]  }
0x323: {  	v52 =	vadd.f32 v56, v52;
	v56 =	vld [tilespmem:$0x4510]  }
0x324: {  	v5 =	vadd.f32 v40, v5;
	v40 =	vld [tilespmem:$0x1F5C0]  }
0x325: {  	v6 =	vadd.f32 v45, v6;
	v45 =	vld [tilespmem:$0x1F5F0]  }
0x326: {  	v52 =	vadd.f32 v62, v52;
	v62 =	vld [tilespmem:$0x4930]  }
0x327: {  	v5 =	vadd.f32 v49, v5;
	v49 =	vld [tilespmem:$0x1F620]  }
0x328: {  	v6 =	vadd.f32 v54, v6;
	v54 =	vld [tilespmem:$0x1F650]  }
0x329: {  	[tilespmem:$0x1FF40] =	vst v5;
	v5 =	vadd.f32 v50, v7;
	v7 =	vadd.f32 v27, v26;
	v27 =	vld [tilespmem:$0x42C0]  }
0x32a: {  	v50 =	vld [tilespmem:$0x1F630]  }
0x32b: {  	[tilespmem:$0x1FF50] =	vst v6;
	v6 =	vadd.f32 v57, v8;
	v57 =	vld [tilespmem:$0x1F660]  }
0x32c: {  	v26 =	vld [tilespmem:$0x1F6C0]  }
0x32d: {  	v8 =	vld [tilespmem:$0x1FA40]  }
0x32e: {  	v6 =	vadd.f32 v21, v6;
	v21 =	vld [tilespmem:$0x3EA0]  }
0x32f: {  	v5 =	vadd.f32 v59, v5;
	v59 =	vld [tilespmem:$0x1F680]  }
0x330: {  	v7 =	vadd.f32 v35, v7;
	v35 =	vld [tilespmem:$0x4D10]  }
0x331: {  	[tilespmem:$0x1FF70] =	vst v6;
	v6 =	vadd.f32 v23, v22;
	v22 =	vld [tilespmem:$0x3A80]  }
0x332: {  	[tilespmem:$0x1FF60] =	vst v5;
	v5 =	vadd.f32 v9, v60;
	v60 =	vld [tilespmem:$0x3C90]  }
0x333: {  	v9 =	vadd.f32 v33, v31;
	v31 =	vld [tilespmem:$0x46E0]  }
0x334: {  	v33 =	vld [tilespmem:$0x48F0]  }
0x335: {  	v23 =	vld [tilespmem:$0x1F6A0]  }
0x336: {  	v7 =	vadd.f32 v41, v7;
	v41 =	vld [tilespmem:$0x5130]  }
0x337: {  	v5 =	vadd.f32 v25, v5;
	v25 =	vld [tilespmem:$0x40B0]  }
0x338: {  	v9 =	vadd.f32 v39, v9;
	v39 =	vld [tilespmem:$0x4F20]  }
0x339: {  	v6 =	vadd.f32 v30, v6;
	v30 =	vld [tilespmem:$0x1F6D0]  }
0x33a: {  	v7 =	vadd.f32 v48, v7;
	v48 =	vld [tilespmem:$0x1F720]  }
0x33b: {  	v5 =	vadd.f32 v34, v5;
	v34 =	vld [tilespmem:$0x4B00]  }
0x33c: {  	v6 =	vadd.f32 v37, v6;
	v37 =	vld [tilespmem:$0x1F6E0]  }
0x33d: {  	v9 =	vadd.f32 v45, v9;
	v45 =	vld [tilespmem:$0x1F710]  }
0x33e: {  	v7 =	vadd.f32 v54, v7;
	v54 =	vld [tilespmem:$0x1F750]  }
0x33f: {  	v60 =	vadd.f32 v60, v22;
	v22 =	vld [tilespmem:$0x3AC0]  }
0x340: {  	v5 =	vadd.f32 v40, v5;
	v40 =	vld [tilespmem:$0x1F6F0]  }
0x341: {  	v6 =	vadd.f32 v43, v6;
	v43 =	vld [tilespmem:$0x1F700]  }
0x342: {  	v9 =	vadd.f32 v50, v9;
	v50 =	vld [tilespmem:$0x1F740]  }
0x343: {  	v7 =	vadd.f32 v16, v7;
	v16 =	vld [tilespmem:$0x1F770]  }
0x344: {  	v21 =	vadd.f32 v21, v60;
	v60 =	vld [tilespmem:$0x5790]  }
0x345: {  	v5 =	vadd.f32 v46, v5;
	v46 =	vld [tilespmem:$0x5340]  }
0x346: {  	v6 =	vadd.f32 v49, v6;
	v49 =	vld [tilespmem:$0x1F730]  }
0x347: {  	v9 =	vadd.f32 v58, v9;
	v58 =	vld [tilespmem:$0x5760]  }
0x348: {  	v7 =	vadd.f32 v30, v7;
	v30 =	vld [tilespmem:$0x1F7B0]  }
0x349: {  	v21 =	vadd.f32 v25, v21;
	v25 =	vld [tilespmem:$0x1FC40]  }
0x34a: {  	v5 =	vadd.f32 v51, v5;
	v51 =	vld [tilespmem:$0x5550]  }
0x34b: {  	v6 =	vadd.f32 v57, v6;
	v57 =	vld [tilespmem:$0x5970]  }
0x34c: {  	v9 =	vadd.f32 v24, v9;
	v24 =	vld [tilespmem:$0x1F790]  }
0x34d: {  	v7 =	vadd.f32 v45, v7;
	v45 =	vld [tilespmem:$0x1F7E0]  }
0x34e: {  	v21 =	vadd.f32 v27, v21;
	v27 =	vld [tilespmem:$0x4300]  }
0x34f: {  	v5 =	vadd.f32 v59, v5;
	v59 =	vld [tilespmem:$0x1F760]  }
0x350: {  	v6 =	vadd.f32 v23, v6;
	v23 =	vld [tilespmem:$0x1F780]  }
0x351: {  	v9 =	vadd.f32 v40, v9;
	v40 =	vld [tilespmem:$0x1F7D0]  }
0x352: {  	v7 =	vadd.f32 v54, v7;
	v54 =	vld [tilespmem:$0x1F800]  }
0x353: {  	v21 =	vadd.f32 v29, v21;
	v29 =	vld [tilespmem:$0x4720]  }
0x354: {  	v5 =	vadd.f32 v26, v5;
	v26 =	vld [tilespmem:$0x1F7A0]  }
0x355: {  	v6 =	vadd.f32 v37, v6;
	v37 =	vld [tilespmem:$0x1F7C0]  }
0x356: {  	v9 =	vadd.f32 v49, v9;
	v49 =	vld [tilespmem:$0x42D0]  }
0x357: {  	[tilespmem:$0x1FE10] =	vst v57;
	v57 =	vld [tilespmem:$0x3EB0]  }
0x358: {  	v7 =	vadd.f32 v24, v7;
	v24 =	vld [tilespmem:$0x1F820]  }
0x359: {  	v21 =	vadd.f32 v31, v21;
	v31 =	vld [tilespmem:$0x1FCA0]  }
0x35a: {  	v5 =	vadd.f32 v43, v5;
	v43 =	vld [tilespmem:$0x3CA0]  }
0x35b: {  	v6 =	vadd.f32 v48, v6;
	v48 =	vld [tilespmem:$0x1F7F0]  }
0x35c: {  	v9 =	vadd.f32 v16, v9;
	v16 =	vld [tilespmem:$0x1F810]  }
0x35d: {  	v7 =	vadd.f32 v40, v7;
	v40 =	vld [tilespmem:$0x1F850]  }
0x35e: {  	v21 =	vadd.f32 v33, v21;
	v33 =	vld [tilespmem:$0x4F60]  }
0x35f: {  	v5 =	vadd.f32 v50, v5;
	v50 =	vld [tilespmem:$0x3A90]  }
0x360: {  	v6 =	vadd.f32 v59, v6;
	v59 =	vld [tilespmem:$0x40C0]  }
0x361: {  	v9 =	vadd.f32 v30, v9;
	v30 =	vld [tilespmem:$0x46F0]  }
0x362: {  	[tilespmem:$0x1FE20] =	vst v49;
	v49 =	vld [tilespmem:$0x1F870]  }
0x363: {  	v21 =	vadd.f32 v34, v21;
	v34 =	vld [tilespmem:$0x1FD00]  }
0x364: {  	v5 =	vadd.f32 v23, v5;
	v23 =	vld [tilespmem:$0x44E0]  }
0x365: {  	v6 =	vadd.f32 v26, v6;
	v26 =	vld [tilespmem:$0x1F830]  }
0x366: {  	v9 =	vadd.f32 v48, v9;
	v48 =	vld [tilespmem:$0x1F860]  }
0x367: {  	v7 =	vadd.f32 v16, v7;
	v16 =	vld [tilespmem:$0x1F880]  }
0x368: {  	v21 =	vadd.f32 v35, v21;
	v35 =	vld [tilespmem:$0x1FD10]  }
0x369: {  	v5 =	vadd.f32 v37, v5;
	v37 =	vld [tilespmem:$0x1F840]  }
0x36a: {  	v6 =	vadd.f32 v45, v6;
	v45 =	vld [tilespmem:$0x4900]  }
0x36b: {  	[tilespmem:$0x1FE40] =	vst v30;
	v30 =	vld [tilespmem:$0x1F8B0]  }
0x36c: {  	v7 =	vadd.f32 v40, v7;
	v40 =	vld [tilespmem:$0x1F8C0]  }
0x36d: {  	v21 =	vadd.f32 v39, v21;
	v39 =	vld [tilespmem:$0x1FD40]  }
0x36e: {  	v5 =	vadd.f32 v54, v5;
	v54 =	vld [tilespmem:$0x4B10]  }
0x36f: {  	v6 =	vadd.f32 v24, v6;
	v24 =	vld [tilespmem:$0x4D20]  }
0x370: {  	[tilespmem:$0x1FE30] =	vst v23;
	v23 =	vld [tilespmem:$0x1F890]  }
0x371: {  	v9 =	vadd.f32 v26, v9;
	v26 =	vld [tilespmem:$0x1F8A0]  }
0x372: {  	v21 =	vadd.f32 v41, v21;
	v41 =	vld [tilespmem:$0x1FD70]  }
0x373: {  	v6 =	vadd.f32 v48, v6;
	v48 =	vld [tilespmem:$0x1F8E0]  }
0x374: {  	v5 =	vadd.f32 v37, v5;
	v37 =	vld [tilespmem:$0x4F30]  }
0x375: {  	[tilespmem:$0x1FE50] =	vst v45;
	v45 =	vld [tilespmem:$0x1F8D0]  }
0x376: {  	v9 =	vadd.f32 v49, v9;
	v49 =	vld [tilespmem:$0x5140]  }
0x377: {  	v21 =	vadd.f32 v46, v21;
	v46 =	vld [tilespmem:$0x1FDA0]  }
0x378: {  	[tilespmem:$0x1FE60] =	vst v54;
	v54 =	vld [tilespmem:$0x1F8F0]  }
0x379: {  	v5 =	vadd.f32 v16, v5;
	v16 =	vld [tilespmem:$0x1F910]  }
0x37a: {  	[tilespmem:$0x1FE70] =	vst v24;
	v24 =	vld [tilespmem:$0x1F920]  }
0x37b: {  	v21 =	vadd.f32 v51, v21;
	v51 =	vld [tilespmem:$0x1FDD0]  }
0x37c: {  	v6 =	vadd.f32 v26, v6;
	v26 =	vld [tilespmem:$0x1F930]  }
0x37d: {  	[tilespmem:$0x1FF80] =	vst v5;
	v5 =	vadd.f32 v23, v7;
	v23 =	vld [tilespmem:$0x5350]  }
0x37e: {  	v21 =	vadd.f32 v58, v21;
	v58 =	vld [tilespmem:$0x4730]  }
0x37f: {  	[tilespmem:$0x1FF90] =	vst v6;
	v6 =	vadd.f32 v30, v9;
	v9 =	vld [tilespmem:$0x1F900]  }
0x380: {  	v30 =	vld [tilespmem:$0x1F940]  }
0x381: {  	[tilespmem:$0x1FE80] =	vst v37;
	v37 =	vld [tilespmem:$0x5560]  }
0x382: {  	[tilespmem:$0x1FE90] =	vst v49;
	v49 =	vld [tilespmem:$0x1F970]  }
0x383: {  	v5 =	vadd.f32 v40, v5;
	v40 =	vld [tilespmem:$0x1F950]  }
0x384: {  	v6 =	vadd.f32 v54, v6;
	v54 =	vld [tilespmem:$0x5980]  }
0x385: {  	[tilespmem:$0x1FFA0] =	vst v5;
	v5 =	vadd.f32 v48, v45;
	v45 =	vld [tilespmem:$0x5770]  }
0x386: {  	v48 =	vld [tilespmem:$0x1F960]  }
0x387: {  	[tilespmem:$0x1FEA0] =	vst v23;
	v23 =	vld [tilespmem:$0x1F9A0]  }
0x388: {  	[tilespmem:$0x1FFB0] =	vst v6;
	v6 =	vadd.f32 v16, v9;
	v9 =	vld [tilespmem:$0x1F980]  }
0x389: {  	v5 =	vadd.f32 v24, v5;
	v24 =	vld [tilespmem:$0x3AA0]  }
0x38a: {  	v16 =	vld [tilespmem:$0x1F990]  }
0x38b: {  	v7 =	vadd.f32 v30, v26;
	v26 =	vld [tilespmem:$0x1F9B0]  }
0x38c: {  	v30 =	vld [tilespmem:$0x1F9C0]  }
0x38d: {  	[tilespmem:$0x1FEB0] =	vst v37;
	v37 =	vld [tilespmem:$0x1F9D0]  }
0x38e: {  	v6 =	vadd.f32 v40, v6;
	v40 =	vld [tilespmem:$0x1F9E0]  }
0x38f: {  	[tilespmem:$0x1FED0] =	vst v54;
	v54 =	vld [tilespmem:$0x1FA20]  }
0x390: {  	[tilespmem:$0x1FEC0] =	vst v45;
	v2 =	vadd.f32 v48, v5;
	v5 =	vadd.f32 v49, v7;
	v45 =	vld [tilespmem:$0x1F9F0]  }
0x391: {  	v49 =	vld [tilespmem:$0x1FA10]  }
0x392: {  	v4 =	vadd.f32 v23, v5;
	v23 =	vld [tilespmem:$0x3CB0]  }
0x393: {  	v7 =	vadd.f32 v9, v6;
	v9 =	vld [tilespmem:$0x1FA50]  }
0x394: {  	v2 =	vadd.f32 v16, v2;
	v16 =	vld [tilespmem:$0x1FA80]  }
0x395: {  	v6 =	vld [tilespmem:$0x1FB50]  }
0x396: {  	v5 =	vadd.f32 v26, v7;
	v26 =	vld [tilespmem:$0x3EC0]  }
0x397: {  	v4 =	vadd.f32 v28, v4;
	v28 =	vld [tilespmem:$0x40D0]  }
0x398: {  	v2 =	vadd.f32 v30, v2;
	v30 =	vld [tilespmem:$0x42E0]  }
0x399: {  	v7 =	vld [tilespmem:$0x1FB60]  }
0x39a: {  	v4 =	vadd.f32 v32, v4;
	v32 =	vld [tilespmem:$0x44F0]  }
0x39b: {  	v5 =	vadd.f32 v37, v5;
	v37 =	vld [tilespmem:$0x4700]  }
0x39c: {  	v2 =	vadd.f32 v40, v2;
	v40 =	vld [tilespmem:$0x4910]  }
0x39d: {  	v23 =	vadd.f32 v23, v24;
	v24 =	vld [tilespmem:$0x4B50]  }
0x39e: {  	v48 =	vadd.f32 v42, v4;
	v42 =	vld [tilespmem:$0x4B20]  }
0x39f: {  	v5 =	vadd.f32 v45, v5;
	v45 =	vld [tilespmem:$0x4F40]  }
0x3a0: {  	v2 =	vadd.f32 v47, v2;
	v47 =	vld [tilespmem:$0x5150]  }
0x3a1: {  	v3 =	vadd.f32 v44, v48;
	v44 =	vld [tilespmem:$0x4D30]  }
0x3a2: {  	v48 =	vld [tilespmem:$0x5360]  }
0x3a3: {  	v4 =	vadd.f32 v49, v5;
	v49 =	vld [tilespmem:$0x1FA90]  }
0x3a4: {  	v2 =	vadd.f32 v54, v2;
	v54 =	vld [tilespmem:$0x1FAA0]  }
0x3a5: {  	v5 =	vld [tilespmem:$0x1FB40]  }
0x3a6: {  	v4 =	vadd.f32 v63, v4;
	v63 =	vld [tilespmem:$0x5570]  }
0x3a7: {  	v2 =	vadd.f32 v8, v2;
	v8 =	vld [tilespmem:$0x1FAB0]  }
0x3a8: {  	v3 =	vadd.f32 v9, v3;
	v9 =	vld [tilespmem:$0x1FAC0]  }
0x3a9: {  	v4 =	vadd.f32 v10, v4;
	v10 =	vld [tilespmem:$0x1FAD0]  }
0x3aa: {  	v0 =	vadd.f32 v1, v0;
	v1 =	vadd.f32 v11, v2;
	v11 =	vld [tilespmem:$0x1FAE0]  }
0x3ab: {  	v2 =	vadd.f32 v16, v3;
	v16 =	vld [tilespmem:$0x1FAF0]  }
0x3ac: {  	v0 =	vadd.f32 v54, v0;
	v54 =	vld [tilespmem:$0x5990]  }
0x3ad: {  	v3 =	vadd.f32 v49, v4;
	v49 =	vld [tilespmem:$0x5780]  }
0x3ae: {  	v2 =	vadd.f32 v12, v2;
	v12 =	vld [tilespmem:$0x3AB0]  }
0x3af: {  	v1 =	vadd.f32 v8, v1;
	v8 =	vld [tilespmem:$0x1FB00]  }
0x3b0: {  	v3 =	vadd.f32 v9, v3;
	v9 =	vld [tilespmem:$0x1FB10]  }
0x3b1: {  	v1 =	vadd.f32 v11, v1;
	v11 =	vld [tilespmem:$0x3CC0]  }
0x3b2: {  	v0 =	vadd.f32 v10, v0;
	v2 =	vadd.f32 v16, v2;
	v16 =	vld [tilespmem:$0x1FB30]  }
0x3b3: {  	v10 =	vld [tilespmem:$0x1FB20]  }
0x3b4: {  	v0 =	vadd.f32 v13, v0;
	v13 =	vld [tilespmem:$0x3ED0]  }
0x3b5: {  	v2 =	vadd.f32 v14, v2;
	v14 =	vld [tilespmem:$0x40E0];
	v1 =	vadd.f32 v9, v1  }
0x3b6: {  	v3 =	vadd.f32 v8, v3;
	v8 =	vadd.f32 v15, v0;
	v15 =	vld [tilespmem:$0x42F0]  }
0x3b7: {  	v9 =	vld [tilespmem:$0x4D40];
	v4 =	vadd.f32 v16, v1  }
0x3b8: {  	v8 =	vadd.f32 v6, v8;
	v6 =	vld [tilespmem:$0x1FB80]  }
0x3b9: {  	v1 =	vadd.f32 v7, v4;
	v4 =	vld [tilespmem:$0x1FB70]  }
0x3ba: {  	v3 =	vadd.f32 v10, v3;
	v10 =	vadd.f32 v17, v2;
	v17 =	vld [tilespmem:$0x4710]  }
0x3bb: {  	v2 =	vld [tilespmem:$0x4D50];
	v11 =	vadd.f32 v11, v12  }
0x3bc: {  	v12 =	vadd.f32 v26, v23;
	v23 =	vld [tilespmem:$0x5390];
	v0 =	vadd.f32 v5, v3  }
0x3bd: {  	v16 =	vld [tilespmem:$0x4500]  }
0x3be: {  	v0 =	vadd.f32 v6, v0;
	v6 =	vld [tilespmem:$0x1FBB0];
	v5 =	vadd.f32 v4, v10  }
0x3bf: {  	v7 =	vadd.f32 v18, v8;
	v4 =	vld [tilespmem:$0x1FB90]  }
0x3c0: {  	v19 =	vadd.f32 v19, v5;
	v5 =	vld [tilespmem:$0x1FBA0]  }
0x3c1: {  	[tilespmem:$0x1FFD0] =	vst v0;
	v0 =	vadd.f32 v20, v7;
	v7 =	vld [tilespmem:$0x1FBC0]  }
0x3c2: {  	v3 =	vld [tilespmem:$0x5170]  }
0x3c3: {  	v8 =	vld [tilespmem:$0x1FBD0]  }
0x3c4: {  	v20 =	vld [tilespmem:$0x1FBE0]  }
0x3c5: {  	[tilespmem:$0x1FFC0] =	vst v1;
	v1 =	vadd.f32 v5, v4;
	v4 =	vld [tilespmem:$0x1FBF0]  }
0x3c6: {  	[tilespmem:$0x1FFF0] =	vst v0;
	v0 =	vadd.f32 v7, v6;
	v6 =	vld [tilespmem:$0x1FC10]  }
0x3c7: {  	v5 =	vld [tilespmem:$0x1FC00]  }
0x3c8: {  	v7 =	vld [tilespmem:$0x1FC20];
	v1 =	vadd.f32 v8, v1  }
0x3c9: {  	v11 =	vadd.f32 v13, v11;
	v8 =	vld [tilespmem:$0x1FC30]  }
0x3ca: {  	v13 =	vld [tilespmem:$0x57B0];
	v0 =	vadd.f32 v20, v0;
	v1 =	vadd.f32 v4, v1  }
0x3cb: {  	v4 =	vld [tilespmem:$0x1FC50]  }
0x3cc: {  	v0 =	vadd.f32 v5, v0;
	v5 =	vld [tilespmem:$0x1FC60];
	v1 =	vadd.f32 v6, v1  }
0x3cd: {  	v6 =	vld [tilespmem:$0x1FC70]  }
0x3ce: {  	v18 =	vld [tilespmem:$0x4B30];
	v0 =	vadd.f32 v7, v0;
	v1 =	vadd.f32 v8, v1  }
0x3cf: {  	v14 =	vadd.f32 v14, v11;
	v8 =	vld [tilespmem:$0x1FC90]  }
0x3d0: {  	v11 =	vld [tilespmem:$0x55A0];
	v0 =	vadd.f32 v25, v0;
	v1 =	vadd.f32 v4, v1  }
0x3d1: {  	v10 =	vld [tilespmem:$0x4920]  }
0x3d2: {  	v0 =	vadd.f32 v5, v0;
	v5 =	vld [tilespmem:$0x1FCC0];
	v1 =	vadd.f32 v6, v1  }
0x3d3: {  	v14 =	vadd.f32 v15, v14;
	v7 =	vld [tilespmem:$0x1FC80]  }
0x3d4: {  	v1 =	vadd.f32 v8, v1;
	v8 =	vld [tilespmem:$0x1FCF0]  }
0x3d5: {  	v14 =	vadd.f32 v16, v14;
	v16 =	vld [tilespmem:$0x3CF0]  }
0x3d6: {  	v4 =	vld [tilespmem:$0x1FCB0]  }
0x3d7: {  	v14 =	vadd.f32 v17, v14;
	v17 =	vld [tilespmem:$0x4110];
	v52 =	vadd.f32 v5, v52  }
0x3d8: {  	v0 =	vadd.f32 v7, v0;
	v7 =	vld [tilespmem:$0x1FCE0]  }
0x3d9: {  	v52 =	vadd.f32 v8, v52;
	v8 =	vld [tilespmem:$0x1FD20]  }
0x3da: {  	[tilespmem:$0x1FFE0] =	vst v19;
	v19 =	vld [tilespmem:$0x4F50];
	v10 =	vadd.f32 v10, v14  }
0x3db: {  	v14 =	vld [tilespmem:$0x4530];
	v1 =	vadd.f32 v4, v1  }
0x3dc: {  	v20 =	vld [tilespmem:$0x5370];
	v10 =	vadd.f32 v18, v10  }
0x3dd: {  	v18 =	vld [tilespmem:$0x4950];
	v1 =	vadd.f32 v7, v1  }
0x3de: {  	v9 =	vadd.f32 v9, v10;
	v52 =	vadd.f32 v8, v52;
	v8 =	vld [tilespmem:$0x1FD50]  }
0x3df: {  	v10 =	vld [tilespmem:$0x4D70];
	v1 =	vadd.f32 v35, v1  }
0x3e0: {  	v9 =	vadd.f32 v19, v9;
	v6 =	vld [tilespmem:$0x1FCD0]  }
0x3e1: {  	v19 =	vld [tilespmem:$0x5190];
	v1 =	vadd.f32 v39, v1  }
0x3e2: {  	v9 =	vadd.f32 v38, v9;
	v38 =	vld [tilespmem:$0x1FFA0];
	v0 =	vadd.f32 v31, v0  }
0x3e3: {  	v1 =	vadd.f32 v41, v1;
	v52 =	vadd.f32 v8, v52;
	v8 =	vld [tilespmem:$0x1FD80]  }
0x3e4: {  	v9 =	vadd.f32 v20, v9;
	v35 =	vld [tilespmem:$0x1FD30]  }
0x3e5: {  	v0 =	vadd.f32 v6, v0;
	v1 =	vadd.f32 v46, v1;
	v46 =	vld [tilespmem:$0x1FDB0]  }
0x3e6: {  	v39 =	vld [tilespmem:$0x1FD60]  }
0x3e7: {  	v25 =	vld [tilespmem:$0x3EE0];
	v9 =	vadd.f32 v61, v9;
	v0 =	vadd.f32 v34, v0  }
0x3e8: {  	v41 =	vld [tilespmem:$0x1FD90];
	v52 =	vadd.f32 v8, v52  }
0x3e9: {  	v61 =	vld [tilespmem:$0x4130];
	v9 =	vadd.f32 v60, v9;
	v0 =	vadd.f32 v35, v0  }
0x3ea: {  	v52 =	vadd.f32 v46, v52;
	v46 =	vld [tilespmem:$0x1FDC0]  }
0x3eb: {  	v9 =	vadd.f32 v36, v9;
	v36 =	vld [tilespmem:$0x1FF90];
	v0 =	vadd.f32 v39, v0  }
0x3ec: {  	v31 =	vld [tilespmem:$0x4B40]  }
0x3ed: {  	v4 =	vld [tilespmem:$0x3CE0];
	v0 =	vadd.f32 v41, v0  }
0x3ee: {  	v39 =	vld [tilespmem:$0x3AD0]  }
0x3ef: {  	v0 =	vadd.f32 v46, v0;
	v46 =	vadd.f32 v51, v1;
	v51 =	vld [tilespmem:$0x1FDE0]  }
0x3f0: {  	v41 =	vld [tilespmem:$0x3EF0]  }
0x3f1: {  	v5 =	vld [tilespmem:$0x5590]  }
0x3f2: {  	v6 =	vld [tilespmem:$0x4100]  }
0x3f3: {  	v4 =	vadd.f32 v4, v39;
	v8 =	vld [tilespmem:$0x4310]  }
0x3f4: {  	v1 =	vadd.f32 v51, v52;
	v51 =	vld [tilespmem:$0x1FDF0]  }
0x3f5: {  	v7 =	vld [tilespmem:$0x59B0];
	v4 =	vadd.f32 v41, v4  }
0x3f6: {  	v52 =	vld [tilespmem:$0x4520]  }
0x3f7: {  	v34 =	vld [tilespmem:$0x5380];
	v4 =	vadd.f32 v6, v4  }
0x3f8: {  	v35 =	vld [tilespmem:$0x57A0]  }
0x3f9: {  	v4 =	vadd.f32 v8, v4;
	v0 =	vadd.f32 v51, v0;
	v51 =	vld [tilespmem:$0x1FE00]  }
0x3fa: {  	v39 =	vld [tilespmem:$0x4FA0]  }
0x3fb: {  	v41 =	vld [tilespmem:$0x4340];
	v4 =	vadd.f32 v52, v4  }
0x3fc: {  	v52 =	vld [tilespmem:$0x1FFF0]  }
0x3fd: {  	v4 =	vadd.f32 v58, v4;
	v58 =	vld [tilespmem:$0x4970]  }
0x3fe: {  	v51 =	vadd.f32 v51, v1;
	v1 =	vadd.f32 v43, v50;
	v43 =	vld [tilespmem:$0x4940]  }
0x3ff: {  	v50 =	vld [tilespmem:$0x1FE10]  }
0x400: {  	v1 =	vadd.f32 v57, v1;
	v57 =	vadd.f32 v53, v22;
	v22 =	vld [tilespmem:$0x4F70]  }
0x401: {  	v12 =	vadd.f32 v28, v12;
	v53 =	vld [tilespmem:$0x1FE20]  }
0x402: {  	v59 =	vadd.f32 v59, v1;
	v1 =	vld [tilespmem:$0x5180]  }
0x403: {  	v28 =	vadd.f32 v25, v57;
	v57 =	vadd.f32 v30, v12;
	v30 =	vld [tilespmem:$0x1FE30]  }
0x404: {  	v12 =	vld [tilespmem:$0x59C0]  }
0x405: {  	v50 =	vadd.f32 v50, v21;
	v21 =	vld [tilespmem:$0x4D60]  }
0x406: {  	v4 =	vadd.f32 v43, v4;
	v43 =	vld [tilespmem:$0x51B0]  }
0x407: {  	v32 =	vadd.f32 v32, v57;
	v57 =	vld [tilespmem:$0x1FE60]  }
0x408: {  	v25 =	vadd.f32 v53, v59;
	v59 =	vadd.f32 v55, v28;
	v55 =	vld [tilespmem:$0x1FE40]  }
0x409: {  	v28 =	vld [tilespmem:$0x3F00]  }
0x40a: {  	v15 =	vadd.f32 v37, v32;
	v37 =	vld [tilespmem:$0x1FE90]  }
0x40b: {  	v32 =	vld [tilespmem:$0x53A0]  }
0x40c: {  	v53 =	vadd.f32 v27, v59;
	v27 =	vld [tilespmem:$0x3AE0]  }
0x40d: {  	v25 =	vadd.f32 v30, v25;
	v30 =	vld [tilespmem:$0x4740]  }
0x40e: {  	v59 =	vld [tilespmem:$0x1FE70]  }
0x40f: {  	v15 =	vadd.f32 v40, v15;
	v40 =	vld [tilespmem:$0x1FEA0]  }
0x410: {  	v26 =	vadd.f32 v56, v53;
	v56 =	vld [tilespmem:$0x1FE50]  }
0x411: {  	v53 =	vld [tilespmem:$0x3D10]  }
0x412: {  	v15 =	vadd.f32 v42, v15;
	v42 =	vld [tilespmem:$0x1FEB0]  }
0x413: {  	v25 =	vadd.f32 v55, v25;
	v55 =	vld [tilespmem:$0x3F10]  }
0x414: {  	v26 =	vadd.f32 v29, v26;
	v29 =	vld [tilespmem:$0x4320]  }
0x415: {  	v15 =	vadd.f32 v44, v15;
	v44 =	vld [tilespmem:$0x3AF0]  }
0x416: {  	v26 =	vadd.f32 v62, v26;
	v62 =	vld [tilespmem:$0x1FE80]  }
0x417: {  	v15 =	vadd.f32 v45, v15;
	v45 =	vld [tilespmem:$0x1FEC0]  }
0x418: {  	v25 =	vadd.f32 v56, v25;
	v56 =	vld [tilespmem:$0x3F20]  }
0x419: {  	v26 =	vadd.f32 v31, v26;
	v31 =	vld [tilespmem:$0x4B60]  }
0x41a: {  	v15 =	vadd.f32 v47, v15;
	v47 =	vld [tilespmem:$0x3D00]  }
0x41b: {  	v25 =	vadd.f32 v57, v25;
	v2 =	vadd.f32 v2, v26;
	v26 =	vld [tilespmem:$0x4F80]  }
0x41c: {  	v15 =	vadd.f32 v48, v15;
	v48 =	vld [tilespmem:$0x3B00]  }
0x41d: {  	v25 =	vadd.f32 v59, v25;
	v59 =	vld [tilespmem:$0x4120]  }
0x41e: {  	v2 =	vadd.f32 v33, v2;
	v33 =	vld [tilespmem:$0x55B0]  }
0x41f: {  	v25 =	vadd.f32 v62, v25;
	v62 =	vld [tilespmem:$0x4330]  }
0x420: {  	v15 =	vadd.f32 v63, v15;
	v63 =	vld [tilespmem:$0x1FEE0]  }
0x421: {  	v2 =	vadd.f32 v3, v2;
	v3 =	vld [tilespmem:$0x57C0]  }
0x422: {  	v60 =	vadd.f32 v47, v44;
	v44 =	vld [tilespmem:$0x4540]  }
0x423: {  	v4 =	vadd.f32 v24, v4;
	v47 =	vld [tilespmem:$0x4550]  }
0x424: {  	v15 =	vadd.f32 v49, v15;
	v49 =	vld [tilespmem:$0x1FED0]  }
0x425: {  	v4 =	vadd.f32 v21, v4;
	v25 =	vadd.f32 v37, v25;
	v37 =	vld [tilespmem:$0x4F90]  }
0x426: {  	v2 =	vadd.f32 v34, v2;
	v34 =	vld [tilespmem:$0x1FF80]  }
0x427: {  	v4 =	vadd.f32 v22, v4;
	v15 =	vadd.f32 v54, v15;
	v54 =	vld [tilespmem:$0x4760]  }
0x428: {  	v25 =	vadd.f32 v40, v25;
	v40 =	vadd.f32 v55, v60;
	v55 =	vld [tilespmem:$0x1FF30]  }
0x429: {  	v1 =	vadd.f32 v1, v4;
	v60 =	vld [tilespmem:$0x4B70]  }
0x42a: {  	v2 =	vadd.f32 v5, v2;
	v5 =	vadd.f32 v53, v48;
	v48 =	vld [tilespmem:$0x1FF10]  }
0x42b: {  	v1 =	vadd.f32 v23, v1;
	v57 =	vadd.f32 v16, v27;
	v53 =	vld [tilespmem:$0x1FF20]  }
0x42c: {  	[tilespmem:$0x5A30] =	vst v63;
	v63 =	vld [tilespmem:$0x1FF70];
	v25 =	vadd.f32 v42, v25;
	v2 =	vadd.f32 v35, v2  }
0x42d: {  	v42 =	vld [tilespmem:$0x1FEF0];
	v6 =	vadd.f32 v59, v40;
	v5 =	vadd.f32 v56, v5  }
0x42e: {  	v59 =	vld [tilespmem:$0x1FF50];
	v25 =	vadd.f32 v45, v25;
	v2 =	vadd.f32 v7, v2  }
0x42f: {  	[tilespmem:$0x5AF0] =	vst v38;
	v40 =	vld [tilespmem:$0x1FFB0];
	v7 =	vadd.f32 v28, v57;
	v5 =	vadd.f32 v61, v5  }
0x430: {  	[tilespmem:$0x5BB0] =	vst v9;
	v1 =	vadd.f32 v11, v1;
	v56 =	vld [tilespmem:$0x4960];
	v25 =	vadd.f32 v49, v25  }
0x431: {  	[tilespmem:$0x5AE0] =	vst v36;
	v49 =	vld [tilespmem:$0x4750];
	v7 =	vadd.f32 v17, v7;
	v5 =	vadd.f32 v41, v5  }
0x432: {  	[tilespmem:$0x5B50] =	vst v46;
	v1 =	vadd.f32 v13, v1;
	v35 =	vld [tilespmem:$0x4D90];
	v6 =	vadd.f32 v62, v6  }
0x433: {  	[tilespmem:$0x5B60] =	vst v0;
	v45 =	vld [tilespmem:$0x1FF00];
	v7 =	vadd.f32 v29, v7;
	v5 =	vadd.f32 v47, v5  }
0x434: {  	[tilespmem:$0x5B40] =	vst v52;
	v1 =	vadd.f32 v12, v1;
	v62 =	vld [tilespmem:$0x4B80];
	v6 =	vadd.f32 v44, v6  }
0x435: {  	[tilespmem:$0x5B70] =	vst v51;
	v57 =	vld [tilespmem:$0x1FF40];
	v7 =	vadd.f32 v14, v7;
	v5 =	vadd.f32 v54, v5  }
0x436: {  	[tilespmem:$0x5B80] =	vst v50;
	v61 =	vld [tilespmem:$0x1FF60];
	v6 =	vadd.f32 v49, v6  }
0x437: {  	[tilespmem:$0x5BD0] =	vst v1;
	v7 =	vadd.f32 v30, v7;
	v30 =	vld [tilespmem:$0x4D80];
	v5 =	vadd.f32 v58, v5  }
0x438: {  	[tilespmem:$0x5BA0] =	vst v15;
	v44 =	vld [tilespmem:$0x1FFD0];
	v6 =	vadd.f32 v56, v6  }
0x439: {  	[tilespmem:$0x5A70] =	vst v53;
	v53 =	vld [tilespmem:$0x55C0];
	v7 =	vadd.f32 v18, v7;
	v5 =	vadd.f32 v62, v5  }
0x43a: {  	[tilespmem:$0x5AD0] =	vst v34;
	v41 =	vld [tilespmem:$0x51A0];
	v6 =	vadd.f32 v60, v6  }
0x43b: {  	[tilespmem:$0x5A40] =	vst v42;
	v42 =	vld [tilespmem:$0x1FFC0];
	v7 =	vadd.f32 v31, v7;
	v5 =	vadd.f32 v35, v5  }
0x43c: {  	[tilespmem:$0x5A80] =	vst v55;
	v49 =	vld [tilespmem:$0x53C0];
	v6 =	vadd.f32 v30, v6  }
0x43d: {  	[tilespmem:$0x5A50] =	vst v45;
	v45 =	vld [tilespmem:$0x53B0];
	v7 =	vadd.f32 v10, v7;
	v5 =	vadd.f32 v39, v5  }
0x43e: {  	[tilespmem:$0x5A60] =	vst v48;
	v54 =	vld [tilespmem:$0x55D0];
	v48 =	vadd.f32 v37, v6  }
0x43f: {  	[tilespmem:$0x5AA0] =	vst v59;
	v59 =	vld [tilespmem:$0x59F0];
	v7 =	vadd.f32 v26, v7;
	v5 =	vadd.f32 v43, v5  }
0x440: {  	[tilespmem:$0x5A90] =	vst v57;
	v57 =	vld [tilespmem:$0x57E0];
	v4 =	vadd.f32 v41, v48  }
0x441: {  	[tilespmem:$0x5AC0] =	vst v63;
	v56 =	vld [tilespmem:$0x57D0];
	v7 =	vadd.f32 v19, v7;
	v5 =	vadd.f32 v49, v5  }
0x442: {  	[tilespmem:$0x5B00] =	vst v40;
	v47 =	vld [tilespmem:$0x1FFE0];
	v4 =	vadd.f32 v45, v4  }
0x443: {  	[tilespmem:$0x5BC0] =	vst v2;
	v58 =	vld [tilespmem:$0x59E0];
	v55 =	vadd.f32 v32, v7;
	v60 =	vadd.f32 v54, v5  }
0x444: {  	v20 =	vld [tilespmem:$0x59D0];
	[tilespmem:$0x5B90] =	vst v25;
	v4 =	vadd.f32 v53, v4  }
0x445: {  	[tilespmem:$0x5AB0] =	vst v61;
	v0 =	vadd.f32 v33, v55;
	v61 =	vadd.f32 v57, v60  }
0x446: {  	[tilespmem:$0x5B20] =	vst v44;
	v4 =	vadd.f32 v56, v4  }
0x447: {  	[tilespmem:$0x5B10] =	vst v42;
	v0 =	vadd.f32 v3, v0;
	v63 =	vadd.f32 v59, v61  }
0x448: {  	[tilespmem:$0x5B30] =	vst v47;
	v62 =	vadd.f32 v58, v4  }
0x449: {  	v0 =	vadd.f32 v20, v0;
	[tilespmem:$0x5C00] =	vst v63  }
0x44a: {  	[tilespmem:$0x5BF0] =	vst v62  }
0x44b: {  	s30 =	simm.s32 $0x0;
	s31 =	simm.s32 $0x5A10;
	[tilespmem:$0x5BE0] =	vst v0  }
0x44c: {  	[hbm4b:s1+s30] =	stream.linear.scatter [tilespmem:s31], [sflag:$0x1], $0x200, $0x38;
	[tilespmem:$0x5C10] =	vst v63  }
0x44d: {  	_ =	swait.ge [sflag:s2], $0x200  }
0x44e: {  	[sflag:s2] =	ssyncset.done $0x0  }
0x44f: {  	[sflag:s2] =	ssyncadd.s32 $0xFFFFFE00  }
0x450: {  	_ =	sfence.sel $0x180000  }
0x451: {  	[bflag:$0x0] =	sbarrier.arrive $0xFFFF  }
0x452: {  	_ =	strace $0x90000047  }
0x453: {  	s0 =	sadd.s32 $0x100000, s0;
	[bflag:$0x2] =	sbarrier.arrive $0xFFFF  }
0x454: {  	[sflag:s0] =	ssyncadd.tile.s32 $0x1;
	_ =	shalt  }
.Lfunc_end2:
_tile_overlayer_lowered:
.L_overlay_start_2:
0x455: {  	(tag) =	ssettag $0x2  }
0x456: {  	s0 =	rddreg [dreg:$0x0];
	s2 =	stileid.u32  }
0x457: {  	s1 =	rddreg [dreg:$0x1];
	p0 =	sne.s32 s2, $0x0  }
0x458: {  	s3 =	rddreg [dreg:$0x2];
	[bflag:$0x3] =	sbarrier.arrive $0xFFFF;
	s2 =	simm.s32 @!p0 $0x1C01  }
0x459: {  	[timem:s3], [sflag:s2] =	dma.local @!p0 [hbm:s0], s1  }
0x45a: {  	s0 =	simm.s32 @!p0 $0x1  }
0x45b: {  	_ =	swait.ge @!p0 [sflag:s0], s1  }
0x45c: {  	s1 =	ssub.s32 @!p0 $0x0, s1;
	[sflag:s0] =	ssyncset.done @!p0 $0x0  }
0x45d: {  	[sflag:s0] =	ssyncadd.s32 @!p0 s1  }
0x45e: {  	[bflag:$0x3] =	sbarrier.arrive $0xFFFF  }
0x45f: {  	_ =	shalt  }

</sc_bundles>
